<compile_context>
chip_gen: v7x
topology: tpu7x:2x2x1
jax: 0.10.2.dev20260603
libtpu: 0.0.44.dev20260713+nightly
codegen_flags: <defaults>
</compile_context>

<pallas_src>
import functools

import jax
import jax.numpy as jnp
from jax import lax
from jax.experimental import pallas as pl
from jax.experimental.pallas import tpu as pltpu
from jax.experimental.pallas import tpu_sc as plsc

N = 50000
E = 800000
MOL_IN = 25
DIM = 64
HD = 32
B = 128
STEPS = 3

NC = 2
NS = 16
CHUNK = 128
GROUP = 2
NBANK = 3
NG = 196
KCH = NG * GROUP
E_PAD = NS * CHUNK * KCH
ACC_ROWS = 50048
TROWS = ACC_ROWS // NS

RC = 2000
NBC = N // RC
G_GRID = STEPS * NBC + 1

WSEG = 48

RA = 2000
NBA = N // RA


def _lin0_body(x_ref, wa_ref, wb_ref, b_ref, lo_ref, hi_ref):
    x = x_ref[...]
    b = b_ref[...]
    lo = lax.dot_general(x, wa_ref[...], (((1,), (1,)), ((), ())),
                         preferred_element_type=jnp.float32,
                         precision=lax.Precision.DEFAULT)
    hi = lax.dot_general(x, wb_ref[...], (((1,), (1,)), ((), ())),
                         preferred_element_type=jnp.float32,
                         precision=lax.Precision.DEFAULT)
    lo_ref[...] = jnp.maximum(lo + b[:, 0:HD], 0.0)
    hi_ref[...] = jnp.maximum(hi + b[:, HD:DIM], 0.0)


def _lin0(x, lin0_W, lin0_b):
    wa = lin0_W[0:HD, :]
    wb = lin0_W[HD:DIM, :]
    b2 = lin0_b.reshape(1, DIM)
    return pl.pallas_call(
        _lin0_body,
        grid=(NBA,),
        in_specs=[
            pl.BlockSpec((RA, MOL_IN), lambda i: (i, 0)),
            pl.BlockSpec((HD, MOL_IN), lambda i: (0, 0)),
            pl.BlockSpec((HD, MOL_IN), lambda i: (0, 0)),
            pl.BlockSpec((1, DIM), lambda i: (0, 0)),
        ],
        out_specs=[
            pl.BlockSpec((RA, HD), lambda i: (i, 0)),
            pl.BlockSpec((RA, HD), lambda i: (i, 0)),
        ],
        out_shape=[
            jax.ShapeDtypeStruct((N, HD), jnp.float32),
            jax.ShapeDtypeStruct((N, HD), jnp.float32),
        ],
    )(x, wa, wb, b2)


def _sc_tile_run(tab_hbm, agg_hbm, src2_hbm, dst2_hbm, srcb, dstb, rows,
                 acc, sem_i, sem_r, sem_w, s):
    obase = s * TROWS

    @pl.when(s < NS - 1)
    def _():
        pltpu.sync_copy(tab_hbm.at[pl.ds(obase, TROWS)],
                        acc.at[pl.ds(obase, TROWS)])

    @pl.when(s == NS - 1)
    def _():
        pltpu.sync_copy(tab_hbm.at[pl.ds(obase, N - (NS - 1) * TROWS)],
                        acc.at[pl.ds(obase, N - (NS - 1) * TROWS)])

    plsc.subcore_barrier()

    cbase = s * KCH

    def issue_idx(g, k):
        off = (cbase + g * GROUP) * CHUNK
        for b in range(GROUP):
            pltpu.async_copy(src2_hbm.at[pl.ds(off + b * CHUNK, CHUNK)],
                             srcb[k][b], sem_i)
            pltpu.async_copy(dst2_hbm.at[pl.ds(off + b * CHUNK, CHUNK)],
                             dstb[k][b], sem_i)

    def wait_idx(k):
        for b in range(GROUP):
            pltpu.make_async_copy(src2_hbm.at[pl.ds(0, CHUNK)],
                                  srcb[k][b], sem_i).wait()
            pltpu.make_async_copy(dst2_hbm.at[pl.ds(0, CHUNK)],
                                  dstb[k][b], sem_i).wait()

    def issue_gather(k):
        for b in range(GROUP):
            pltpu.async_copy(tab_hbm.at[srcb[k][b]], rows[k][b], sem_r)

    def wait_gather(k):
        for b in range(GROUP):
            pltpu.make_async_copy(tab_hbm.at[srcb[k][b]], rows[k][b],
                                  sem_r).wait()

    def issue_scatter(k):
        for b in range(GROUP):
            pltpu.async_copy(rows[k][b], acc.at[dstb[k][b]], sem_w,
                             add=True)

    def wait_scatter(k):
        for b in range(GROUP):
            pltpu.make_async_copy(rows[k][b], acc.at[dstb[k][b]],
                                  sem_w).wait()

    issue_idx(0, 0)
    wait_idx(0); issue_gather(0); issue_idx(1, 1)
    wait_idx(1); issue_gather(1); issue_idx(2, 2)
    wait_gather(0); issue_scatter(0)
    wait_idx(2); issue_gather(2)
    wait_scatter(0); issue_idx(3, 0)
    wait_gather(1); issue_scatter(1)

    @pl.loop(0, (NG - 4) // NBANK)
    def _main(go):
        for u in range(NBANK):
            g = 3 + go * NBANK + u
            k, kprev, knext = u, (u - 1) % NBANK, (u + 1) % NBANK
            wait_idx(k); issue_gather(k)
            wait_gather(kprev); issue_scatter(kprev)
            wait_scatter(knext); issue_idx(g + 1, knext)

    wait_idx(0); issue_gather(0)
    wait_gather(2); issue_scatter(2)
    wait_gather(0); issue_scatter(0)
    wait_scatter(1); wait_scatter(2); wait_scatter(0)

    plsc.subcore_barrier()

    pltpu.sync_copy(acc.at[pl.ds(obase, TROWS)],
                    agg_hbm.at[pl.ds(obase, TROWS)])


def _sc_body(lo_hbm, hi_hbm, src2_hbm, dst2_hbm, agg_lo_hbm, agg_hi_hbm,
             *scratch):
    g3 = NBANK * GROUP
    srcb = [list(scratch[k * GROUP:(k + 1) * GROUP]) for k in range(NBANK)]
    dstb = [list(scratch[g3 + k * GROUP:g3 + (k + 1) * GROUP])
            for k in range(NBANK)]
    rows = [list(scratch[2 * g3 + k * GROUP:2 * g3 + (k + 1) * GROUP])
            for k in range(NBANK)]
    acc, sem_i, sem_r, sem_w = scratch[3 * g3:]
    c = lax.axis_index("c")
    s = lax.axis_index("s")

    @pl.when(c == 0)
    def _():
        _sc_tile_run(lo_hbm, agg_lo_hbm, src2_hbm, dst2_hbm, srcb, dstb,
                     rows, acc, sem_i, sem_r, sem_w, s)

    @pl.when(c == 1)
    def _():
        _sc_tile_run(hi_hbm, agg_hi_hbm, src2_hbm, dst2_hbm, srcb, dstb,
                     rows, acc, sem_i, sem_r, sem_w, s)


def _edge_agg_sc(out_lo, out_hi, src2, dst2):
    mesh = plsc.VectorSubcoreMesh(core_axis_name="c", subcore_axis_name="s",
                                  num_cores=NC, num_subcores=NS)
    f = pl.kernel(
        _sc_body,
        out_type=[
            jax.ShapeDtypeStruct((ACC_ROWS, HD), jnp.float32),
            jax.ShapeDtypeStruct((ACC_ROWS, HD), jnp.float32),
        ],
        mesh=mesh,
        compiler_params=pltpu.CompilerParams(use_tc_tiling_on_sc=False),
        scratch_types=(
            [pltpu.VMEM((CHUNK,), jnp.int32)
             for _ in range(2 * NBANK * GROUP)]
            + [pltpu.VMEM((CHUNK, HD), jnp.float32)
               for _ in range(NBANK * GROUP)]
            + [
                pltpu.VMEM_SHARED((ACC_ROWS, HD), jnp.float32),
                pltpu.SemaphoreType.DMA,
                pltpu.SemaphoreType.DMA,
                pltpu.SemaphoreType.DMA,
            ]
        ),
    )
    return f(out_lo, out_hi, src2, dst2)


def _conv_body(hlo_ref, hhi_ref, w1_ref, w2_ref, b_ref, out_ref):
    hlo = hlo_ref[...]
    hhi = hhi_ref[...]
    y = lax.dot_general(hlo, w1_ref[...], (((1,), (1,)), ((), ())),
                        preferred_element_type=jnp.float32,
                         precision=lax.Precision.DEFAULT)
    y = y + lax.dot_general(hhi, w2_ref[...], (((1,), (1,)), ((), ())),
                            preferred_element_type=jnp.float32,
                         precision=lax.Precision.DEFAULT)
    out_ref[...] = jnp.maximum(y + b_ref[...], 0.0)


def _conv(h_lo, h_hi, conv_W, conv_b):
    w1 = conv_W[:, 0:HD]
    w2 = conv_W[:, HD:DIM]
    b2 = conv_b.reshape(1, DIM)
    return pl.pallas_call(
        _conv_body,
        grid=(NBA,),
        in_specs=[
            pl.BlockSpec((RA, HD), lambda i: (i, 0)),
            pl.BlockSpec((RA, HD), lambda i: (i, 0)),
            pl.BlockSpec((DIM, HD), lambda i: (0, 0)),
            pl.BlockSpec((DIM, HD), lambda i: (0, 0)),
            pl.BlockSpec((1, DIM), lambda i: (0, 0)),
        ],
        out_specs=pl.BlockSpec((RA, DIM), lambda i: (i, 0)),
        out_shape=jax.ShapeDtypeStruct((N, DIM), jnp.float32),
    )(h_lo, h_hi, w1, w2, b2)


def _set2set_body(base_ref, x_ref, bt_ref, wih_ref, whh_ref, bg_ref,
                  w1_ref, b1_ref, w2_ref, b2_ref, y_ref,
                  m_ref, ss_ref, r_ref, h_ref, c_ref, qs_ref):
    g = pl.program_id(0)
    j = g % NBC
    is_head = j == 0

    @pl.when(g == 0)
    def _init():
        qs_ref[...] = jnp.zeros_like(qs_ref)
        h_ref[...] = jnp.zeros_like(h_ref)
        c_ref[...] = jnp.zeros_like(c_ref)

    @pl.when(jnp.logical_and(is_head, g > 0))
    def _finalize():
        rv = r_ref[...] / (ss_ref[...] + 1e-16)
        qs_ref[:, 0:DIM] = h_ref[...]
        qs_ref[:, DIM:2 * DIM] = rv

    @pl.when(jnp.logical_and(is_head, g < G_GRID - 1))
    def _lstm():
        gates = lax.dot_general(qs_ref[...], wih_ref[...],
                                (((1,), (1,)), ((), ())),
                                preferred_element_type=jnp.float32,
                                precision=lax.Precision.DEFAULT)
        gates = gates + lax.dot_general(h_ref[...], whh_ref[...],
                                        (((1,), (1,)), ((), ())),
                                        preferred_element_type=jnp.float32,
                                        precision=lax.Precision.DEFAULT)
        gates = gates + bg_ref[...]
        ig = jax.nn.sigmoid(gates[:, 0:DIM])
        fg = jax.nn.sigmoid(gates[:, DIM:2 * DIM])
        gg = jnp.tanh(gates[:, 2 * DIM:3 * DIM])
        og = jax.nn.sigmoid(gates[:, 3 * DIM:4 * DIM])
        cc = fg * c_ref[...] + ig * gg
        c_ref[...] = cc
        h_ref[...] = og * jnp.tanh(cc)
        m_ref[...] = jnp.full_like(m_ref, -1e30)
        ss_ref[...] = jnp.zeros_like(ss_ref)
        r_ref[...] = jnp.zeros_like(r_ref)

    @pl.when(g < G_GRID - 1)
    def _block():
        base = base_ref[j]
        x = x_ref[...]
        bt = bt_ref[0]
        q = h_ref[pl.ds(base, WSEG), :]
        et = lax.dot_general(q, x, (((1,), (1,)), ((), ())),
                             preferred_element_type=jnp.float32,
                             precision=lax.Precision.HIGHEST)
        iot = lax.broadcasted_iota(jnp.int32, (WSEG, RC), 0) + base
        oh = iot == bt
        em = jnp.where(oh, et, -1e30)
        m_old = m_ref[pl.ds(base, WSEG)]
        m_new = jnp.maximum(m_old, jnp.max(em, axis=1, keepdims=True))
        scale = jnp.exp(m_old - m_new)
        p = jnp.exp(em - jnp.maximum(m_new, -1e20))
        ss_ref[pl.ds(base, WSEG)] = (
            ss_ref[pl.ds(base, WSEG)] * scale
            + jnp.sum(p, axis=1, keepdims=True))
        r_ref[pl.ds(base, WSEG), :] = (
            r_ref[pl.ds(base, WSEG), :] * scale
            + lax.dot_general(p, x, (((1,), (0,)), ((), ())),
                              preferred_element_type=jnp.float32,
                              precision=lax.Precision.HIGHEST))
        m_ref[pl.ds(base, WSEG)] = m_new

    @pl.when(g == G_GRID - 1)
    def _out():
        y1 = lax.dot_general(qs_ref[...], w1_ref[...],
                             (((1,), (1,)), ((), ())),
                             preferred_element_type=jnp.float32,
                             precision=lax.Precision.DEFAULT)
        y1 = jnp.maximum(y1 + b1_ref[...], 0.0)
        yt = lax.dot_general(w2_ref[...], y1, (((1,), (1,)), ((), ())),
                             preferred_element_type=jnp.float32,
                             precision=lax.Precision.DEFAULT)
        y_ref[...] = yt + b2_ref[...]


def _set2set(out2, bt3, base8, W_ih, W_hh, b_ih, b_hh, lin1_W, lin1_b,
             lin2_W, lin2_b):
    bg = (b_ih + b_hh).reshape(1, 4 * DIM)
    b1 = lin1_b.reshape(1, DIM)
    b2 = lin2_b.reshape(1, 1)
    y = pl.pallas_call(
        _set2set_body,
        grid_spec=pltpu.PrefetchScalarGridSpec(
            num_scalar_prefetch=1,
            grid=(G_GRID,),
            in_specs=[
                pl.BlockSpec((RC, DIM), lambda g, b8: (g % NBC, 0)),
                pl.BlockSpec((1, 1, RC), lambda g, b8: (g % NBC, 0, 0)),
                pl.BlockSpec((4 * DIM, 2 * DIM), lambda g, b8: (0, 0)),
                pl.BlockSpec((4 * DIM, DIM), lambda g, b8: (0, 0)),
                pl.BlockSpec((1, 4 * DIM), lambda g, b8: (0, 0)),
                pl.BlockSpec((DIM, 2 * DIM), lambda g, b8: (0, 0)),
                pl.BlockSpec((1, DIM), lambda g, b8: (0, 0)),
                pl.BlockSpec((1, DIM), lambda g, b8: (0, 0)),
                pl.BlockSpec((1, 1), lambda g, b8: (0, 0)),
            ],
            out_specs=pl.BlockSpec((1, B), lambda g, b8: (0, 0)),
            scratch_shapes=[
                pltpu.VMEM((B, 1), jnp.float32),
                pltpu.VMEM((B, 1), jnp.float32),
                pltpu.VMEM((B, DIM), jnp.float32),
                pltpu.VMEM((B, DIM), jnp.float32),
                pltpu.VMEM((B, DIM), jnp.float32),
                pltpu.VMEM((B, 2 * DIM), jnp.float32),
            ],
        ),
        out_shape=jax.ShapeDtypeStruct((1, B), jnp.float32),
    )(base8, out2, bt3, W_ih, W_hh, bg, lin1_W, b1, lin2_W, b2)
    return y.reshape(-1)


def kernel(x, edge_index, batch, lin0_W, lin0_b, conv_W, conv_b, W_ih, W_hh,
           b_ih, b_hh, lin1_W, lin1_b, lin2_W, lin2_b):
    src = edge_index[0].astype(jnp.int32)
    dst = edge_index[1].astype(jnp.int32)
    pad = E_PAD - E
    apad = jnp.arange(pad, dtype=jnp.int32)
    src2 = jnp.concatenate([src, (apad * 97) % N])
    dst2 = jnp.concatenate([dst, N + (apad % NS)])
    bt3 = batch.astype(jnp.int32).reshape(NBC, 1, RC)
    base8 = jnp.clip((bt3[:, 0, 0] // 8) * 8, 0, B - WSEG)

    out_lo, out_hi = _lin0(x, lin0_W, lin0_b)
    h_lo, h_hi = _edge_agg_sc(out_lo, out_hi, src2, dst2)
    out2 = _conv(h_lo, h_hi, conv_W, conv_b)
    return _set2set(out2, bt3, base8, W_ih, W_hh, b_ih, b_hh, lin1_W, lin1_b,
                    lin2_W, lin2_b)

# --- scband reference (transcript-rebuilt; emitter-appended) ---
"""Pipeline reference for scband-gin-net-678604832932 (READ-ONLY COPY).

The authoritative reference and input builder live on the scoring server;
editing this copy changes nothing except your own understanding.
"""

import jax, jax.numpy as jnp
import numpy as np

N = 50000
E = 800000
MOL_IN = 25
DIM = 64
OUT_DIM = 1
B = 128
STEPS = 3

def setup_inputs(seed: int = 0) -> dict:
    key = jax.random.key(seed)
    ks = [jax.random.fold_in(key, i) for i in range(16)]
    x = jax.random.normal(ks[0], (N, MOL_IN), dtype=jnp.float32)
    edge_index = jax.random.randint(ks[1], (2, E), 0, N, dtype=jnp.int64)
    batch = jnp.sort(jax.random.randint(ks[2], (N,), 0, B, dtype=jnp.int64))
    def glorot(k, shape):
        fan_in = shape[-1]
        return jax.random.normal(k, shape, dtype=jnp.float32) * (1.0 / np.sqrt(fan_in))
    lin0_W = glorot(ks[3], (DIM, MOL_IN)); lin0_b = jnp.zeros((DIM,), jnp.float32)
    conv_W = glorot(ks[4], (DIM, DIM)); conv_b = jnp.zeros((DIM,), jnp.float32)
    W_ih = glorot(ks[5], (4 * DIM, 2 * DIM)); W_hh = glorot(ks[6], (4 * DIM, DIM))
    b_ih = jnp.zeros((4 * DIM,), jnp.float32); b_hh = jnp.zeros((4 * DIM,), jnp.float32)
    lin1_W = glorot(ks[7], (DIM, 2 * DIM)); lin1_b = jnp.zeros((DIM,), jnp.float32)
    lin2_W = glorot(ks[8], (OUT_DIM, DIM)); lin2_b = jnp.zeros((OUT_DIM,), jnp.float32)
    return {"x": x, "edge_index": edge_index, "batch": batch,
            "lin0_W": lin0_W, "lin0_b": lin0_b, "conv_W": conv_W, "conv_b": conv_b,
            "W_ih": W_ih, "W_hh": W_hh, "b_ih": b_ih, "b_hh": b_hh,
            "lin1_W": lin1_W, "lin1_b": lin1_b, "lin2_W": lin2_W, "lin2_b": lin2_b}

def _forward(x, edge_index, batch, lin0_W, lin0_b, conv_W, conv_b,
             W_ih, W_hh, b_ih, b_hh, lin1_W, lin1_b, lin2_W, lin2_b):
    out = jax.nn.relu(x @ lin0_W.T + lin0_b)
    src = edge_index[0]; dst = edge_index[1]
    agg = jnp.zeros((N, DIM), out.dtype).at[dst].add(out[src])
    # GINConv (eps=0): nn((1+eps)*x + sum_neighbors)
    out = jax.nn.relu((out + agg) @ conv_W.T + conv_b)
    # Set2Set, processing_steps=3
    h = jnp.zeros((B, DIM), out.dtype)
    c = jnp.zeros((B, DIM), out.dtype)
    q_star = jnp.zeros((B, 2 * DIM), out.dtype)
    for _ in range(STEPS):
        gates = q_star @ W_ih.T + b_ih + h @ W_hh.T + b_hh
        i = jax.nn.sigmoid(gates[:, 0:DIM])
        f = jax.nn.sigmoid(gates[:, DIM:2 * DIM])
        g = jnp.tanh(gates[:, 2 * DIM:3 * DIM])
        o = jax.nn.sigmoid(gates[:, 3 * DIM:4 * DIM])
        c = f * c + i * g
        h = o * jnp.tanh(c)
        q = h
        e = jnp.sum(out * q[batch], axis=-1)
        e_max = jax.ops.segment_max(e, batch, num_segments=B)
        e_max = jnp.where(jnp.isfinite(e_max), e_max, 0.0)
        a = jnp.exp(e - e_max[batch])
        denom = jax.ops.segment_sum(a, batch, num_segments=B)
        a = a / (denom[batch] + 1e-16)
        r = jax.ops.segment_sum(a[:, None] * out, batch, num_segments=B)
        q_star = jnp.concatenate([q, r], axis=-1)
    y = jax.nn.relu(q_star @ lin1_W.T + lin1_b)
    y = y @ lin2_W.T + lin2_b
    return y.reshape(-1)

def reference(x, edge_index, batch, lin0_W, lin0_b, conv_W, conv_b,
              W_ih, W_hh, b_ih, b_hh, lin1_W, lin1_b, lin2_W, lin2_b):
    return _forward(x, edge_index, batch, lin0_W, lin0_b, conv_W, conv_b,
                    W_ih, W_hh, b_ih, b_hh, lin1_W, lin1_b, lin2_W, lin2_b)

if __name__ == "__main__":
    import jax
    _d = setup_inputs()
    print(jax.jit(kernel)(*tuple(_d.values())))

</pallas_src>

<mosaic_0001>
#map = affine_map<(d0, d1) -> (0, 0)>
#map1 = affine_map<(d0, d1) -> (0)>
module attributes {stable_mosaic.version = 14 : i64} {
  func.func @_sc_body(%arg0: i32, %arg1: i32, %arg2: memref<50000x32xf32, #tpu.memory_space<hbm>>, %arg3: memref<50000x32xf32, #tpu.memory_space<hbm>>, %arg4: memref<802816xi32, #tpu.memory_space<hbm>>, %arg5: memref<802816xi32, #tpu.memory_space<hbm>>, %arg6: memref<50048x32xf32, #tpu.memory_space<hbm>>, %arg7: memref<50048x32xf32, #tpu.memory_space<hbm>>, %arg8: memref<128xi32, #tpu.memory_space<vmem>>, %arg9: memref<128xi32, #tpu.memory_space<vmem>>, %arg10: memref<128xi32, #tpu.memory_space<vmem>>, %arg11: memref<128xi32, #tpu.memory_space<vmem>>, %arg12: memref<128xi32, #tpu.memory_space<vmem>>, %arg13: memref<128xi32, #tpu.memory_space<vmem>>, %arg14: memref<128xi32, #tpu.memory_space<vmem>>, %arg15: memref<128xi32, #tpu.memory_space<vmem>>, %arg16: memref<128xi32, #tpu.memory_space<vmem>>, %arg17: memref<128xi32, #tpu.memory_space<vmem>>, %arg18: memref<128xi32, #tpu.memory_space<vmem>>, %arg19: memref<128xi32, #tpu.memory_space<vmem>>, %arg20: memref<128x32xf32, #tpu.memory_space<vmem>>, %arg21: memref<128x32xf32, #tpu.memory_space<vmem>>, %arg22: memref<128x32xf32, #tpu.memory_space<vmem>>, %arg23: memref<128x32xf32, #tpu.memory_space<vmem>>, %arg24: memref<128x32xf32, #tpu.memory_space<vmem>>, %arg25: memref<128x32xf32, #tpu.memory_space<vmem>>, %arg26: memref<50048x32xf32, #tpu.memory_space<vmem_shared>>, %arg27: memref<!tpu.dma_semaphore, #tpu.memory_space<semaphore_mem>>, %arg28: memref<!tpu.dma_semaphore, #tpu.memory_space<semaphore_mem>>, %arg29: memref<!tpu.dma_semaphore, #tpu.memory_space<semaphore_mem>>) attributes {dimension_semantics = [#tpu.dimension_semantics<core_parallel>, #tpu.dimension_semantics<subcore_parallel>], iteration_bounds = array<i64: 2, 16>, scalar_prefetch = 0 : i64, scratch_operands = 22 : i64, tpu.core_type = #tpu.core_type<sc_vector_subcore>, window_params = [{transform_indices = #map}, {transform_indices = #map}, {transform_indices = #map1}, {transform_indices = #map1}, {transform_indices = #map}, {transform_indices = #map}]} {
    %eq3A = arith.constant 0 : i32
    %eq3A_0 = arith.cmpi eq, %arg0, %eq3A : i32
    %convert_element_type3A = arith.extui %eq3A_0 : i1 to i32
    %cond3A = arith.constant 0 : i32
    %cond3A_1 = arith.cmpi ne, %convert_element_type3A, %cond3A : i32
    scf.if %cond3A_1 {
      %mul3A = arith.constant 3128 : i32
      %mul3A_7 = arith.muli %arg1, %mul3A : i32
      %lt3A = arith.constant 15 : i32
      %lt3A_8 = arith.cmpi slt, %arg1, %lt3A : i32
      %convert_element_type3A_9 = arith.extui %lt3A_8 : i1 to i32
      %cond3A_10 = arith.constant 0 : i32
      %cond3A_11 = arith.cmpi ne, %convert_element_type3A_9, %cond3A_10 : i32
      scf.if %cond3A_11 {
        "tpu.region"() ({
          %run_scoped3A = tpu.sem_alloc : memref<!tpu.dma_semaphore, #tpu.memory_space<semaphore_mem>>
          %dma_start3A_261 = arith.constant 0 : i32
          %dma_start3A_262 = tpu.memref_slice %arg26[%mul3A_7, %dma_start3A_261] : memref<50048x32xf32, #tpu.memory_space<vmem_shared>> -> memref<3128x32xf32, #tpu.memory_space<vmem_shared>>
          %dma_start3A_263 = arith.constant 0 : i32
          %dma_start3A_264 = tpu.memref_slice %arg2[%mul3A_7, %dma_start3A_263] : memref<50000x32xf32, #tpu.memory_space<hbm>> -> memref<3128x32xf32, #tpu.memory_space<hbm>>
          tpu.enqueue_dma source(%dma_start3A_264 : memref<3128x32xf32, #tpu.memory_space<hbm>>) target(%dma_start3A_262 : memref<3128x32xf32, #tpu.memory_space<vmem_shared>>) target_semaphore(%run_scoped3A : memref<!tpu.dma_semaphore, #tpu.memory_space<semaphore_mem>>)
          %dma_wait3A_265 = arith.constant 0 : i32
          %dma_wait3A_266 = tpu.memref_slice %arg26[%mul3A_7, %dma_wait3A_265] : memref<50048x32xf32, #tpu.memory_space<vmem_shared>> -> memref<3128x32xf32, #tpu.memory_space<vmem_shared>>
          %dma_wait3A_267 = arith.constant 0 : i32
          %dma_wait3A_268 = tpu.memref_slice %arg2[%mul3A_7, %dma_wait3A_267] : memref<50000x32xf32, #tpu.memory_space<hbm>> -> memref<3128x32xf32, #tpu.memory_space<hbm>>
          tpu.wait_dma2 semaphore(%run_scoped3A : memref<!tpu.dma_semaphore, #tpu.memory_space<semaphore_mem>>) src(%dma_wait3A_268 : memref<3128x32xf32, #tpu.memory_space<hbm>>) dst(%dma_wait3A_266 : memref<3128x32xf32, #tpu.memory_space<vmem_shared>>)
          tpu.yield
        }) : () -> ()
      } else {
      }
      %eq3A_12 = arith.constant 15 : i32
      %eq3A_13 = arith.cmpi eq, %arg1, %eq3A_12 : i32
      %convert_element_type3A_14 = arith.extui %eq3A_13 : i1 to i32
      %cond3A_15 = arith.constant 0 : i32
      %cond3A_16 = arith.cmpi ne, %convert_element_type3A_14, %cond3A_15 : i32
      scf.if %cond3A_16 {
        "tpu.region"() ({
          %run_scoped3A = tpu.sem_alloc : memref<!tpu.dma_semaphore, #tpu.memory_space<semaphore_mem>>
          %dma_start3A_261 = arith.constant 0 : i32
          %dma_start3A_262 = tpu.memref_slice %arg26[%mul3A_7, %dma_start3A_261] : memref<50048x32xf32, #tpu.memory_space<vmem_shared>> -> memref<3080x32xf32, #tpu.memory_space<vmem_shared>>
          %dma_start3A_263 = arith.constant 0 : i32
          %dma_start3A_264 = tpu.memref_slice %arg2[%mul3A_7, %dma_start3A_263] : memref<50000x32xf32, #tpu.memory_space<hbm>> -> memref<3080x32xf32, #tpu.memory_space<hbm>>
          tpu.enqueue_dma source(%dma_start3A_264 : memref<3080x32xf32, #tpu.memory_space<hbm>>) target(%dma_start3A_262 : memref<3080x32xf32, #tpu.memory_space<vmem_shared>>) target_semaphore(%run_scoped3A : memref<!tpu.dma_semaphore, #tpu.memory_space<semaphore_mem>>)
          %dma_wait3A_265 = arith.constant 0 : i32
          %dma_wait3A_266 = tpu.memref_slice %arg26[%mul3A_7, %dma_wait3A_265] : memref<50048x32xf32, #tpu.memory_space<vmem_shared>> -> memref<3080x32xf32, #tpu.memory_space<vmem_shared>>
          %dma_wait3A_267 = arith.constant 0 : i32
          %dma_wait3A_268 = tpu.memref_slice %arg2[%mul3A_7, %dma_wait3A_267] : memref<50000x32xf32, #tpu.memory_space<hbm>> -> memref<3080x32xf32, #tpu.memory_space<hbm>>
          tpu.wait_dma2 semaphore(%run_scoped3A : memref<!tpu.dma_semaphore, #tpu.memory_space<semaphore_mem>>) src(%dma_wait3A_268 : memref<3080x32xf32, #tpu.memory_space<hbm>>) dst(%dma_wait3A_266 : memref<3080x32xf32, #tpu.memory_space<vmem_shared>>)
          tpu.yield
        }) : () -> ()
      } else {
      }
      %barrier3A = arith.constant 0 : index
      tpu.barrier barrier_id(%barrier3A)
      %mul3A_17 = arith.constant 392 : i32
      %mul3A_18 = arith.muli %arg1, %mul3A_17 : i32
      %add3A = arith.constant 0 : i32
      %add3A_19 = arith.addi %mul3A_18, %add3A : i32
      %mul3A_20 = arith.constant 128 : i32
      %mul3A_21 = arith.muli %add3A_19, %mul3A_20 : i32
      %add3A_22 = arith.constant 0 : i32
      %add3A_23 = arith.addi %mul3A_21, %add3A_22 : i32
      %dma_start3A = tpu.memref_slice %arg4[%add3A_23] : memref<802816xi32, #tpu.memory_space<hbm>> -> memref<128xi32, #tpu.memory_space<hbm>>
      %dma_start3A_24 = tpu.memref_slice %arg4[%add3A_23] : memref<802816xi32, #tpu.memory_space<hbm>> -> memref<128xi32, #tpu.memory_space<hbm>>
      tpu.enqueue_dma source(%dma_start3A_24 : memref<128xi32, #tpu.memory_space<hbm>>) target(%arg8 : memref<128xi32, #tpu.memory_space<vmem>>) target_semaphore(%arg27 : memref<!tpu.dma_semaphore, #tpu.memory_space<semaphore_mem>>)
      %add3A_25 = arith.constant 0 : i32
      %add3A_26 = arith.addi %mul3A_21, %add3A_25 : i32
      %dma_start3A_27 = tpu.memref_slice %arg5[%add3A_26] : memref<802816xi32, #tpu.memory_space<hbm>> -> memref<128xi32, #tpu.memory_space<hbm>>
      %dma_start3A_28 = tpu.memref_slice %arg5[%add3A_26] : memref<802816xi32, #tpu.memory_space<hbm>> -> memref<128xi32, #tpu.memory_space<hbm>>
      tpu.enqueue_dma source(%dma_start3A_28 : memref<128xi32, #tpu.memory_space<hbm>>) target(%arg14 : memref<128xi32, #tpu.memory_space<vmem>>) target_semaphore(%arg27 : memref<!tpu.dma_semaphore, #tpu.memory_space<semaphore_mem>>)
      %add3A_29 = arith.constant 128 : i32
      %add3A_30 = arith.addi %mul3A_21, %add3A_29 : i32
      %dma_start3A_31 = tpu.memref_slice %arg4[%add3A_30] : memref<802816xi32, #tpu.memory_space<hbm>> -> memref<128xi32, #tpu.memory_space<hbm>>
      %dma_start3A_32 = tpu.memref_slice %arg4[%add3A_30] : memref<802816xi32, #tpu.memory_space<hbm>> -> memref<128xi32, #tpu.memory_space<hbm>>
      tpu.enqueue_dma source(%dma_start3A_32 : memref<128xi32, #tpu.memory_space<hbm>>) target(%arg9 : memref<128xi32, #tpu.memory_space<vmem>>) target_semaphore(%arg27 : memref<!tpu.dma_semaphore, #tpu.memory_space<semaphore_mem>>)
      %add3A_33 = arith.constant 128 : i32
      %add3A_34 = arith.addi %mul3A_21, %add3A_33 : i32
      %dma_start3A_35 = tpu.memref_slice %arg5[%add3A_34] : memref<802816xi32, #tpu.memory_space<hbm>> -> memref<128xi32, #tpu.memory_space<hbm>>
      %dma_start3A_36 = tpu.memref_slice %arg5[%add3A_34] : memref<802816xi32, #tpu.memory_space<hbm>> -> memref<128xi32, #tpu.memory_space<hbm>>
      tpu.enqueue_dma source(%dma_start3A_36 : memref<128xi32, #tpu.memory_space<hbm>>) target(%arg15 : memref<128xi32, #tpu.memory_space<vmem>>) target_semaphore(%arg27 : memref<!tpu.dma_semaphore, #tpu.memory_space<semaphore_mem>>)
      %dma_wait3A = arith.constant 0 : i32
      %dma_wait3A_37 = tpu.memref_slice %arg4[%dma_wait3A] : memref<802816xi32, #tpu.memory_space<hbm>> -> memref<128xi32, #tpu.memory_space<hbm>>
      %dma_wait3A_38 = arith.constant 0 : i32
      %dma_wait3A_39 = tpu.memref_slice %arg4[%dma_wait3A_38] : memref<802816xi32, #tpu.memory_space<hbm>> -> memref<128xi32, #tpu.memory_space<hbm>>
      tpu.wait_dma2 semaphore(%arg27 : memref<!tpu.dma_semaphore, #tpu.memory_space<semaphore_mem>>) src(%dma_wait3A_39 : memref<128xi32, #tpu.memory_space<hbm>>) dst(%arg8 : memref<128xi32, #tpu.memory_space<vmem>>)
      %dma_wait3A_40 = arith.constant 0 : i32
      %dma_wait3A_41 = tpu.memref_slice %arg5[%dma_wait3A_40] : memref<802816xi32, #tpu.memory_space<hbm>> -> memref<128xi32, #tpu.memory_space<hbm>>
      %dma_wait3A_42 = arith.constant 0 : i32
      %dma_wait3A_43 = tpu.memref_slice %arg5[%dma_wait3A_42] : memref<802816xi32, #tpu.memory_space<hbm>> -> memref<128xi32, #tpu.memory_space<hbm>>
      tpu.wait_dma2 semaphore(%arg27 : memref<!tpu.dma_semaphore, #tpu.memory_space<semaphore_mem>>) src(%dma_wait3A_43 : memref<128xi32, #tpu.memory_space<hbm>>) dst(%arg14 : memref<128xi32, #tpu.memory_space<vmem>>)
      %dma_wait3A_44 = arith.constant 0 : i32
      %dma_wait3A_45 = tpu.memref_slice %arg4[%dma_wait3A_44] : memref<802816xi32, #tpu.memory_space<hbm>> -> memref<128xi32, #tpu.memory_space<hbm>>
      %dma_wait3A_46 = arith.constant 0 : i32
      %dma_wait3A_47 = tpu.memref_slice %arg4[%dma_wait3A_46] : memref<802816xi32, #tpu.memory_space<hbm>> -> memref<128xi32, #tpu.memory_space<hbm>>
      tpu.wait_dma2 semaphore(%arg27 : memref<!tpu.dma_semaphore, #tpu.memory_space<semaphore_mem>>) src(%dma_wait3A_47 : memref<128xi32, #tpu.memory_space<hbm>>) dst(%arg9 : memref<128xi32, #tpu.memory_space<vmem>>)
      %dma_wait3A_48 = arith.constant 0 : i32
      %dma_wait3A_49 = tpu.memref_slice %arg5[%dma_wait3A_48] : memref<802816xi32, #tpu.memory_space<hbm>> -> memref<128xi32, #tpu.memory_space<hbm>>
      %dma_wait3A_50 = arith.constant 0 : i32
      %dma_wait3A_51 = tpu.memref_slice %arg5[%dma_wait3A_50] : memref<802816xi32, #tpu.memory_space<hbm>> -> memref<128xi32, #tpu.memory_space<hbm>>
      tpu.wait_dma2 semaphore(%arg27 : memref<!tpu.dma_semaphore, #tpu.memory_space<semaphore_mem>>) src(%dma_wait3A_51 : memref<128xi32, #tpu.memory_space<hbm>>) dst(%arg15 : memref<128xi32, #tpu.memory_space<vmem>>)
      %dma_start3A_52 = arith.constant 0 : i32
      %dma_start3A_53 = arith.constant 0 : i32
      %dma_start3A_54 = tpu.memref_slice %arg2[%dma_start3A_52, %dma_start3A_53] : memref<50000x32xf32, #tpu.memory_space<hbm>> -> memref<50000x32xf32, #tpu.memory_space<hbm>>
      tpu.enqueue_indirect_dma source(%dma_start3A_54 : memref<50000x32xf32, #tpu.memory_space<hbm>>) target(%arg20 : memref<128x32xf32, #tpu.memory_space<vmem>>) offsets(%arg8 : memref<128xi32, #tpu.memory_space<vmem>>) semaphore(%arg28 : memref<!tpu.dma_semaphore, #tpu.memory_space<semaphore_mem>>)
      %dma_start3A_55 = arith.constant 0 : i32
      %dma_start3A_56 = arith.constant 0 : i32
      %dma_start3A_57 = tpu.memref_slice %arg2[%dma_start3A_55, %dma_start3A_56] : memref<50000x32xf32, #tpu.memory_space<hbm>> -> memref<50000x32xf32, #tpu.memory_space<hbm>>
      tpu.enqueue_indirect_dma source(%dma_start3A_57 : memref<50000x32xf32, #tpu.memory_space<hbm>>) target(%arg21 : memref<128x32xf32, #tpu.memory_space<vmem>>) offsets(%arg9 : memref<128xi32, #tpu.memory_space<vmem>>) semaphore(%arg28 : memref<!tpu.dma_semaphore, #tpu.memory_space<semaphore_mem>>)
      %add3A_58 = arith.constant 2 : i32
      %add3A_59 = arith.addi %mul3A_18, %add3A_58 : i32
      %mul3A_60 = arith.constant 128 : i32
      %mul3A_61 = arith.muli %add3A_59, %mul3A_60 : i32
      %add3A_62 = arith.constant 0 : i32
      %add3A_63 = arith.addi %mul3A_61, %add3A_62 : i32
      %dma_start3A_64 = tpu.memref_slice %arg4[%add3A_63] : memref<802816xi32, #tpu.memory_space<hbm>> -> memref<128xi32, #tpu.memory_space<hbm>>
      %dma_start3A_65 = tpu.memref_slice %arg4[%add3A_63] : memref<802816xi32, #tpu.memory_space<hbm>> -> memref<128xi32, #tpu.memory_space<hbm>>
      tpu.enqueue_dma source(%dma_start3A_65 : memref<128xi32, #tpu.memory_space<hbm>>) target(%arg10 : memref<128xi32, #tpu.memory_space<vmem>>) target_semaphore(%arg27 : memref<!tpu.dma_semaphore, #tpu.memory_space<semaphore_mem>>)
      %add3A_66 = arith.constant 0 : i32
      %add3A_67 = arith.addi %mul3A_61, %add3A_66 : i32
      %dma_start3A_68 = tpu.memref_slice %arg5[%add3A_67] : memref<802816xi32, #tpu.memory_space<hbm>> -> memref<128xi32, #tpu.memory_space<hbm>>
      %dma_start3A_69 = tpu.memref_slice %arg5[%add3A_67] : memref<802816xi32, #tpu.memory_space<hbm>> -> memref<128xi32, #tpu.memory_space<hbm>>
      tpu.enqueue_dma source(%dma_start3A_69 : memref<128xi32, #tpu.memory_space<hbm>>) target(%arg16 : memref<128xi32, #tpu.memory_space<vmem>>) target_semaphore(%arg27 : memref<!tpu.dma_semaphore, #tpu.memory_space<semaphore_mem>>)
      %add3A_70 = arith.constant 128 : i32
      %add3A_71 = arith.addi %mul3A_61, %add3A_70 : i32
      %dma_start3A_72 = tpu.memref_slice %arg4[%add3A_71] : memref<802816xi32, #tpu.memory_space<hbm>> -> memref<128xi32, #tpu.memory_space<hbm>>
      %dma_start3A_73 = tpu.memref_slice %arg4[%add3A_71] : memref<802816xi32, #tpu.memory_space<hbm>> -> memref<128xi32, #tpu.memory_space<hbm>>
      tpu.enqueue_dma source(%dma_start3A_73 : memref<128xi32, #tpu.memory_space<hbm>>) target(%arg11 : memref<128xi32, #tpu.memory_space<vmem>>) target_semaphore(%arg27 : memref<!tpu.dma_semaphore, #tpu.memory_space<semaphore_mem>>)
      %add3A_74 = arith.constant 128 : i32
      %add3A_75 = arith.addi %mul3A_61, %add3A_74 : i32
      %dma_start3A_76 = tpu.memref_slice %arg5[%add3A_75] : memref<802816xi32, #tpu.memory_space<hbm>> -> memref<128xi32, #tpu.memory_space<hbm>>
      %dma_start3A_77 = tpu.memref_slice %arg5[%add3A_75] : memref<802816xi32, #tpu.memory_space<hbm>> -> memref<128xi32, #tpu.memory_space<hbm>>
      tpu.enqueue_dma source(%dma_start3A_77 : memref<128xi32, #tpu.memory_space<hbm>>) target(%arg17 : memref<128xi32, #tpu.memory_space<vmem>>) target_semaphore(%arg27 : memref<!tpu.dma_semaphore, #tpu.memory_space<semaphore_mem>>)
      %dma_wait3A_78 = arith.constant 0 : i32
      %dma_wait3A_79 = tpu.memref_slice %arg4[%dma_wait3A_78] : memref<802816xi32, #tpu.memory_space<hbm>> -> memref<128xi32, #tpu.memory_space<hbm>>
      %dma_wait3A_80 = arith.constant 0 : i32
      %dma_wait3A_81 = tpu.memref_slice %arg4[%dma_wait3A_80] : memref<802816xi32, #tpu.memory_space<hbm>> -> memref<128xi32, #tpu.memory_space<hbm>>
      tpu.wait_dma2 semaphore(%arg27 : memref<!tpu.dma_semaphore, #tpu.memory_space<semaphore_mem>>) src(%dma_wait3A_81 : memref<128xi32, #tpu.memory_space<hbm>>) dst(%arg10 : memref<128xi32, #tpu.memory_space<vmem>>)
      %dma_wait3A_82 = arith.constant 0 : i32
      %dma_wait3A_83 = tpu.memref_slice %arg5[%dma_wait3A_82] : memref<802816xi32, #tpu.memory_space<hbm>> -> memref<128xi32, #tpu.memory_space<hbm>>
      %dma_wait3A_84 = arith.constant 0 : i32
      %dma_wait3A_85 = tpu.memref_slice %arg5[%dma_wait3A_84] : memref<802816xi32, #tpu.memory_space<hbm>> -> memref<128xi32, #tpu.memory_space<hbm>>
      tpu.wait_dma2 semaphore(%arg27 : memref<!tpu.dma_semaphore, #tpu.memory_space<semaphore_mem>>) src(%dma_wait3A_85 : memref<128xi32, #tpu.memory_space<hbm>>) dst(%arg16 : memref<128xi32, #tpu.memory_space<vmem>>)
      %dma_wait3A_86 = arith.constant 0 : i32
      %dma_wait3A_87 = tpu.memref_slice %arg4[%dma_wait3A_86] : memref<802816xi32, #tpu.memory_space<hbm>> -> memref<128xi32, #tpu.memory_space<hbm>>
      %dma_wait3A_88 = arith.constant 0 : i32
      %dma_wait3A_89 = tpu.memref_slice %arg4[%dma_wait3A_88] : memref<802816xi32, #tpu.memory_space<hbm>> -> memref<128xi32, #tpu.memory_space<hbm>>
      tpu.wait_dma2 semaphore(%arg27 : memref<!tpu.dma_semaphore, #tpu.memory_space<semaphore_mem>>) src(%dma_wait3A_89 : memref<128xi32, #tpu.memory_space<hbm>>) dst(%arg11 : memref<128xi32, #tpu.memory_space<vmem>>)
      %dma_wait3A_90 = arith.constant 0 : i32
      %dma_wait3A_91 = tpu.memref_slice %arg5[%dma_wait3A_90] : memref<802816xi32, #tpu.memory_space<hbm>> -> memref<128xi32, #tpu.memory_space<hbm>>
      %dma_wait3A_92 = arith.constant 0 : i32
      %dma_wait3A_93 = tpu.memref_slice %arg5[%dma_wait3A_92] : memref<802816xi32, #tpu.memory_space<hbm>> -> memref<128xi32, #tpu.memory_space<hbm>>
      tpu.wait_dma2 semaphore(%arg27 : memref<!tpu.dma_semaphore, #tpu.memory_space<semaphore_mem>>) src(%dma_wait3A_93 : memref<128xi32, #tpu.memory_space<hbm>>) dst(%arg17 : memref<128xi32, #tpu.memory_space<vmem>>)
      %dma_start3A_94 = arith.constant 0 : i32
      %dma_start3A_95 = arith.constant 0 : i32
      %dma_start3A_96 = tpu.memref_slice %arg2[%dma_start3A_94, %dma_start3A_95] : memref<50000x32xf32, #tpu.memory_space<hbm>> -> memref<50000x32xf32, #tpu.memory_space<hbm>>
      tpu.enqueue_indirect_dma source(%dma_start3A_96 : memref<50000x32xf32, #tpu.memory_space<hbm>>) target(%arg22 : memref<128x32xf32, #tpu.memory_space<vmem>>) offsets(%arg10 : memref<128xi32, #tpu.memory_space<vmem>>) semaphore(%arg28 : memref<!tpu.dma_semaphore, #tpu.memory_space<semaphore_mem>>)
      %dma_start3A_97 = arith.constant 0 : i32
      %dma_start3A_98 = arith.constant 0 : i32
      %dma_start3A_99 = tpu.memref_slice %arg2[%dma_start3A_97, %dma_start3A_98] : memref<50000x32xf32, #tpu.memory_space<hbm>> -> memref<50000x32xf32, #tpu.memory_space<hbm>>
      tpu.enqueue_indirect_dma source(%dma_start3A_99 : memref<50000x32xf32, #tpu.memory_space<hbm>>) target(%arg23 : memref<128x32xf32, #tpu.memory_space<vmem>>) offsets(%arg11 : memref<128xi32, #tpu.memory_space<vmem>>) semaphore(%arg28 : memref<!tpu.dma_semaphore, #tpu.memory_space<semaphore_mem>>)
      %add3A_100 = arith.constant 4 : i32
      %add3A_101 = arith.addi %mul3A_18, %add3A_100 : i32
      %mul3A_102 = arith.constant 128 : i32
      %mul3A_103 = arith.muli %add3A_101, %mul3A_102 : i32
      %add3A_104 = arith.constant 0 : i32
      %add3A_105 = arith.addi %mul3A_103, %add3A_104 : i32
      %dma_start3A_106 = tpu.memref_slice %arg4[%add3A_105] : memref<802816xi32, #tpu.memory_space<hbm>> -> memref<128xi32, #tpu.memory_space<hbm>>
      %dma_start3A_107 = tpu.memref_slice %arg4[%add3A_105] : memref<802816xi32, #tpu.memory_space<hbm>> -> memref<128xi32, #tpu.memory_space<hbm>>
      tpu.enqueue_dma source(%dma_start3A_107 : memref<128xi32, #tpu.memory_space<hbm>>) target(%arg12 : memref<128xi32, #tpu.memory_space<vmem>>) target_semaphore(%arg27 : memref<!tpu.dma_semaphore, #tpu.memory_space<semaphore_mem>>)
      %add3A_108 = arith.constant 0 : i32
      %add3A_109 = arith.addi %mul3A_103, %add3A_108 : i32
      %dma_start3A_110 = tpu.memref_slice %arg5[%add3A_109] : memref<802816xi32, #tpu.memory_space<hbm>> -> memref<128xi32, #tpu.memory_space<hbm>>
      %dma_start3A_111 = tpu.memref_slice %arg5[%add3A_109] : memref<802816xi32, #tpu.memory_space<hbm>> -> memref<128xi32, #tpu.memory_space<hbm>>
      tpu.enqueue_dma source(%dma_start3A_111 : memref<128xi32, #tpu.memory_space<hbm>>) target(%arg18 : memref<128xi32, #tpu.memory_space<vmem>>) target_semaphore(%arg27 : memref<!tpu.dma_semaphore, #tpu.memory_space<semaphore_mem>>)
      %add3A_112 = arith.constant 128 : i32
      %add3A_113 = arith.addi %mul3A_103, %add3A_112 : i32
      %dma_start3A_114 = tpu.memref_slice %arg4[%add3A_113] : memref<802816xi32, #tpu.memory_space<hbm>> -> memref<128xi32, #tpu.memory_space<hbm>>
      %dma_start3A_115 = tpu.memref_slice %arg4[%add3A_113] : memref<802816xi32, #tpu.memory_space<hbm>> -> memref<128xi32, #tpu.memory_space<hbm>>
      tpu.enqueue_dma source(%dma_start3A_115 : memref<128xi32, #tpu.memory_space<hbm>>) target(%arg13 : memref<128xi32, #tpu.memory_space<vmem>>) target_semaphore(%arg27 : memref<!tpu.dma_semaphore, #tpu.memory_space<semaphore_mem>>)
      %add3A_116 = arith.constant 128 : i32
      %add3A_117 = arith.addi %mul3A_103, %add3A_116 : i32
      %dma_start3A_118 = tpu.memref_slice %arg5[%add3A_117] : memref<802816xi32, #tpu.memory_space<hbm>> -> memref<128xi32, #tpu.memory_space<hbm>>
      %dma_start3A_119 = tpu.memref_slice %arg5[%add3A_117] : memref<802816xi32, #tpu.memory_space<hbm>> -> memref<128xi32, #tpu.memory_space<hbm>>
      tpu.enqueue_dma source(%dma_start3A_119 : memref<128xi32, #tpu.memory_space<hbm>>) target(%arg19 : memref<128xi32, #tpu.memory_space<vmem>>) target_semaphore(%arg27 : memref<!tpu.dma_semaphore, #tpu.memory_space<semaphore_mem>>)
      %dma_wait3A_120 = arith.constant 0 : i32
      %dma_wait3A_121 = arith.constant 0 : i32
      %dma_wait3A_122 = tpu.memref_slice %arg2[%dma_wait3A_120, %dma_wait3A_121] : memref<50000x32xf32, #tpu.memory_space<hbm>> -> memref<50000x32xf32, #tpu.memory_space<hbm>>
      tpu.wait_indirect_dma semaphore(%arg28 : memref<!tpu.dma_semaphore, #tpu.memory_space<semaphore_mem>>) src(%dma_wait3A_122 : memref<50000x32xf32, #tpu.memory_space<hbm>>) dst(%arg20 : memref<128x32xf32, #tpu.memory_space<vmem>>)
      %dma_wait3A_123 = arith.constant 0 : i32
      %dma_wait3A_124 = arith.constant 0 : i32
      %dma_wait3A_125 = tpu.memref_slice %arg2[%dma_wait3A_123, %dma_wait3A_124] : memref<50000x32xf32, #tpu.memory_space<hbm>> -> memref<50000x32xf32, #tpu.memory_space<hbm>>
      tpu.wait_indirect_dma semaphore(%arg28 : memref<!tpu.dma_semaphore, #tpu.memory_space<semaphore_mem>>) src(%dma_wait3A_125 : memref<50000x32xf32, #tpu.memory_space<hbm>>) dst(%arg21 : memref<128x32xf32, #tpu.memory_space<vmem>>)
      %dma_start3A_126 = arith.constant 0 : i32
      %dma_start3A_127 = arith.constant 0 : i32
      %dma_start3A_128 = tpu.memref_slice %arg26[%dma_start3A_126, %dma_start3A_127] : memref<50048x32xf32, #tpu.memory_space<vmem_shared>> -> memref<50048x32xf32, #tpu.memory_space<vmem_shared>>
      tpu.enqueue_indirect_dma source(%arg20 : memref<128x32xf32, #tpu.memory_space<vmem>>) target(%dma_start3A_128 : memref<50048x32xf32, #tpu.memory_space<vmem_shared>>) offsets(%arg14 : memref<128xi32, #tpu.memory_space<vmem>>) semaphore(%arg29 : memref<!tpu.dma_semaphore, #tpu.memory_space<semaphore_mem>>) {add = true}
      %dma_start3A_129 = arith.constant 0 : i32
      %dma_start3A_130 = arith.constant 0 : i32
      %dma_start3A_131 = tpu.memref_slice %arg26[%dma_start3A_129, %dma_start3A_130] : memref<50048x32xf32, #tpu.memory_space<vmem_shared>> -> memref<50048x32xf32, #tpu.memory_space<vmem_shared>>
      tpu.enqueue_indirect_dma source(%arg21 : memref<128x32xf32, #tpu.memory_space<vmem>>) target(%dma_start3A_131 : memref<50048x32xf32, #tpu.memory_space<vmem_shared>>) offsets(%arg15 : memref<128xi32, #tpu.memory_space<vmem>>) semaphore(%arg29 : memref<!tpu.dma_semaphore, #tpu.memory_space<semaphore_mem>>) {add = true}
      %dma_wait3A_132 = arith.constant 0 : i32
      %dma_wait3A_133 = tpu.memref_slice %arg4[%dma_wait3A_132] : memref<802816xi32, #tpu.memory_space<hbm>> -> memref<128xi32, #tpu.memory_space<hbm>>
      %dma_wait3A_134 = arith.constant 0 : i32
      %dma_wait3A_135 = tpu.memref_slice %arg4[%dma_wait3A_134] : memref<802816xi32, #tpu.memory_space<hbm>> -> memref<128xi32, #tpu.memory_space<hbm>>
      tpu.wait_dma2 semaphore(%arg27 : memref<!tpu.dma_semaphore, #tpu.memory_space<semaphore_mem>>) src(%dma_wait3A_135 : memref<128xi32, #tpu.memory_space<hbm>>) dst(%arg12 : memref<128xi32, #tpu.memory_space<vmem>>)
      %dma_wait3A_136 = arith.constant 0 : i32
      %dma_wait3A_137 = tpu.memref_slice %arg5[%dma_wait3A_136] : memref<802816xi32, #tpu.memory_space<hbm>> -> memref<128xi32, #tpu.memory_space<hbm>>
      %dma_wait3A_138 = arith.constant 0 : i32
      %dma_wait3A_139 = tpu.memref_slice %arg5[%dma_wait3A_138] : memref<802816xi32, #tpu.memory_space<hbm>> -> memref<128xi32, #tpu.memory_space<hbm>>
      tpu.wait_dma2 semaphore(%arg27 : memref<!tpu.dma_semaphore, #tpu.memory_space<semaphore_mem>>) src(%dma_wait3A_139 : memref<128xi32, #tpu.memory_space<hbm>>) dst(%arg18 : memref<128xi32, #tpu.memory_space<vmem>>)
      %dma_wait3A_140 = arith.constant 0 : i32
      %dma_wait3A_141 = tpu.memref_slice %arg4[%dma_wait3A_140] : memref<802816xi32, #tpu.memory_space<hbm>> -> memref<128xi32, #tpu.memory_space<hbm>>
      %dma_wait3A_142 = arith.constant 0 : i32
      %dma_wait3A_143 = tpu.memref_slice %arg4[%dma_wait3A_142] : memref<802816xi32, #tpu.memory_space<hbm>> -> memref<128xi32, #tpu.memory_space<hbm>>
      tpu.wait_dma2 semaphore(%arg27 : memref<!tpu.dma_semaphore, #tpu.memory_space<semaphore_mem>>) src(%dma_wait3A_143 : memref<128xi32, #tpu.memory_space<hbm>>) dst(%arg13 : memref<128xi32, #tpu.memory_space<vmem>>)
      %dma_wait3A_144 = arith.constant 0 : i32
      %dma_wait3A_145 = tpu.memref_slice %arg5[%dma_wait3A_144] : memref<802816xi32, #tpu.memory_space<hbm>> -> memref<128xi32, #tpu.memory_space<hbm>>
      %dma_wait3A_146 = arith.constant 0 : i32
      %dma_wait3A_147 = tpu.memref_slice %arg5[%dma_wait3A_146] : memref<802816xi32, #tpu.memory_space<hbm>> -> memref<128xi32, #tpu.memory_space<hbm>>
      tpu.wait_dma2 semaphore(%arg27 : memref<!tpu.dma_semaphore, #tpu.memory_space<semaphore_mem>>) src(%dma_wait3A_147 : memref<128xi32, #tpu.memory_space<hbm>>) dst(%arg19 : memref<128xi32, #tpu.memory_space<vmem>>)
      %dma_start3A_148 = arith.constant 0 : i32
      %dma_start3A_149 = arith.constant 0 : i32
      %dma_start3A_150 = tpu.memref_slice %arg2[%dma_start3A_148, %dma_start3A_149] : memref<50000x32xf32, #tpu.memory_space<hbm>> -> memref<50000x32xf32, #tpu.memory_space<hbm>>
      tpu.enqueue_indirect_dma source(%dma_start3A_150 : memref<50000x32xf32, #tpu.memory_space<hbm>>) target(%arg24 : memref<128x32xf32, #tpu.memory_space<vmem>>) offsets(%arg12 : memref<128xi32, #tpu.memory_space<vmem>>) semaphore(%arg28 : memref<!tpu.dma_semaphore, #tpu.memory_space<semaphore_mem>>)
      %dma_start3A_151 = arith.constant 0 : i32
      %dma_start3A_152 = arith.constant 0 : i32
      %dma_start3A_153 = tpu.memref_slice %arg2[%dma_start3A_151, %dma_start3A_152] : memref<50000x32xf32, #tpu.memory_space<hbm>> -> memref<50000x32xf32, #tpu.memory_space<hbm>>
      tpu.enqueue_indirect_dma source(%dma_start3A_153 : memref<50000x32xf32, #tpu.memory_space<hbm>>) target(%arg25 : memref<128x32xf32, #tpu.memory_space<vmem>>) offsets(%arg13 : memref<128xi32, #tpu.memory_space<vmem>>) semaphore(%arg28 : memref<!tpu.dma_semaphore, #tpu.memory_space<semaphore_mem>>)
      %dma_wait3A_154 = arith.constant 0 : i32
      %dma_wait3A_155 = arith.constant 0 : i32
      %dma_wait3A_156 = tpu.memref_slice %arg26[%dma_wait3A_154, %dma_wait3A_155] : memref<50048x32xf32, #tpu.memory_space<vmem_shared>> -> memref<50048x32xf32, #tpu.memory_space<vmem_shared>>
      tpu.wait_indirect_dma semaphore(%arg29 : memref<!tpu.dma_semaphore, #tpu.memory_space<semaphore_mem>>) src(%arg20 : memref<128x32xf32, #tpu.memory_space<vmem>>) dst(%dma_wait3A_156 : memref<50048x32xf32, #tpu.memory_space<vmem_shared>>)
      %dma_wait3A_157 = arith.constant 0 : i32
      %dma_wait3A_158 = arith.constant 0 : i32
      %dma_wait3A_159 = tpu.memref_slice %arg26[%dma_wait3A_157, %dma_wait3A_158] : memref<50048x32xf32, #tpu.memory_space<vmem_shared>> -> memref<50048x32xf32, #tpu.memory_space<vmem_shared>>
      tpu.wait_indirect_dma semaphore(%arg29 : memref<!tpu.dma_semaphore, #tpu.memory_space<semaphore_mem>>) src(%arg21 : memref<128x32xf32, #tpu.memory_space<vmem>>) dst(%dma_wait3A_159 : memref<50048x32xf32, #tpu.memory_space<vmem_shared>>)
      %add3A_160 = arith.constant 6 : i32
      %add3A_161 = arith.addi %mul3A_18, %add3A_160 : i32
      %mul3A_162 = arith.constant 128 : i32
      %mul3A_163 = arith.muli %add3A_161, %mul3A_162 : i32
      %add3A_164 = arith.constant 0 : i32
      %add3A_165 = arith.addi %mul3A_163, %add3A_164 : i32
      %dma_start3A_166 = tpu.memref_slice %arg4[%add3A_165] : memref<802816xi32, #tpu.memory_space<hbm>> -> memref<128xi32, #tpu.memory_space<hbm>>
      %dma_start3A_167 = tpu.memref_slice %arg4[%add3A_165] : memref<802816xi32, #tpu.memory_space<hbm>> -> memref<128xi32, #tpu.memory_space<hbm>>
      tpu.enqueue_dma source(%dma_start3A_167 : memref<128xi32, #tpu.memory_space<hbm>>) target(%arg8 : memref<128xi32, #tpu.memory_space<vmem>>) target_semaphore(%arg27 : memref<!tpu.dma_semaphore, #tpu.memory_space<semaphore_mem>>)
      %add3A_168 = arith.constant 0 : i32
      %add3A_169 = arith.addi %mul3A_163, %add3A_168 : i32
      %dma_start3A_170 = tpu.memref_slice %arg5[%add3A_169] : memref<802816xi32, #tpu.memory_space<hbm>> -> memref<128xi32, #tpu.memory_space<hbm>>
      %dma_start3A_171 = tpu.memref_slice %arg5[%add3A_169] : memref<802816xi32, #tpu.memory_space<hbm>> -> memref<128xi32, #tpu.memory_space<hbm>>
      tpu.enqueue_dma source(%dma_start3A_171 : memref<128xi32, #tpu.memory_space<hbm>>) target(%arg14 : memref<128xi32, #tpu.memory_space<vmem>>) target_semaphore(%arg27 : memref<!tpu.dma_semaphore, #tpu.memory_space<semaphore_mem>>)
      %add3A_172 = arith.constant 128 : i32
      %add3A_173 = arith.addi %mul3A_163, %add3A_172 : i32
      %dma_start3A_174 = tpu.memref_slice %arg4[%add3A_173] : memref<802816xi32, #tpu.memory_space<hbm>> -> memref<128xi32, #tpu.memory_space<hbm>>
      %dma_start3A_175 = tpu.memref_slice %arg4[%add3A_173] : memref<802816xi32, #tpu.memory_space<hbm>> -> memref<128xi32, #tpu.memory_space<hbm>>
      tpu.enqueue_dma source(%dma_start3A_175 : memref<128xi32, #tpu.memory_space<hbm>>) target(%arg9 : memref<128xi32, #tpu.memory_space<vmem>>) target_semaphore(%arg27 : memref<!tpu.dma_semaphore, #tpu.memory_space<semaphore_mem>>)
      %add3A_176 = arith.constant 128 : i32
      %add3A_177 = arith.addi %mul3A_163, %add3A_176 : i32
      %dma_start3A_178 = tpu.memref_slice %arg5[%add3A_177] : memref<802816xi32, #tpu.memory_space<hbm>> -> memref<128xi32, #tpu.memory_space<hbm>>
      %dma_start3A_179 = tpu.memref_slice %arg5[%add3A_177] : memref<802816xi32, #tpu.memory_space<hbm>> -> memref<128xi32, #tpu.memory_space<hbm>>
      tpu.enqueue_dma source(%dma_start3A_179 : memref<128xi32, #tpu.memory_space<hbm>>) target(%arg15 : memref<128xi32, #tpu.memory_space<vmem>>) target_semaphore(%arg27 : memref<!tpu.dma_semaphore, #tpu.memory_space<semaphore_mem>>)
      %dma_wait3A_180 = arith.constant 0 : i32
      %dma_wait3A_181 = arith.constant 0 : i32
      %dma_wait3A_182 = tpu.memref_slice %arg2[%dma_wait3A_180, %dma_wait3A_181] : memref<50000x32xf32, #tpu.memory_space<hbm>> -> memref<50000x32xf32, #tpu.memory_space<hbm>>
      tpu.wait_indirect_dma semaphore(%arg28 : memref<!tpu.dma_semaphore, #tpu.memory_space<semaphore_mem>>) src(%dma_wait3A_182 : memref<50000x32xf32, #tpu.memory_space<hbm>>) dst(%arg22 : memref<128x32xf32, #tpu.memory_space<vmem>>)
      %dma_wait3A_183 = arith.constant 0 : i32
      %dma_wait3A_184 = arith.constant 0 : i32
      %dma_wait3A_185 = tpu.memref_slice %arg2[%dma_wait3A_183, %dma_wait3A_184] : memref<50000x32xf32, #tpu.memory_space<hbm>> -> memref<50000x32xf32, #tpu.memory_space<hbm>>
      tpu.wait_indirect_dma semaphore(%arg28 : memref<!tpu.dma_semaphore, #tpu.memory_space<semaphore_mem>>) src(%dma_wait3A_185 : memref<50000x32xf32, #tpu.memory_space<hbm>>) dst(%arg23 : memref<128x32xf32, #tpu.memory_space<vmem>>)
      %dma_start3A_186 = arith.constant 0 : i32
      %dma_start3A_187 = arith.constant 0 : i32
      %dma_start3A_188 = tpu.memref_slice %arg26[%dma_start3A_186, %dma_start3A_187] : memref<50048x32xf32, #tpu.memory_space<vmem_shared>> -> memref<50048x32xf32, #tpu.memory_space<vmem_shared>>
      tpu.enqueue_indirect_dma source(%arg22 : memref<128x32xf32, #tpu.memory_space<vmem>>) target(%dma_start3A_188 : memref<50048x32xf32, #tpu.memory_space<vmem_shared>>) offsets(%arg16 : memref<128xi32, #tpu.memory_space<vmem>>) semaphore(%arg29 : memref<!tpu.dma_semaphore, #tpu.memory_space<semaphore_mem>>) {add = true}
      %dma_start3A_189 = arith.constant 0 : i32
      %dma_start3A_190 = arith.constant 0 : i32
      %dma_start3A_191 = tpu.memref_slice %arg26[%dma_start3A_189, %dma_start3A_190] : memref<50048x32xf32, #tpu.memory_space<vmem_shared>> -> memref<50048x32xf32, #tpu.memory_space<vmem_shared>>
      tpu.enqueue_indirect_dma source(%arg23 : memref<128x32xf32, #tpu.memory_space<vmem>>) target(%dma_start3A_191 : memref<50048x32xf32, #tpu.memory_space<vmem_shared>>) offsets(%arg17 : memref<128xi32, #tpu.memory_space<vmem>>) semaphore(%arg29 : memref<!tpu.dma_semaphore, #tpu.memory_space<semaphore_mem>>) {add = true}
      %scan3A = arith.constant 0 : i32
      %scan3A_192 = arith.constant 64 : i32
      %scan3A_193 = arith.addi %scan3A, %scan3A_192 : i32
      %scan3A_194 = arith.constant 1 : i32
      scf.for %scan3A_261 = %scan3A to %scan3A_193 step %scan3A_194  : i32 {
        %mul3A_262 = arith.constant 1 : i32
        %mul3A_263 = arith.muli %scan3A_261, %mul3A_262 : i32
        %add3A_264 = arith.constant 0 : i32
        %add3A_265 = arith.addi %add3A_264, %mul3A_263 : i32
        %mul3A_266 = arith.constant 3 : i32
        %mul3A_267 = arith.muli %add3A_265, %mul3A_266 : i32
        %add3A_268 = arith.constant 3 : i32
        %add3A_269 = arith.addi %add3A_268, %mul3A_267 : i32
        %add3A_270 = arith.constant 0 : i32
        %add3A_271 = arith.addi %add3A_269, %add3A_270 : i32
        %dma_wait3A_272 = arith.constant 0 : i32
        %dma_wait3A_273 = tpu.memref_slice %arg4[%dma_wait3A_272] : memref<802816xi32, #tpu.memory_space<hbm>> -> memref<128xi32, #tpu.memory_space<hbm>>
        %dma_wait3A_274 = arith.constant 0 : i32
        %dma_wait3A_275 = tpu.memref_slice %arg4[%dma_wait3A_274] : memref<802816xi32, #tpu.memory_space<hbm>> -> memref<128xi32, #tpu.memory_space<hbm>>
        tpu.wait_dma2 semaphore(%arg27 : memref<!tpu.dma_semaphore, #tpu.memory_space<semaphore_mem>>) src(%dma_wait3A_275 : memref<128xi32, #tpu.memory_space<hbm>>) dst(%arg8 : memref<128xi32, #tpu.memory_space<vmem>>)
        %dma_wait3A_276 = arith.constant 0 : i32
        %dma_wait3A_277 = tpu.memref_slice %arg5[%dma_wait3A_276] : memref<802816xi32, #tpu.memory_space<hbm>> -> memref<128xi32, #tpu.memory_space<hbm>>
        %dma_wait3A_278 = arith.constant 0 : i32
        %dma_wait3A_279 = tpu.memref_slice %arg5[%dma_wait3A_278] : memref<802816xi32, #tpu.memory_space<hbm>> -> memref<128xi32, #tpu.memory_space<hbm>>
        tpu.wait_dma2 semaphore(%arg27 : memref<!tpu.dma_semaphore, #tpu.memory_space<semaphore_mem>>) src(%dma_wait3A_279 : memref<128xi32, #tpu.memory_space<hbm>>) dst(%arg14 : memref<128xi32, #tpu.memory_space<vmem>>)
        %dma_wait3A_280 = arith.constant 0 : i32
        %dma_wait3A_281 = tpu.memref_slice %arg4[%dma_wait3A_280] : memref<802816xi32, #tpu.memory_space<hbm>> -> memref<128xi32, #tpu.memory_space<hbm>>
        %dma_wait3A_282 = arith.constant 0 : i32
        %dma_wait3A_283 = tpu.memref_slice %arg4[%dma_wait3A_282] : memref<802816xi32, #tpu.memory_space<hbm>> -> memref<128xi32, #tpu.memory_space<hbm>>
        tpu.wait_dma2 semaphore(%arg27 : memref<!tpu.dma_semaphore, #tpu.memory_space<semaphore_mem>>) src(%dma_wait3A_283 : memref<128xi32, #tpu.memory_space<hbm>>) dst(%arg9 : memref<128xi32, #tpu.memory_space<vmem>>)
        %dma_wait3A_284 = arith.constant 0 : i32
        %dma_wait3A_285 = tpu.memref_slice %arg5[%dma_wait3A_284] : memref<802816xi32, #tpu.memory_space<hbm>> -> memref<128xi32, #tpu.memory_space<hbm>>
        %dma_wait3A_286 = arith.constant 0 : i32
        %dma_wait3A_287 = tpu.memref_slice %arg5[%dma_wait3A_286] : memref<802816xi32, #tpu.memory_space<hbm>> -> memref<128xi32, #tpu.memory_space<hbm>>
        tpu.wait_dma2 semaphore(%arg27 : memref<!tpu.dma_semaphore, #tpu.memory_space<semaphore_mem>>) src(%dma_wait3A_287 : memref<128xi32, #tpu.memory_space<hbm>>) dst(%arg15 : memref<128xi32, #tpu.memory_space<vmem>>)
        %dma_start3A_288 = arith.constant 0 : i32
        %dma_start3A_289 = arith.constant 0 : i32
        %dma_start3A_290 = tpu.memref_slice %arg2[%dma_start3A_288, %dma_start3A_289] : memref<50000x32xf32, #tpu.memory_space<hbm>> -> memref<50000x32xf32, #tpu.memory_space<hbm>>
        tpu.enqueue_indirect_dma source(%dma_start3A_290 : memref<50000x32xf32, #tpu.memory_space<hbm>>) target(%arg20 : memref<128x32xf32, #tpu.memory_space<vmem>>) offsets(%arg8 : memref<128xi32, #tpu.memory_space<vmem>>) semaphore(%arg28 : memref<!tpu.dma_semaphore, #tpu.memory_space<semaphore_mem>>)
        %dma_start3A_291 = arith.constant 0 : i32
        %dma_start3A_292 = arith.constant 0 : i32
        %dma_start3A_293 = tpu.memref_slice %arg2[%dma_start3A_291, %dma_start3A_292] : memref<50000x32xf32, #tpu.memory_space<hbm>> -> memref<50000x32xf32, #tpu.memory_space<hbm>>
        tpu.enqueue_indirect_dma source(%dma_start3A_293 : memref<50000x32xf32, #tpu.memory_space<hbm>>) target(%arg21 : memref<128x32xf32, #tpu.memory_space<vmem>>) offsets(%arg9 : memref<128xi32, #tpu.memory_space<vmem>>) semaphore(%arg28 : memref<!tpu.dma_semaphore, #tpu.memory_space<semaphore_mem>>)
        %dma_wait3A_294 = arith.constant 0 : i32
        %dma_wait3A_295 = arith.constant 0 : i32
        %dma_wait3A_296 = tpu.memref_slice %arg2[%dma_wait3A_294, %dma_wait3A_295] : memref<50000x32xf32, #tpu.memory_space<hbm>> -> memref<50000x32xf32, #tpu.memory_space<hbm>>
        tpu.wait_indirect_dma semaphore(%arg28 : memref<!tpu.dma_semaphore, #tpu.memory_space<semaphore_mem>>) src(%dma_wait3A_296 : memref<50000x32xf32, #tpu.memory_space<hbm>>) dst(%arg24 : memref<128x32xf32, #tpu.memory_space<vmem>>)
        %dma_wait3A_297 = arith.constant 0 : i32
        %dma_wait3A_298 = arith.constant 0 : i32
        %dma_wait3A_299 = tpu.memref_slice %arg2[%dma_wait3A_297, %dma_wait3A_298] : memref<50000x32xf32, #tpu.memory_space<hbm>> -> memref<50000x32xf32, #tpu.memory_space<hbm>>
        tpu.wait_indirect_dma semaphore(%arg28 : memref<!tpu.dma_semaphore, #tpu.memory_space<semaphore_mem>>) src(%dma_wait3A_299 : memref<50000x32xf32, #tpu.memory_space<hbm>>) dst(%arg25 : memref<128x32xf32, #tpu.memory_space<vmem>>)
        %dma_start3A_300 = arith.constant 0 : i32
        %dma_start3A_301 = arith.constant 0 : i32
        %dma_start3A_302 = tpu.memref_slice %arg26[%dma_start3A_300, %dma_start3A_301] : memref<50048x32xf32, #tpu.memory_space<vmem_shared>> -> memref<50048x32xf32, #tpu.memory_space<vmem_shared>>
        tpu.enqueue_indirect_dma source(%arg24 : memref<128x32xf32, #tpu.memory_space<vmem>>) target(%dma_start3A_302 : memref<50048x32xf32, #tpu.memory_space<vmem_shared>>) offsets(%arg18 : memref<128xi32, #tpu.memory_space<vmem>>) semaphore(%arg29 : memref<!tpu.dma_semaphore, #tpu.memory_space<semaphore_mem>>) {add = true}
        %dma_start3A_303 = arith.constant 0 : i32
        %dma_start3A_304 = arith.constant 0 : i32
        %dma_start3A_305 = tpu.memref_slice %arg26[%dma_start3A_303, %dma_start3A_304] : memref<50048x32xf32, #tpu.memory_space<vmem_shared>> -> memref<50048x32xf32, #tpu.memory_space<vmem_shared>>
        tpu.enqueue_indirect_dma source(%arg25 : memref<128x32xf32, #tpu.memory_space<vmem>>) target(%dma_start3A_305 : memref<50048x32xf32, #tpu.memory_space<vmem_shared>>) offsets(%arg19 : memref<128xi32, #tpu.memory_space<vmem>>) semaphore(%arg29 : memref<!tpu.dma_semaphore, #tpu.memory_space<semaphore_mem>>) {add = true}
        %dma_wait3A_306 = arith.constant 0 : i32
        %dma_wait3A_307 = arith.constant 0 : i32
        %dma_wait3A_308 = tpu.memref_slice %arg26[%dma_wait3A_306, %dma_wait3A_307] : memref<50048x32xf32, #tpu.memory_space<vmem_shared>> -> memref<50048x32xf32, #tpu.memory_space<vmem_shared>>
        tpu.wait_indirect_dma semaphore(%arg29 : memref<!tpu.dma_semaphore, #tpu.memory_space<semaphore_mem>>) src(%arg22 : memref<128x32xf32, #tpu.memory_space<vmem>>) dst(%dma_wait3A_308 : memref<50048x32xf32, #tpu.memory_space<vmem_shared>>)
        %dma_wait3A_309 = arith.constant 0 : i32
        %dma_wait3A_310 = arith.constant 0 : i32
        %dma_wait3A_311 = tpu.memref_slice %arg26[%dma_wait3A_309, %dma_wait3A_310] : memref<50048x32xf32, #tpu.memory_space<vmem_shared>> -> memref<50048x32xf32, #tpu.memory_space<vmem_shared>>
        tpu.wait_indirect_dma semaphore(%arg29 : memref<!tpu.dma_semaphore, #tpu.memory_space<semaphore_mem>>) src(%arg23 : memref<128x32xf32, #tpu.memory_space<vmem>>) dst(%dma_wait3A_311 : memref<50048x32xf32, #tpu.memory_space<vmem_shared>>)
        %add3A_312 = arith.constant 1 : i32
        %add3A_313 = arith.addi %add3A_271, %add3A_312 : i32
        %mul3A_314 = arith.constant 2 : i32
        %mul3A_315 = arith.muli %add3A_313, %mul3A_314 : i32
        %add3A_316 = arith.addi %mul3A_18, %mul3A_315 : i32
        %mul3A_317 = arith.constant 128 : i32
        %mul3A_318 = arith.muli %add3A_316, %mul3A_317 : i32
        %add3A_319 = arith.constant 0 : i32
        %add3A_320 = arith.addi %mul3A_318, %add3A_319 : i32
        %dma_start3A_321 = tpu.memref_slice %arg4[%add3A_320] : memref<802816xi32, #tpu.memory_space<hbm>> -> memref<128xi32, #tpu.memory_space<hbm>>
        %dma_start3A_322 = tpu.memref_slice %arg4[%add3A_320] : memref<802816xi32, #tpu.memory_space<hbm>> -> memref<128xi32, #tpu.memory_space<hbm>>
        tpu.enqueue_dma source(%dma_start3A_322 : memref<128xi32, #tpu.memory_space<hbm>>) target(%arg10 : memref<128xi32, #tpu.memory_space<vmem>>) target_semaphore(%arg27 : memref<!tpu.dma_semaphore, #tpu.memory_space<semaphore_mem>>)
        %add3A_323 = arith.constant 0 : i32
        %add3A_324 = arith.addi %mul3A_318, %add3A_323 : i32
        %dma_start3A_325 = tpu.memref_slice %arg5[%add3A_324] : memref<802816xi32, #tpu.memory_space<hbm>> -> memref<128xi32, #tpu.memory_space<hbm>>
        %dma_start3A_326 = tpu.memref_slice %arg5[%add3A_324] : memref<802816xi32, #tpu.memory_space<hbm>> -> memref<128xi32, #tpu.memory_space<hbm>>
        tpu.enqueue_dma source(%dma_start3A_326 : memref<128xi32, #tpu.memory_space<hbm>>) target(%arg16 : memref<128xi32, #tpu.memory_space<vmem>>) target_semaphore(%arg27 : memref<!tpu.dma_semaphore, #tpu.memory_space<semaphore_mem>>)
        %add3A_327 = arith.constant 128 : i32
        %add3A_328 = arith.addi %mul3A_318, %add3A_327 : i32
        %dma_start3A_329 = tpu.memref_slice %arg4[%add3A_328] : memref<802816xi32, #tpu.memory_space<hbm>> -> memref<128xi32, #tpu.memory_space<hbm>>
        %dma_start3A_330 = tpu.memref_slice %arg4[%add3A_328] : memref<802816xi32, #tpu.memory_space<hbm>> -> memref<128xi32, #tpu.memory_space<hbm>>
        tpu.enqueue_dma source(%dma_start3A_330 : memref<128xi32, #tpu.memory_space<hbm>>) target(%arg11 : memref<128xi32, #tpu.memory_space<vmem>>) target_semaphore(%arg27 : memref<!tpu.dma_semaphore, #tpu.memory_space<semaphore_mem>>)
        %add3A_331 = arith.constant 128 : i32
        %add3A_332 = arith.addi %mul3A_318, %add3A_331 : i32
        %dma_start3A_333 = tpu.memref_slice %arg5[%add3A_332] : memref<802816xi32, #tpu.memory_space<hbm>> -> memref<128xi32, #tpu.memory_space<hbm>>
        %dma_start3A_334 = tpu.memref_slice %arg5[%add3A_332] : memref<802816xi32, #tpu.memory_space<hbm>> -> memref<128xi32, #tpu.memory_space<hbm>>
        tpu.enqueue_dma source(%dma_start3A_334 : memref<128xi32, #tpu.memory_space<hbm>>) target(%arg17 : memref<128xi32, #tpu.memory_space<vmem>>) target_semaphore(%arg27 : memref<!tpu.dma_semaphore, #tpu.memory_space<semaphore_mem>>)
        %mul3A_335 = arith.constant 3 : i32
        %mul3A_336 = arith.muli %add3A_265, %mul3A_335 : i32
        %add3A_337 = arith.constant 3 : i32
        %add3A_338 = arith.addi %add3A_337, %mul3A_336 : i32
        %add3A_339 = arith.constant 1 : i32
        %add3A_340 = arith.addi %add3A_338, %add3A_339 : i32
        %dma_wait3A_341 = arith.constant 0 : i32
        %dma_wait3A_342 = tpu.memref_slice %arg4[%dma_wait3A_341] : memref<802816xi32, #tpu.memory_space<hbm>> -> memref<128xi32, #tpu.memory_space<hbm>>
        %dma_wait3A_343 = arith.constant 0 : i32
        %dma_wait3A_344 = tpu.memref_slice %arg4[%dma_wait3A_343] : memref<802816xi32, #tpu.memory_space<hbm>> -> memref<128xi32, #tpu.memory_space<hbm>>
        tpu.wait_dma2 semaphore(%arg27 : memref<!tpu.dma_semaphore, #tpu.memory_space<semaphore_mem>>) src(%dma_wait3A_344 : memref<128xi32, #tpu.memory_space<hbm>>) dst(%arg10 : memref<128xi32, #tpu.memory_space<vmem>>)
        %dma_wait3A_345 = arith.constant 0 : i32
        %dma_wait3A_346 = tpu.memref_slice %arg5[%dma_wait3A_345] : memref<802816xi32, #tpu.memory_space<hbm>> -> memref<128xi32, #tpu.memory_space<hbm>>
        %dma_wait3A_347 = arith.constant 0 : i32
        %dma_wait3A_348 = tpu.memref_slice %arg5[%dma_wait3A_347] : memref<802816xi32, #tpu.memory_space<hbm>> -> memref<128xi32, #tpu.memory_space<hbm>>
        tpu.wait_dma2 semaphore(%arg27 : memref<!tpu.dma_semaphore, #tpu.memory_space<semaphore_mem>>) src(%dma_wait3A_348 : memref<128xi32, #tpu.memory_space<hbm>>) dst(%arg16 : memref<128xi32, #tpu.memory_space<vmem>>)
        %dma_wait3A_349 = arith.constant 0 : i32
        %dma_wait3A_350 = tpu.memref_slice %arg4[%dma_wait3A_349] : memref<802816xi32, #tpu.memory_space<hbm>> -> memref<128xi32, #tpu.memory_space<hbm>>
        %dma_wait3A_351 = arith.constant 0 : i32
        %dma_wait3A_352 = tpu.memref_slice %arg4[%dma_wait3A_351] : memref<802816xi32, #tpu.memory_space<hbm>> -> memref<128xi32, #tpu.memory_space<hbm>>
        tpu.wait_dma2 semaphore(%arg27 : memref<!tpu.dma_semaphore, #tpu.memory_space<semaphore_mem>>) src(%dma_wait3A_352 : memref<128xi32, #tpu.memory_space<hbm>>) dst(%arg11 : memref<128xi32, #tpu.memory_space<vmem>>)
        %dma_wait3A_353 = arith.constant 0 : i32
        %dma_wait3A_354 = tpu.memref_slice %arg5[%dma_wait3A_353] : memref<802816xi32, #tpu.memory_space<hbm>> -> memref<128xi32, #tpu.memory_space<hbm>>
        %dma_wait3A_355 = arith.constant 0 : i32
        %dma_wait3A_356 = tpu.memref_slice %arg5[%dma_wait3A_355] : memref<802816xi32, #tpu.memory_space<hbm>> -> memref<128xi32, #tpu.memory_space<hbm>>
        tpu.wait_dma2 semaphore(%arg27 : memref<!tpu.dma_semaphore, #tpu.memory_space<semaphore_mem>>) src(%dma_wait3A_356 : memref<128xi32, #tpu.memory_space<hbm>>) dst(%arg17 : memref<128xi32, #tpu.memory_space<vmem>>)
        %dma_start3A_357 = arith.constant 0 : i32
        %dma_start3A_358 = arith.constant 0 : i32
        %dma_start3A_359 = tpu.memref_slice %arg2[%dma_start3A_357, %dma_start3A_358] : memref<50000x32xf32, #tpu.memory_space<hbm>> -> memref<50000x32xf32, #tpu.memory_space<hbm>>
        tpu.enqueue_indirect_dma source(%dma_start3A_359 : memref<50000x32xf32, #tpu.memory_space<hbm>>) target(%arg22 : memref<128x32xf32, #tpu.memory_space<vmem>>) offsets(%arg10 : memref<128xi32, #tpu.memory_space<vmem>>) semaphore(%arg28 : memref<!tpu.dma_semaphore, #tpu.memory_space<semaphore_mem>>)
        %dma_start3A_360 = arith.constant 0 : i32
        %dma_start3A_361 = arith.constant 0 : i32
        %dma_start3A_362 = tpu.memref_slice %arg2[%dma_start3A_360, %dma_start3A_361] : memref<50000x32xf32, #tpu.memory_space<hbm>> -> memref<50000x32xf32, #tpu.memory_space<hbm>>
        tpu.enqueue_indirect_dma source(%dma_start3A_362 : memref<50000x32xf32, #tpu.memory_space<hbm>>) target(%arg23 : memref<128x32xf32, #tpu.memory_space<vmem>>) offsets(%arg11 : memref<128xi32, #tpu.memory_space<vmem>>) semaphore(%arg28 : memref<!tpu.dma_semaphore, #tpu.memory_space<semaphore_mem>>)
        %dma_wait3A_363 = arith.constant 0 : i32
        %dma_wait3A_364 = arith.constant 0 : i32
        %dma_wait3A_365 = tpu.memref_slice %arg2[%dma_wait3A_363, %dma_wait3A_364] : memref<50000x32xf32, #tpu.memory_space<hbm>> -> memref<50000x32xf32, #tpu.memory_space<hbm>>
        tpu.wait_indirect_dma semaphore(%arg28 : memref<!tpu.dma_semaphore, #tpu.memory_space<semaphore_mem>>) src(%dma_wait3A_365 : memref<50000x32xf32, #tpu.memory_space<hbm>>) dst(%arg20 : memref<128x32xf32, #tpu.memory_space<vmem>>)
        %dma_wait3A_366 = arith.constant 0 : i32
        %dma_wait3A_367 = arith.constant 0 : i32
        %dma_wait3A_368 = tpu.memref_slice %arg2[%dma_wait3A_366, %dma_wait3A_367] : memref<50000x32xf32, #tpu.memory_space<hbm>> -> memref<50000x32xf32, #tpu.memory_space<hbm>>
        tpu.wait_indirect_dma semaphore(%arg28 : memref<!tpu.dma_semaphore, #tpu.memory_space<semaphore_mem>>) src(%dma_wait3A_368 : memref<50000x32xf32, #tpu.memory_space<hbm>>) dst(%arg21 : memref<128x32xf32, #tpu.memory_space<vmem>>)
        %dma_start3A_369 = arith.constant 0 : i32
        %dma_start3A_370 = arith.constant 0 : i32
        %dma_start3A_371 = tpu.memref_slice %arg26[%dma_start3A_369, %dma_start3A_370] : memref<50048x32xf32, #tpu.memory_space<vmem_shared>> -> memref<50048x32xf32, #tpu.memory_space<vmem_shared>>
        tpu.enqueue_indirect_dma source(%arg20 : memref<128x32xf32, #tpu.memory_space<vmem>>) target(%dma_start3A_371 : memref<50048x32xf32, #tpu.memory_space<vmem_shared>>) offsets(%arg14 : memref<128xi32, #tpu.memory_space<vmem>>) semaphore(%arg29 : memref<!tpu.dma_semaphore, #tpu.memory_space<semaphore_mem>>) {add = true}
        %dma_start3A_372 = arith.constant 0 : i32
        %dma_start3A_373 = arith.constant 0 : i32
        %dma_start3A_374 = tpu.memref_slice %arg26[%dma_start3A_372, %dma_start3A_373] : memref<50048x32xf32, #tpu.memory_space<vmem_shared>> -> memref<50048x32xf32, #tpu.memory_space<vmem_shared>>
        tpu.enqueue_indirect_dma source(%arg21 : memref<128x32xf32, #tpu.memory_space<vmem>>) target(%dma_start3A_374 : memref<50048x32xf32, #tpu.memory_space<vmem_shared>>) offsets(%arg15 : memref<128xi32, #tpu.memory_space<vmem>>) semaphore(%arg29 : memref<!tpu.dma_semaphore, #tpu.memory_space<semaphore_mem>>) {add = true}
        %dma_wait3A_375 = arith.constant 0 : i32
        %dma_wait3A_376 = arith.constant 0 : i32
        %dma_wait3A_377 = tpu.memref_slice %arg26[%dma_wait3A_375, %dma_wait3A_376] : memref<50048x32xf32, #tpu.memory_space<vmem_shared>> -> memref<50048x32xf32, #tpu.memory_space<vmem_shared>>
        tpu.wait_indirect_dma semaphore(%arg29 : memref<!tpu.dma_semaphore, #tpu.memory_space<semaphore_mem>>) src(%arg24 : memref<128x32xf32, #tpu.memory_space<vmem>>) dst(%dma_wait3A_377 : memref<50048x32xf32, #tpu.memory_space<vmem_shared>>)
        %dma_wait3A_378 = arith.constant 0 : i32
        %dma_wait3A_379 = arith.constant 0 : i32
        %dma_wait3A_380 = tpu.memref_slice %arg26[%dma_wait3A_378, %dma_wait3A_379] : memref<50048x32xf32, #tpu.memory_space<vmem_shared>> -> memref<50048x32xf32, #tpu.memory_space<vmem_shared>>
        tpu.wait_indirect_dma semaphore(%arg29 : memref<!tpu.dma_semaphore, #tpu.memory_space<semaphore_mem>>) src(%arg25 : memref<128x32xf32, #tpu.memory_space<vmem>>) dst(%dma_wait3A_380 : memref<50048x32xf32, #tpu.memory_space<vmem_shared>>)
        %add3A_381 = arith.constant 1 : i32
        %add3A_382 = arith.addi %add3A_340, %add3A_381 : i32
        %mul3A_383 = arith.constant 2 : i32
        %mul3A_384 = arith.muli %add3A_382, %mul3A_383 : i32
        %add3A_385 = arith.addi %mul3A_18, %mul3A_384 : i32
        %mul3A_386 = arith.constant 128 : i32
        %mul3A_387 = arith.muli %add3A_385, %mul3A_386 : i32
        %add3A_388 = arith.constant 0 : i32
        %add3A_389 = arith.addi %mul3A_387, %add3A_388 : i32
        %dma_start3A_390 = tpu.memref_slice %arg4[%add3A_389] : memref<802816xi32, #tpu.memory_space<hbm>> -> memref<128xi32, #tpu.memory_space<hbm>>
        %dma_start3A_391 = tpu.memref_slice %arg4[%add3A_389] : memref<802816xi32, #tpu.memory_space<hbm>> -> memref<128xi32, #tpu.memory_space<hbm>>
        tpu.enqueue_dma source(%dma_start3A_391 : memref<128xi32, #tpu.memory_space<hbm>>) target(%arg12 : memref<128xi32, #tpu.memory_space<vmem>>) target_semaphore(%arg27 : memref<!tpu.dma_semaphore, #tpu.memory_space<semaphore_mem>>)
        %add3A_392 = arith.constant 0 : i32
        %add3A_393 = arith.addi %mul3A_387, %add3A_392 : i32
        %dma_start3A_394 = tpu.memref_slice %arg5[%add3A_393] : memref<802816xi32, #tpu.memory_space<hbm>> -> memref<128xi32, #tpu.memory_space<hbm>>
        %dma_start3A_395 = tpu.memref_slice %arg5[%add3A_393] : memref<802816xi32, #tpu.memory_space<hbm>> -> memref<128xi32, #tpu.memory_space<hbm>>
        tpu.enqueue_dma source(%dma_start3A_395 : memref<128xi32, #tpu.memory_space<hbm>>) target(%arg18 : memref<128xi32, #tpu.memory_space<vmem>>) target_semaphore(%arg27 : memref<!tpu.dma_semaphore, #tpu.memory_space<semaphore_mem>>)
        %add3A_396 = arith.constant 128 : i32
        %add3A_397 = arith.addi %mul3A_387, %add3A_396 : i32
        %dma_start3A_398 = tpu.memref_slice %arg4[%add3A_397] : memref<802816xi32, #tpu.memory_space<hbm>> -> memref<128xi32, #tpu.memory_space<hbm>>
        %dma_start3A_399 = tpu.memref_slice %arg4[%add3A_397] : memref<802816xi32, #tpu.memory_space<hbm>> -> memref<128xi32, #tpu.memory_space<hbm>>
        tpu.enqueue_dma source(%dma_start3A_399 : memref<128xi32, #tpu.memory_space<hbm>>) target(%arg13 : memref<128xi32, #tpu.memory_space<vmem>>) target_semaphore(%arg27 : memref<!tpu.dma_semaphore, #tpu.memory_space<semaphore_mem>>)
        %add3A_400 = arith.constant 128 : i32
        %add3A_401 = arith.addi %mul3A_387, %add3A_400 : i32
        %dma_start3A_402 = tpu.memref_slice %arg5[%add3A_401] : memref<802816xi32, #tpu.memory_space<hbm>> -> memref<128xi32, #tpu.memory_space<hbm>>
        %dma_start3A_403 = tpu.memref_slice %arg5[%add3A_401] : memref<802816xi32, #tpu.memory_space<hbm>> -> memref<128xi32, #tpu.memory_space<hbm>>
        tpu.enqueue_dma source(%dma_start3A_403 : memref<128xi32, #tpu.memory_space<hbm>>) target(%arg19 : memref<128xi32, #tpu.memory_space<vmem>>) target_semaphore(%arg27 : memref<!tpu.dma_semaphore, #tpu.memory_space<semaphore_mem>>)
        %mul3A_404 = arith.constant 3 : i32
        %mul3A_405 = arith.muli %add3A_265, %mul3A_404 : i32
        %add3A_406 = arith.constant 3 : i32
        %add3A_407 = arith.addi %add3A_406, %mul3A_405 : i32
        %add3A_408 = arith.constant 2 : i32
        %add3A_409 = arith.addi %add3A_407, %add3A_408 : i32
        %dma_wait3A_410 = arith.constant 0 : i32
        %dma_wait3A_411 = tpu.memref_slice %arg4[%dma_wait3A_410] : memref<802816xi32, #tpu.memory_space<hbm>> -> memref<128xi32, #tpu.memory_space<hbm>>
        %dma_wait3A_412 = arith.constant 0 : i32
        %dma_wait3A_413 = tpu.memref_slice %arg4[%dma_wait3A_412] : memref<802816xi32, #tpu.memory_space<hbm>> -> memref<128xi32, #tpu.memory_space<hbm>>
        tpu.wait_dma2 semaphore(%arg27 : memref<!tpu.dma_semaphore, #tpu.memory_space<semaphore_mem>>) src(%dma_wait3A_413 : memref<128xi32, #tpu.memory_space<hbm>>) dst(%arg12 : memref<128xi32, #tpu.memory_space<vmem>>)
        %dma_wait3A_414 = arith.constant 0 : i32
        %dma_wait3A_415 = tpu.memref_slice %arg5[%dma_wait3A_414] : memref<802816xi32, #tpu.memory_space<hbm>> -> memref<128xi32, #tpu.memory_space<hbm>>
        %dma_wait3A_416 = arith.constant 0 : i32
        %dma_wait3A_417 = tpu.memref_slice %arg5[%dma_wait3A_416] : memref<802816xi32, #tpu.memory_space<hbm>> -> memref<128xi32, #tpu.memory_space<hbm>>
        tpu.wait_dma2 semaphore(%arg27 : memref<!tpu.dma_semaphore, #tpu.memory_space<semaphore_mem>>) src(%dma_wait3A_417 : memref<128xi32, #tpu.memory_space<hbm>>) dst(%arg18 : memref<128xi32, #tpu.memory_space<vmem>>)
        %dma_wait3A_418 = arith.constant 0 : i32
        %dma_wait3A_419 = tpu.memref_slice %arg4[%dma_wait3A_418] : memref<802816xi32, #tpu.memory_space<hbm>> -> memref<128xi32, #tpu.memory_space<hbm>>
        %dma_wait3A_420 = arith.constant 0 : i32
        %dma_wait3A_421 = tpu.memref_slice %arg4[%dma_wait3A_420] : memref<802816xi32, #tpu.memory_space<hbm>> -> memref<128xi32, #tpu.memory_space<hbm>>
        tpu.wait_dma2 semaphore(%arg27 : memref<!tpu.dma_semaphore, #tpu.memory_space<semaphore_mem>>) src(%dma_wait3A_421 : memref<128xi32, #tpu.memory_space<hbm>>) dst(%arg13 : memref<128xi32, #tpu.memory_space<vmem>>)
        %dma_wait3A_422 = arith.constant 0 : i32
        %dma_wait3A_423 = tpu.memref_slice %arg5[%dma_wait3A_422] : memref<802816xi32, #tpu.memory_space<hbm>> -> memref<128xi32, #tpu.memory_space<hbm>>
        %dma_wait3A_424 = arith.constant 0 : i32
        %dma_wait3A_425 = tpu.memref_slice %arg5[%dma_wait3A_424] : memref<802816xi32, #tpu.memory_space<hbm>> -> memref<128xi32, #tpu.memory_space<hbm>>
        tpu.wait_dma2 semaphore(%arg27 : memref<!tpu.dma_semaphore, #tpu.memory_space<semaphore_mem>>) src(%dma_wait3A_425 : memref<128xi32, #tpu.memory_space<hbm>>) dst(%arg19 : memref<128xi32, #tpu.memory_space<vmem>>)
        %dma_start3A_426 = arith.constant 0 : i32
        %dma_start3A_427 = arith.constant 0 : i32
        %dma_start3A_428 = tpu.memref_slice %arg2[%dma_start3A_426, %dma_start3A_427] : memref<50000x32xf32, #tpu.memory_space<hbm>> -> memref<50000x32xf32, #tpu.memory_space<hbm>>
        tpu.enqueue_indirect_dma source(%dma_start3A_428 : memref<50000x32xf32, #tpu.memory_space<hbm>>) target(%arg24 : memref<128x32xf32, #tpu.memory_space<vmem>>) offsets(%arg12 : memref<128xi32, #tpu.memory_space<vmem>>) semaphore(%arg28 : memref<!tpu.dma_semaphore, #tpu.memory_space<semaphore_mem>>)
        %dma_start3A_429 = arith.constant 0 : i32
        %dma_start3A_430 = arith.constant 0 : i32
        %dma_start3A_431 = tpu.memref_slice %arg2[%dma_start3A_429, %dma_start3A_430] : memref<50000x32xf32, #tpu.memory_space<hbm>> -> memref<50000x32xf32, #tpu.memory_space<hbm>>
        tpu.enqueue_indirect_dma source(%dma_start3A_431 : memref<50000x32xf32, #tpu.memory_space<hbm>>) target(%arg25 : memref<128x32xf32, #tpu.memory_space<vmem>>) offsets(%arg13 : memref<128xi32, #tpu.memory_space<vmem>>) semaphore(%arg28 : memref<!tpu.dma_semaphore, #tpu.memory_space<semaphore_mem>>)
        %dma_wait3A_432 = arith.constant 0 : i32
        %dma_wait3A_433 = arith.constant 0 : i32
        %dma_wait3A_434 = tpu.memref_slice %arg2[%dma_wait3A_432, %dma_wait3A_433] : memref<50000x32xf32, #tpu.memory_space<hbm>> -> memref<50000x32xf32, #tpu.memory_space<hbm>>
        tpu.wait_indirect_dma semaphore(%arg28 : memref<!tpu.dma_semaphore, #tpu.memory_space<semaphore_mem>>) src(%dma_wait3A_434 : memref<50000x32xf32, #tpu.memory_space<hbm>>) dst(%arg22 : memref<128x32xf32, #tpu.memory_space<vmem>>)
        %dma_wait3A_435 = arith.constant 0 : i32
        %dma_wait3A_436 = arith.constant 0 : i32
        %dma_wait3A_437 = tpu.memref_slice %arg2[%dma_wait3A_435, %dma_wait3A_436] : memref<50000x32xf32, #tpu.memory_space<hbm>> -> memref<50000x32xf32, #tpu.memory_space<hbm>>
        tpu.wait_indirect_dma semaphore(%arg28 : memref<!tpu.dma_semaphore, #tpu.memory_space<semaphore_mem>>) src(%dma_wait3A_437 : memref<50000x32xf32, #tpu.memory_space<hbm>>) dst(%arg23 : memref<128x32xf32, #tpu.memory_space<vmem>>)
        %dma_start3A_438 = arith.constant 0 : i32
        %dma_start3A_439 = arith.constant 0 : i32
        %dma_start3A_440 = tpu.memref_slice %arg26[%dma_start3A_438, %dma_start3A_439] : memref<50048x32xf32, #tpu.memory_space<vmem_shared>> -> memref<50048x32xf32, #tpu.memory_space<vmem_shared>>
        tpu.enqueue_indirect_dma source(%arg22 : memref<128x32xf32, #tpu.memory_space<vmem>>) target(%dma_start3A_440 : memref<50048x32xf32, #tpu.memory_space<vmem_shared>>) offsets(%arg16 : memref<128xi32, #tpu.memory_space<vmem>>) semaphore(%arg29 : memref<!tpu.dma_semaphore, #tpu.memory_space<semaphore_mem>>) {add = true}
        %dma_start3A_441 = arith.constant 0 : i32
        %dma_start3A_442 = arith.constant 0 : i32
        %dma_start3A_443 = tpu.memref_slice %arg26[%dma_start3A_441, %dma_start3A_442] : memref<50048x32xf32, #tpu.memory_space<vmem_shared>> -> memref<50048x32xf32, #tpu.memory_space<vmem_shared>>
        tpu.enqueue_indirect_dma source(%arg23 : memref<128x32xf32, #tpu.memory_space<vmem>>) target(%dma_start3A_443 : memref<50048x32xf32, #tpu.memory_space<vmem_shared>>) offsets(%arg17 : memref<128xi32, #tpu.memory_space<vmem>>) semaphore(%arg29 : memref<!tpu.dma_semaphore, #tpu.memory_space<semaphore_mem>>) {add = true}
        %dma_wait3A_444 = arith.constant 0 : i32
        %dma_wait3A_445 = arith.constant 0 : i32
        %dma_wait3A_446 = tpu.memref_slice %arg26[%dma_wait3A_444, %dma_wait3A_445] : memref<50048x32xf32, #tpu.memory_space<vmem_shared>> -> memref<50048x32xf32, #tpu.memory_space<vmem_shared>>
        tpu.wait_indirect_dma semaphore(%arg29 : memref<!tpu.dma_semaphore, #tpu.memory_space<semaphore_mem>>) src(%arg20 : memref<128x32xf32, #tpu.memory_space<vmem>>) dst(%dma_wait3A_446 : memref<50048x32xf32, #tpu.memory_space<vmem_shared>>)
        %dma_wait3A_447 = arith.constant 0 : i32
        %dma_wait3A_448 = arith.constant 0 : i32
        %dma_wait3A_449 = tpu.memref_slice %arg26[%dma_wait3A_447, %dma_wait3A_448] : memref<50048x32xf32, #tpu.memory_space<vmem_shared>> -> memref<50048x32xf32, #tpu.memory_space<vmem_shared>>
        tpu.wait_indirect_dma semaphore(%arg29 : memref<!tpu.dma_semaphore, #tpu.memory_space<semaphore_mem>>) src(%arg21 : memref<128x32xf32, #tpu.memory_space<vmem>>) dst(%dma_wait3A_449 : memref<50048x32xf32, #tpu.memory_space<vmem_shared>>)
        %add3A_450 = arith.constant 1 : i32
        %add3A_451 = arith.addi %add3A_409, %add3A_450 : i32
        %mul3A_452 = arith.constant 2 : i32
        %mul3A_453 = arith.muli %add3A_451, %mul3A_452 : i32
        %add3A_454 = arith.addi %mul3A_18, %mul3A_453 : i32
        %mul3A_455 = arith.constant 128 : i32
        %mul3A_456 = arith.muli %add3A_454, %mul3A_455 : i32
        %add3A_457 = arith.constant 0 : i32
        %add3A_458 = arith.addi %mul3A_456, %add3A_457 : i32
        %dma_start3A_459 = tpu.memref_slice %arg4[%add3A_458] : memref<802816xi32, #tpu.memory_space<hbm>> -> memref<128xi32, #tpu.memory_space<hbm>>
        %dma_start3A_460 = tpu.memref_slice %arg4[%add3A_458] : memref<802816xi32, #tpu.memory_space<hbm>> -> memref<128xi32, #tpu.memory_space<hbm>>
        tpu.enqueue_dma source(%dma_start3A_460 : memref<128xi32, #tpu.memory_space<hbm>>) target(%arg8 : memref<128xi32, #tpu.memory_space<vmem>>) target_semaphore(%arg27 : memref<!tpu.dma_semaphore, #tpu.memory_space<semaphore_mem>>)
        %add3A_461 = arith.constant 0 : i32
        %add3A_462 = arith.addi %mul3A_456, %add3A_461 : i32
        %dma_start3A_463 = tpu.memref_slice %arg5[%add3A_462] : memref<802816xi32, #tpu.memory_space<hbm>> -> memref<128xi32, #tpu.memory_space<hbm>>
        %dma_start3A_464 = tpu.memref_slice %arg5[%add3A_462] : memref<802816xi32, #tpu.memory_space<hbm>> -> memref<128xi32, #tpu.memory_space<hbm>>
        tpu.enqueue_dma source(%dma_start3A_464 : memref<128xi32, #tpu.memory_space<hbm>>) target(%arg14 : memref<128xi32, #tpu.memory_space<vmem>>) target_semaphore(%arg27 : memref<!tpu.dma_semaphore, #tpu.memory_space<semaphore_mem>>)
        %add3A_465 = arith.constant 128 : i32
        %add3A_466 = arith.addi %mul3A_456, %add3A_465 : i32
        %dma_start3A_467 = tpu.memref_slice %arg4[%add3A_466] : memref<802816xi32, #tpu.memory_space<hbm>> -> memref<128xi32, #tpu.memory_space<hbm>>
        %dma_start3A_468 = tpu.memref_slice %arg4[%add3A_466] : memref<802816xi32, #tpu.memory_space<hbm>> -> memref<128xi32, #tpu.memory_space<hbm>>
        tpu.enqueue_dma source(%dma_start3A_468 : memref<128xi32, #tpu.memory_space<hbm>>) target(%arg9 : memref<128xi32, #tpu.memory_space<vmem>>) target_semaphore(%arg27 : memref<!tpu.dma_semaphore, #tpu.memory_space<semaphore_mem>>)
        %add3A_469 = arith.constant 128 : i32
        %add3A_470 = arith.addi %mul3A_456, %add3A_469 : i32
        %dma_start3A_471 = tpu.memref_slice %arg5[%add3A_470] : memref<802816xi32, #tpu.memory_space<hbm>> -> memref<128xi32, #tpu.memory_space<hbm>>
        %dma_start3A_472 = tpu.memref_slice %arg5[%add3A_470] : memref<802816xi32, #tpu.memory_space<hbm>> -> memref<128xi32, #tpu.memory_space<hbm>>
        tpu.enqueue_dma source(%dma_start3A_472 : memref<128xi32, #tpu.memory_space<hbm>>) target(%arg15 : memref<128xi32, #tpu.memory_space<vmem>>) target_semaphore(%arg27 : memref<!tpu.dma_semaphore, #tpu.memory_space<semaphore_mem>>)
      }
      %scan3A_195 = arith.constant 64 : i32
      %dma_wait3A_196 = arith.constant 0 : i32
      %dma_wait3A_197 = tpu.memref_slice %arg4[%dma_wait3A_196] : memref<802816xi32, #tpu.memory_space<hbm>> -> memref<128xi32, #tpu.memory_space<hbm>>
      %dma_wait3A_198 = arith.constant 0 : i32
      %dma_wait3A_199 = tpu.memref_slice %arg4[%dma_wait3A_198] : memref<802816xi32, #tpu.memory_space<hbm>> -> memref<128xi32, #tpu.memory_space<hbm>>
      tpu.wait_dma2 semaphore(%arg27 : memref<!tpu.dma_semaphore, #tpu.memory_space<semaphore_mem>>) src(%dma_wait3A_199 : memref<128xi32, #tpu.memory_space<hbm>>) dst(%arg8 : memref<128xi32, #tpu.memory_space<vmem>>)
      %dma_wait3A_200 = arith.constant 0 : i32
      %dma_wait3A_201 = tpu.memref_slice %arg5[%dma_wait3A_200] : memref<802816xi32, #tpu.memory_space<hbm>> -> memref<128xi32, #tpu.memory_space<hbm>>
      %dma_wait3A_202 = arith.constant 0 : i32
      %dma_wait3A_203 = tpu.memref_slice %arg5[%dma_wait3A_202] : memref<802816xi32, #tpu.memory_space<hbm>> -> memref<128xi32, #tpu.memory_space<hbm>>
      tpu.wait_dma2 semaphore(%arg27 : memref<!tpu.dma_semaphore, #tpu.memory_space<semaphore_mem>>) src(%dma_wait3A_203 : memref<128xi32, #tpu.memory_space<hbm>>) dst(%arg14 : memref<128xi32, #tpu.memory_space<vmem>>)
      %dma_wait3A_204 = arith.constant 0 : i32
      %dma_wait3A_205 = tpu.memref_slice %arg4[%dma_wait3A_204] : memref<802816xi32, #tpu.memory_space<hbm>> -> memref<128xi32, #tpu.memory_space<hbm>>
      %dma_wait3A_206 = arith.constant 0 : i32
      %dma_wait3A_207 = tpu.memref_slice %arg4[%dma_wait3A_206] : memref<802816xi32, #tpu.memory_space<hbm>> -> memref<128xi32, #tpu.memory_space<hbm>>
      tpu.wait_dma2 semaphore(%arg27 : memref<!tpu.dma_semaphore, #tpu.memory_space<semaphore_mem>>) src(%dma_wait3A_207 : memref<128xi32, #tpu.memory_space<hbm>>) dst(%arg9 : memref<128xi32, #tpu.memory_space<vmem>>)
      %dma_wait3A_208 = arith.constant 0 : i32
      %dma_wait3A_209 = tpu.memref_slice %arg5[%dma_wait3A_208] : memref<802816xi32, #tpu.memory_space<hbm>> -> memref<128xi32, #tpu.memory_space<hbm>>
      %dma_wait3A_210 = arith.constant 0 : i32
      %dma_wait3A_211 = tpu.memref_slice %arg5[%dma_wait3A_210] : memref<802816xi32, #tpu.memory_space<hbm>> -> memref<128xi32, #tpu.memory_space<hbm>>
      tpu.wait_dma2 semaphore(%arg27 : memref<!tpu.dma_semaphore, #tpu.memory_space<semaphore_mem>>) src(%dma_wait3A_211 : memref<128xi32, #tpu.memory_space<hbm>>) dst(%arg15 : memref<128xi32, #tpu.memory_space<vmem>>)
      %dma_start3A_212 = arith.constant 0 : i32
      %dma_start3A_213 = arith.constant 0 : i32
      %dma_start3A_214 = tpu.memref_slice %arg2[%dma_start3A_212, %dma_start3A_213] : memref<50000x32xf32, #tpu.memory_space<hbm>> -> memref<50000x32xf32, #tpu.memory_space<hbm>>
      tpu.enqueue_indirect_dma source(%dma_start3A_214 : memref<50000x32xf32, #tpu.memory_space<hbm>>) target(%arg20 : memref<128x32xf32, #tpu.memory_space<vmem>>) offsets(%arg8 : memref<128xi32, #tpu.memory_space<vmem>>) semaphore(%arg28 : memref<!tpu.dma_semaphore, #tpu.memory_space<semaphore_mem>>)
      %dma_start3A_215 = arith.constant 0 : i32
      %dma_start3A_216 = arith.constant 0 : i32
      %dma_start3A_217 = tpu.memref_slice %arg2[%dma_start3A_215, %dma_start3A_216] : memref<50000x32xf32, #tpu.memory_space<hbm>> -> memref<50000x32xf32, #tpu.memory_space<hbm>>
      tpu.enqueue_indirect_dma source(%dma_start3A_217 : memref<50000x32xf32, #tpu.memory_space<hbm>>) target(%arg21 : memref<128x32xf32, #tpu.memory_space<vmem>>) offsets(%arg9 : memref<128xi32, #tpu.memory_space<vmem>>) semaphore(%arg28 : memref<!tpu.dma_semaphore, #tpu.memory_space<semaphore_mem>>)
      %dma_wait3A_218 = arith.constant 0 : i32
      %dma_wait3A_219 = arith.constant 0 : i32
      %dma_wait3A_220 = tpu.memref_slice %arg2[%dma_wait3A_218, %dma_wait3A_219] : memref<50000x32xf32, #tpu.memory_space<hbm>> -> memref<50000x32xf32, #tpu.memory_space<hbm>>
      tpu.wait_indirect_dma semaphore(%arg28 : memref<!tpu.dma_semaphore, #tpu.memory_space<semaphore_mem>>) src(%dma_wait3A_220 : memref<50000x32xf32, #tpu.memory_space<hbm>>) dst(%arg24 : memref<128x32xf32, #tpu.memory_space<vmem>>)
      %dma_wait3A_221 = arith.constant 0 : i32
      %dma_wait3A_222 = arith.constant 0 : i32
      %dma_wait3A_223 = tpu.memref_slice %arg2[%dma_wait3A_221, %dma_wait3A_222] : memref<50000x32xf32, #tpu.memory_space<hbm>> -> memref<50000x32xf32, #tpu.memory_space<hbm>>
      tpu.wait_indirect_dma semaphore(%arg28 : memref<!tpu.dma_semaphore, #tpu.memory_space<semaphore_mem>>) src(%dma_wait3A_223 : memref<50000x32xf32, #tpu.memory_space<hbm>>) dst(%arg25 : memref<128x32xf32, #tpu.memory_space<vmem>>)
      %dma_start3A_224 = arith.constant 0 : i32
      %dma_start3A_225 = arith.constant 0 : i32
      %dma_start3A_226 = tpu.memref_slice %arg26[%dma_start3A_224, %dma_start3A_225] : memref<50048x32xf32, #tpu.memory_space<vmem_shared>> -> memref<50048x32xf32, #tpu.memory_space<vmem_shared>>
      tpu.enqueue_indirect_dma source(%arg24 : memref<128x32xf32, #tpu.memory_space<vmem>>) target(%dma_start3A_226 : memref<50048x32xf32, #tpu.memory_space<vmem_shared>>) offsets(%arg18 : memref<128xi32, #tpu.memory_space<vmem>>) semaphore(%arg29 : memref<!tpu.dma_semaphore, #tpu.memory_space<semaphore_mem>>) {add = true}
      %dma_start3A_227 = arith.constant 0 : i32
      %dma_start3A_228 = arith.constant 0 : i32
      %dma_start3A_229 = tpu.memref_slice %arg26[%dma_start3A_227, %dma_start3A_228] : memref<50048x32xf32, #tpu.memory_space<vmem_shared>> -> memref<50048x32xf32, #tpu.memory_space<vmem_shared>>
      tpu.enqueue_indirect_dma source(%arg25 : memref<128x32xf32, #tpu.memory_space<vmem>>) target(%dma_start3A_229 : memref<50048x32xf32, #tpu.memory_space<vmem_shared>>) offsets(%arg19 : memref<128xi32, #tpu.memory_space<vmem>>) semaphore(%arg29 : memref<!tpu.dma_semaphore, #tpu.memory_space<semaphore_mem>>) {add = true}
      %dma_wait3A_230 = arith.constant 0 : i32
      %dma_wait3A_231 = arith.constant 0 : i32
      %dma_wait3A_232 = tpu.memref_slice %arg2[%dma_wait3A_230, %dma_wait3A_231] : memref<50000x32xf32, #tpu.memory_space<hbm>> -> memref<50000x32xf32, #tpu.memory_space<hbm>>
      tpu.wait_indirect_dma semaphore(%arg28 : memref<!tpu.dma_semaphore, #tpu.memory_space<semaphore_mem>>) src(%dma_wait3A_232 : memref<50000x32xf32, #tpu.memory_space<hbm>>) dst(%arg20 : memref<128x32xf32, #tpu.memory_space<vmem>>)
      %dma_wait3A_233 = arith.constant 0 : i32
      %dma_wait3A_234 = arith.constant 0 : i32
      %dma_wait3A_235 = tpu.memref_slice %arg2[%dma_wait3A_233, %dma_wait3A_234] : memref<50000x32xf32, #tpu.memory_space<hbm>> -> memref<50000x32xf32, #tpu.memory_space<hbm>>
      tpu.wait_indirect_dma semaphore(%arg28 : memref<!tpu.dma_semaphore, #tpu.memory_space<semaphore_mem>>) src(%dma_wait3A_235 : memref<50000x32xf32, #tpu.memory_space<hbm>>) dst(%arg21 : memref<128x32xf32, #tpu.memory_space<vmem>>)
      %dma_start3A_236 = arith.constant 0 : i32
      %dma_start3A_237 = arith.constant 0 : i32
      %dma_start3A_238 = tpu.memref_slice %arg26[%dma_start3A_236, %dma_start3A_237] : memref<50048x32xf32, #tpu.memory_space<vmem_shared>> -> memref<50048x32xf32, #tpu.memory_space<vmem_shared>>
      tpu.enqueue_indirect_dma source(%arg20 : memref<128x32xf32, #tpu.memory_space<vmem>>) target(%dma_start3A_238 : memref<50048x32xf32, #tpu.memory_space<vmem_shared>>) offsets(%arg14 : memref<128xi32, #tpu.memory_space<vmem>>) semaphore(%arg29 : memref<!tpu.dma_semaphore, #tpu.memory_space<semaphore_mem>>) {add = true}
      %dma_start3A_239 = arith.constant 0 : i32
      %dma_start3A_240 = arith.constant 0 : i32
      %dma_start3A_241 = tpu.memref_slice %arg26[%dma_start3A_239, %dma_start3A_240] : memref<50048x32xf32, #tpu.memory_space<vmem_shared>> -> memref<50048x32xf32, #tpu.memory_space<vmem_shared>>
      tpu.enqueue_indirect_dma source(%arg21 : memref<128x32xf32, #tpu.memory_space<vmem>>) target(%dma_start3A_241 : memref<50048x32xf32, #tpu.memory_space<vmem_shared>>) offsets(%arg15 : memref<128xi32, #tpu.memory_space<vmem>>) semaphore(%arg29 : memref<!tpu.dma_semaphore, #tpu.memory_space<semaphore_mem>>) {add = true}
      %dma_wait3A_242 = arith.constant 0 : i32
      %dma_wait3A_243 = arith.constant 0 : i32
      %dma_wait3A_244 = tpu.memref_slice %arg26[%dma_wait3A_242, %dma_wait3A_243] : memref<50048x32xf32, #tpu.memory_space<vmem_shared>> -> memref<50048x32xf32, #tpu.memory_space<vmem_shared>>
      tpu.wait_indirect_dma semaphore(%arg29 : memref<!tpu.dma_semaphore, #tpu.memory_space<semaphore_mem>>) src(%arg22 : memref<128x32xf32, #tpu.memory_space<vmem>>) dst(%dma_wait3A_244 : memref<50048x32xf32, #tpu.memory_space<vmem_shared>>)
      %dma_wait3A_245 = arith.constant 0 : i32
      %dma_wait3A_246 = arith.constant 0 : i32
      %dma_wait3A_247 = tpu.memref_slice %arg26[%dma_wait3A_245, %dma_wait3A_246] : memref<50048x32xf32, #tpu.memory_space<vmem_shared>> -> memref<50048x32xf32, #tpu.memory_space<vmem_shared>>
      tpu.wait_indirect_dma semaphore(%arg29 : memref<!tpu.dma_semaphore, #tpu.memory_space<semaphore_mem>>) src(%arg23 : memref<128x32xf32, #tpu.memory_space<vmem>>) dst(%dma_wait3A_247 : memref<50048x32xf32, #tpu.memory_space<vmem_shared>>)
      %dma_wait3A_248 = arith.constant 0 : i32
      %dma_wait3A_249 = arith.constant 0 : i32
      %dma_wait3A_250 = tpu.memref_slice %arg26[%dma_wait3A_248, %dma_wait3A_249] : memref<50048x32xf32, #tpu.memory_space<vmem_shared>> -> memref<50048x32xf32, #tpu.memory_space<vmem_shared>>
      tpu.wait_indirect_dma semaphore(%arg29 : memref<!tpu.dma_semaphore, #tpu.memory_space<semaphore_mem>>) src(%arg24 : memref<128x32xf32, #tpu.memory_space<vmem>>) dst(%dma_wait3A_250 : memref<50048x32xf32, #tpu.memory_space<vmem_shared>>)
      %dma_wait3A_251 = arith.constant 0 : i32
      %dma_wait3A_252 = arith.constant 0 : i32
      %dma_wait3A_253 = tpu.memref_slice %arg26[%dma_wait3A_251, %dma_wait3A_252] : memref<50048x32xf32, #tpu.memory_space<vmem_shared>> -> memref<50048x32xf32, #tpu.memory_space<vmem_shared>>
      tpu.wait_indirect_dma semaphore(%arg29 : memref<!tpu.dma_semaphore, #tpu.memory_space<semaphore_mem>>) src(%arg25 : memref<128x32xf32, #tpu.memory_space<vmem>>) dst(%dma_wait3A_253 : memref<50048x32xf32, #tpu.memory_space<vmem_shared>>)
      %dma_wait3A_254 = arith.constant 0 : i32
      %dma_wait3A_255 = arith.constant 0 : i32
      %dma_wait3A_256 = tpu.memref_slice %arg26[%dma_wait3A_254, %dma_wait3A_255] : memref<50048x32xf32, #tpu.memory_space<vmem_shared>> -> memref<50048x32xf32, #tpu.memory_space<vmem_shared>>
      tpu.wait_indirect_dma semaphore(%arg29 : memref<!tpu.dma_semaphore, #tpu.memory_space<semaphore_mem>>) src(%arg20 : memref<128x32xf32, #tpu.memory_space<vmem>>) dst(%dma_wait3A_256 : memref<50048x32xf32, #tpu.memory_space<vmem_shared>>)
      %dma_wait3A_257 = arith.constant 0 : i32
      %dma_wait3A_258 = arith.constant 0 : i32
      %dma_wait3A_259 = tpu.memref_slice %arg26[%dma_wait3A_257, %dma_wait3A_258] : memref<50048x32xf32, #tpu.memory_space<vmem_shared>> -> memref<50048x32xf32, #tpu.memory_space<vmem_shared>>
      tpu.wait_indirect_dma semaphore(%arg29 : memref<!tpu.dma_semaphore, #tpu.memory_space<semaphore_mem>>) src(%arg21 : memref<128x32xf32, #tpu.memory_space<vmem>>) dst(%dma_wait3A_259 : memref<50048x32xf32, #tpu.memory_space<vmem_shared>>)
      %barrier3A_260 = arith.constant 0 : index
      tpu.barrier barrier_id(%barrier3A_260)
      "tpu.region"() ({
        %run_scoped3A = tpu.sem_alloc : memref<!tpu.dma_semaphore, #tpu.memory_space<semaphore_mem>>
        %dma_start3A_261 = arith.constant 0 : i32
        %dma_start3A_262 = tpu.memref_slice %arg6[%mul3A_7, %dma_start3A_261] : memref<50048x32xf32, #tpu.memory_space<hbm>> -> memref<3128x32xf32, #tpu.memory_space<hbm>>
        %dma_start3A_263 = arith.constant 0 : i32
        %dma_start3A_264 = tpu.memref_slice %arg26[%mul3A_7, %dma_start3A_263] : memref<50048x32xf32, #tpu.memory_space<vmem_shared>> -> memref<3128x32xf32, #tpu.memory_space<vmem_shared>>
        tpu.enqueue_dma source(%dma_start3A_264 : memref<3128x32xf32, #tpu.memory_space<vmem_shared>>) target(%dma_start3A_262 : memref<3128x32xf32, #tpu.memory_space<hbm>>) target_semaphore(%run_scoped3A : memref<!tpu.dma_semaphore, #tpu.memory_space<semaphore_mem>>)
        %dma_wait3A_265 = arith.constant 0 : i32
        %dma_wait3A_266 = tpu.memref_slice %arg6[%mul3A_7, %dma_wait3A_265] : memref<50048x32xf32, #tpu.memory_space<hbm>> -> memref<3128x32xf32, #tpu.memory_space<hbm>>
        %dma_wait3A_267 = arith.constant 0 : i32
        %dma_wait3A_268 = tpu.memref_slice %arg26[%mul3A_7, %dma_wait3A_267] : memref<50048x32xf32, #tpu.memory_space<vmem_shared>> -> memref<3128x32xf32, #tpu.memory_space<vmem_shared>>
        tpu.wait_dma2 semaphore(%run_scoped3A : memref<!tpu.dma_semaphore, #tpu.memory_space<semaphore_mem>>) src(%dma_wait3A_268 : memref<3128x32xf32, #tpu.memory_space<vmem_shared>>) dst(%dma_wait3A_266 : memref<3128x32xf32, #tpu.memory_space<hbm>>)
        tpu.yield
      }) : () -> ()
    } else {
    }
    %eq3A_2 = arith.constant 1 : i32
    %eq3A_3 = arith.cmpi eq, %arg0, %eq3A_2 : i32
    %convert_element_type3A_4 = arith.extui %eq3A_3 : i1 to i32
    %cond3A_5 = arith.constant 0 : i32
    %cond3A_6 = arith.cmpi ne, %convert_element_type3A_4, %cond3A_5 : i32
    scf.if %cond3A_6 {
      %mul3A = arith.constant 3128 : i32
      %mul3A_7 = arith.muli %arg1, %mul3A : i32
      %lt3A = arith.constant 15 : i32
      %lt3A_8 = arith.cmpi slt, %arg1, %lt3A : i32
      %convert_element_type3A_9 = arith.extui %lt3A_8 : i1 to i32
      %cond3A_10 = arith.constant 0 : i32
      %cond3A_11 = arith.cmpi ne, %convert_element_type3A_9, %cond3A_10 : i32
      scf.if %cond3A_11 {
        "tpu.region"() ({
          %run_scoped3A = tpu.sem_alloc : memref<!tpu.dma_semaphore, #tpu.memory_space<semaphore_mem>>
          %dma_start3A_261 = arith.constant 0 : i32
          %dma_start3A_262 = tpu.memref_slice %arg26[%mul3A_7, %dma_start3A_261] : memref<50048x32xf32, #tpu.memory_space<vmem_shared>> -> memref<3128x32xf32, #tpu.memory_space<vmem_shared>>
          %dma_start3A_263 = arith.constant 0 : i32
          %dma_start3A_264 = tpu.memref_slice %arg3[%mul3A_7, %dma_start3A_263] : memref<50000x32xf32, #tpu.memory_space<hbm>> -> memref<3128x32xf32, #tpu.memory_space<hbm>>
          tpu.enqueue_dma source(%dma_start3A_264 : memref<3128x32xf32, #tpu.memory_space<hbm>>) target(%dma_start3A_262 : memref<3128x32xf32, #tpu.memory_space<vmem_shared>>) target_semaphore(%run_scoped3A : memref<!tpu.dma_semaphore, #tpu.memory_space<semaphore_mem>>)
          %dma_wait3A_265 = arith.constant 0 : i32
          %dma_wait3A_266 = tpu.memref_slice %arg26[%mul3A_7, %dma_wait3A_265] : memref<50048x32xf32, #tpu.memory_space<vmem_shared>> -> memref<3128x32xf32, #tpu.memory_space<vmem_shared>>
          %dma_wait3A_267 = arith.constant 0 : i32
          %dma_wait3A_268 = tpu.memref_slice %arg3[%mul3A_7, %dma_wait3A_267] : memref<50000x32xf32, #tpu.memory_space<hbm>> -> memref<3128x32xf32, #tpu.memory_space<hbm>>
          tpu.wait_dma2 semaphore(%run_scoped3A : memref<!tpu.dma_semaphore, #tpu.memory_space<semaphore_mem>>) src(%dma_wait3A_268 : memref<3128x32xf32, #tpu.memory_space<hbm>>) dst(%dma_wait3A_266 : memref<3128x32xf32, #tpu.memory_space<vmem_shared>>)
          tpu.yield
        }) : () -> ()
      } else {
      }
      %eq3A_12 = arith.constant 15 : i32
      %eq3A_13 = arith.cmpi eq, %arg1, %eq3A_12 : i32
      %convert_element_type3A_14 = arith.extui %eq3A_13 : i1 to i32
      %cond3A_15 = arith.constant 0 : i32
      %cond3A_16 = arith.cmpi ne, %convert_element_type3A_14, %cond3A_15 : i32
      scf.if %cond3A_16 {
        "tpu.region"() ({
          %run_scoped3A = tpu.sem_alloc : memref<!tpu.dma_semaphore, #tpu.memory_space<semaphore_mem>>
          %dma_start3A_261 = arith.constant 0 : i32
          %dma_start3A_262 = tpu.memref_slice %arg26[%mul3A_7, %dma_start3A_261] : memref<50048x32xf32, #tpu.memory_space<vmem_shared>> -> memref<3080x32xf32, #tpu.memory_space<vmem_shared>>
          %dma_start3A_263 = arith.constant 0 : i32
          %dma_start3A_264 = tpu.memref_slice %arg3[%mul3A_7, %dma_start3A_263] : memref<50000x32xf32, #tpu.memory_space<hbm>> -> memref<3080x32xf32, #tpu.memory_space<hbm>>
          tpu.enqueue_dma source(%dma_start3A_264 : memref<3080x32xf32, #tpu.memory_space<hbm>>) target(%dma_start3A_262 : memref<3080x32xf32, #tpu.memory_space<vmem_shared>>) target_semaphore(%run_scoped3A : memref<!tpu.dma_semaphore, #tpu.memory_space<semaphore_mem>>)
          %dma_wait3A_265 = arith.constant 0 : i32
          %dma_wait3A_266 = tpu.memref_slice %arg26[%mul3A_7, %dma_wait3A_265] : memref<50048x32xf32, #tpu.memory_space<vmem_shared>> -> memref<3080x32xf32, #tpu.memory_space<vmem_shared>>
          %dma_wait3A_267 = arith.constant 0 : i32
          %dma_wait3A_268 = tpu.memref_slice %arg3[%mul3A_7, %dma_wait3A_267] : memref<50000x32xf32, #tpu.memory_space<hbm>> -> memref<3080x32xf32, #tpu.memory_space<hbm>>
          tpu.wait_dma2 semaphore(%run_scoped3A : memref<!tpu.dma_semaphore, #tpu.memory_space<semaphore_mem>>) src(%dma_wait3A_268 : memref<3080x32xf32, #tpu.memory_space<hbm>>) dst(%dma_wait3A_266 : memref<3080x32xf32, #tpu.memory_space<vmem_shared>>)
          tpu.yield
        }) : () -> ()
      } else {
      }
      %barrier3A = arith.constant 0 : index
      tpu.barrier barrier_id(%barrier3A)
      %mul3A_17 = arith.constant 392 : i32
      %mul3A_18 = arith.muli %arg1, %mul3A_17 : i32
      %add3A = arith.constant 0 : i32
      %add3A_19 = arith.addi %mul3A_18, %add3A : i32
      %mul3A_20 = arith.constant 128 : i32
      %mul3A_21 = arith.muli %add3A_19, %mul3A_20 : i32
      %add3A_22 = arith.constant 0 : i32
      %add3A_23 = arith.addi %mul3A_21, %add3A_22 : i32
      %dma_start3A = tpu.memref_slice %arg4[%add3A_23] : memref<802816xi32, #tpu.memory_space<hbm>> -> memref<128xi32, #tpu.memory_space<hbm>>
      %dma_start3A_24 = tpu.memref_slice %arg4[%add3A_23] : memref<802816xi32, #tpu.memory_space<hbm>> -> memref<128xi32, #tpu.memory_space<hbm>>
      tpu.enqueue_dma source(%dma_start3A_24 : memref<128xi32, #tpu.memory_space<hbm>>) target(%arg8 : memref<128xi32, #tpu.memory_space<vmem>>) target_semaphore(%arg27 : memref<!tpu.dma_semaphore, #tpu.memory_space<semaphore_mem>>)
      %add3A_25 = arith.constant 0 : i32
      %add3A_26 = arith.addi %mul3A_21, %add3A_25 : i32
      %dma_start3A_27 = tpu.memref_slice %arg5[%add3A_26] : memref<802816xi32, #tpu.memory_space<hbm>> -> memref<128xi32, #tpu.memory_space<hbm>>
      %dma_start3A_28 = tpu.memref_slice %arg5[%add3A_26] : memref<802816xi32, #tpu.memory_space<hbm>> -> memref<128xi32, #tpu.memory_space<hbm>>
      tpu.enqueue_dma source(%dma_start3A_28 : memref<128xi32, #tpu.memory_space<hbm>>) target(%arg14 : memref<128xi32, #tpu.memory_space<vmem>>) target_semaphore(%arg27 : memref<!tpu.dma_semaphore, #tpu.memory_space<semaphore_mem>>)
      %add3A_29 = arith.constant 128 : i32
      %add3A_30 = arith.addi %mul3A_21, %add3A_29 : i32
      %dma_start3A_31 = tpu.memref_slice %arg4[%add3A_30] : memref<802816xi32, #tpu.memory_space<hbm>> -> memref<128xi32, #tpu.memory_space<hbm>>
      %dma_start3A_32 = tpu.memref_slice %arg4[%add3A_30] : memref<802816xi32, #tpu.memory_space<hbm>> -> memref<128xi32, #tpu.memory_space<hbm>>
      tpu.enqueue_dma source(%dma_start3A_32 : memref<128xi32, #tpu.memory_space<hbm>>) target(%arg9 : memref<128xi32, #tpu.memory_space<vmem>>) target_semaphore(%arg27 : memref<!tpu.dma_semaphore, #tpu.memory_space<semaphore_mem>>)
      %add3A_33 = arith.constant 128 : i32
      %add3A_34 = arith.addi %mul3A_21, %add3A_33 : i32
      %dma_start3A_35 = tpu.memref_slice %arg5[%add3A_34] : memref<802816xi32, #tpu.memory_space<hbm>> -> memref<128xi32, #tpu.memory_space<hbm>>
      %dma_start3A_36 = tpu.memref_slice %arg5[%add3A_34] : memref<802816xi32, #tpu.memory_space<hbm>> -> memref<128xi32, #tpu.memory_space<hbm>>
      tpu.enqueue_dma source(%dma_start3A_36 : memref<128xi32, #tpu.memory_space<hbm>>) target(%arg15 : memref<128xi32, #tpu.memory_space<vmem>>) target_semaphore(%arg27 : memref<!tpu.dma_semaphore, #tpu.memory_space<semaphore_mem>>)
      %dma_wait3A = arith.constant 0 : i32
      %dma_wait3A_37 = tpu.memref_slice %arg4[%dma_wait3A] : memref<802816xi32, #tpu.memory_space<hbm>> -> memref<128xi32, #tpu.memory_space<hbm>>
      %dma_wait3A_38 = arith.constant 0 : i32
      %dma_wait3A_39 = tpu.memref_slice %arg4[%dma_wait3A_38] : memref<802816xi32, #tpu.memory_space<hbm>> -> memref<128xi32, #tpu.memory_space<hbm>>
      tpu.wait_dma2 semaphore(%arg27 : memref<!tpu.dma_semaphore, #tpu.memory_space<semaphore_mem>>) src(%dma_wait3A_39 : memref<128xi32, #tpu.memory_space<hbm>>) dst(%arg8 : memref<128xi32, #tpu.memory_space<vmem>>)
      %dma_wait3A_40 = arith.constant 0 : i32
      %dma_wait3A_41 = tpu.memref_slice %arg5[%dma_wait3A_40] : memref<802816xi32, #tpu.memory_space<hbm>> -> memref<128xi32, #tpu.memory_space<hbm>>
      %dma_wait3A_42 = arith.constant 0 : i32
      %dma_wait3A_43 = tpu.memref_slice %arg5[%dma_wait3A_42] : memref<802816xi32, #tpu.memory_space<hbm>> -> memref<128xi32, #tpu.memory_space<hbm>>
      tpu.wait_dma2 semaphore(%arg27 : memref<!tpu.dma_semaphore, #tpu.memory_space<semaphore_mem>>) src(%dma_wait3A_43 : memref<128xi32, #tpu.memory_space<hbm>>) dst(%arg14 : memref<128xi32, #tpu.memory_space<vmem>>)
      %dma_wait3A_44 = arith.constant 0 : i32
      %dma_wait3A_45 = tpu.memref_slice %arg4[%dma_wait3A_44] : memref<802816xi32, #tpu.memory_space<hbm>> -> memref<128xi32, #tpu.memory_space<hbm>>
      %dma_wait3A_46 = arith.constant 0 : i32
      %dma_wait3A_47 = tpu.memref_slice %arg4[%dma_wait3A_46] : memref<802816xi32, #tpu.memory_space<hbm>> -> memref<128xi32, #tpu.memory_space<hbm>>
      tpu.wait_dma2 semaphore(%arg27 : memref<!tpu.dma_semaphore, #tpu.memory_space<semaphore_mem>>) src(%dma_wait3A_47 : memref<128xi32, #tpu.memory_space<hbm>>) dst(%arg9 : memref<128xi32, #tpu.memory_space<vmem>>)
      %dma_wait3A_48 = arith.constant 0 : i32
      %dma_wait3A_49 = tpu.memref_slice %arg5[%dma_wait3A_48] : memref<802816xi32, #tpu.memory_space<hbm>> -> memref<128xi32, #tpu.memory_space<hbm>>
      %dma_wait3A_50 = arith.constant 0 : i32
      %dma_wait3A_51 = tpu.memref_slice %arg5[%dma_wait3A_50] : memref<802816xi32, #tpu.memory_space<hbm>> -> memref<128xi32, #tpu.memory_space<hbm>>
      tpu.wait_dma2 semaphore(%arg27 : memref<!tpu.dma_semaphore, #tpu.memory_space<semaphore_mem>>) src(%dma_wait3A_51 : memref<128xi32, #tpu.memory_space<hbm>>) dst(%arg15 : memref<128xi32, #tpu.memory_space<vmem>>)
      %dma_start3A_52 = arith.constant 0 : i32
      %dma_start3A_53 = arith.constant 0 : i32
      %dma_start3A_54 = tpu.memref_slice %arg3[%dma_start3A_52, %dma_start3A_53] : memref<50000x32xf32, #tpu.memory_space<hbm>> -> memref<50000x32xf32, #tpu.memory_space<hbm>>
      tpu.enqueue_indirect_dma source(%dma_start3A_54 : memref<50000x32xf32, #tpu.memory_space<hbm>>) target(%arg20 : memref<128x32xf32, #tpu.memory_space<vmem>>) offsets(%arg8 : memref<128xi32, #tpu.memory_space<vmem>>) semaphore(%arg28 : memref<!tpu.dma_semaphore, #tpu.memory_space<semaphore_mem>>)
      %dma_start3A_55 = arith.constant 0 : i32
      %dma_start3A_56 = arith.constant 0 : i32
      %dma_start3A_57 = tpu.memref_slice %arg3[%dma_start3A_55, %dma_start3A_56] : memref<50000x32xf32, #tpu.memory_space<hbm>> -> memref<50000x32xf32, #tpu.memory_space<hbm>>
      tpu.enqueue_indirect_dma source(%dma_start3A_57 : memref<50000x32xf32, #tpu.memory_space<hbm>>) target(%arg21 : memref<128x32xf32, #tpu.memory_space<vmem>>) offsets(%arg9 : memref<128xi32, #tpu.memory_space<vmem>>) semaphore(%arg28 : memref<!tpu.dma_semaphore, #tpu.memory_space<semaphore_mem>>)
      %add3A_58 = arith.constant 2 : i32
      %add3A_59 = arith.addi %mul3A_18, %add3A_58 : i32
      %mul3A_60 = arith.constant 128 : i32
      %mul3A_61 = arith.muli %add3A_59, %mul3A_60 : i32
      %add3A_62 = arith.constant 0 : i32
      %add3A_63 = arith.addi %mul3A_61, %add3A_62 : i32
      %dma_start3A_64 = tpu.memref_slice %arg4[%add3A_63] : memref<802816xi32, #tpu.memory_space<hbm>> -> memref<128xi32, #tpu.memory_space<hbm>>
      %dma_start3A_65 = tpu.memref_slice %arg4[%add3A_63] : memref<802816xi32, #tpu.memory_space<hbm>> -> memref<128xi32, #tpu.memory_space<hbm>>
      tpu.enqueue_dma source(%dma_start3A_65 : memref<128xi32, #tpu.memory_space<hbm>>) target(%arg10 : memref<128xi32, #tpu.memory_space<vmem>>) target_semaphore(%arg27 : memref<!tpu.dma_semaphore, #tpu.memory_space<semaphore_mem>>)
      %add3A_66 = arith.constant 0 : i32
      %add3A_67 = arith.addi %mul3A_61, %add3A_66 : i32
      %dma_start3A_68 = tpu.memref_slice %arg5[%add3A_67] : memref<802816xi32, #tpu.memory_space<hbm>> -> memref<128xi32, #tpu.memory_space<hbm>>
      %dma_start3A_69 = tpu.memref_slice %arg5[%add3A_67] : memref<802816xi32, #tpu.memory_space<hbm>> -> memref<128xi32, #tpu.memory_space<hbm>>
      tpu.enqueue_dma source(%dma_start3A_69 : memref<128xi32, #tpu.memory_space<hbm>>) target(%arg16 : memref<128xi32, #tpu.memory_space<vmem>>) target_semaphore(%arg27 : memref<!tpu.dma_semaphore, #tpu.memory_space<semaphore_mem>>)
      %add3A_70 = arith.constant 128 : i32
      %add3A_71 = arith.addi %mul3A_61, %add3A_70 : i32
      %dma_start3A_72 = tpu.memref_slice %arg4[%add3A_71] : memref<802816xi32, #tpu.memory_space<hbm>> -> memref<128xi32, #tpu.memory_space<hbm>>
      %dma_start3A_73 = tpu.memref_slice %arg4[%add3A_71] : memref<802816xi32, #tpu.memory_space<hbm>> -> memref<128xi32, #tpu.memory_space<hbm>>
      tpu.enqueue_dma source(%dma_start3A_73 : memref<128xi32, #tpu.memory_space<hbm>>) target(%arg11 : memref<128xi32, #tpu.memory_space<vmem>>) target_semaphore(%arg27 : memref<!tpu.dma_semaphore, #tpu.memory_space<semaphore_mem>>)
      %add3A_74 = arith.constant 128 : i32
      %add3A_75 = arith.addi %mul3A_61, %add3A_74 : i32
      %dma_start3A_76 = tpu.memref_slice %arg5[%add3A_75] : memref<802816xi32, #tpu.memory_space<hbm>> -> memref<128xi32, #tpu.memory_space<hbm>>
      %dma_start3A_77 = tpu.memref_slice %arg5[%add3A_75] : memref<802816xi32, #tpu.memory_space<hbm>> -> memref<128xi32, #tpu.memory_space<hbm>>
      tpu.enqueue_dma source(%dma_start3A_77 : memref<128xi32, #tpu.memory_space<hbm>>) target(%arg17 : memref<128xi32, #tpu.memory_space<vmem>>) target_semaphore(%arg27 : memref<!tpu.dma_semaphore, #tpu.memory_space<semaphore_mem>>)
      %dma_wait3A_78 = arith.constant 0 : i32
      %dma_wait3A_79 = tpu.memref_slice %arg4[%dma_wait3A_78] : memref<802816xi32, #tpu.memory_space<hbm>> -> memref<128xi32, #tpu.memory_space<hbm>>
      %dma_wait3A_80 = arith.constant 0 : i32
      %dma_wait3A_81 = tpu.memref_slice %arg4[%dma_wait3A_80] : memref<802816xi32, #tpu.memory_space<hbm>> -> memref<128xi32, #tpu.memory_space<hbm>>
      tpu.wait_dma2 semaphore(%arg27 : memref<!tpu.dma_semaphore, #tpu.memory_space<semaphore_mem>>) src(%dma_wait3A_81 : memref<128xi32, #tpu.memory_space<hbm>>) dst(%arg10 : memref<128xi32, #tpu.memory_space<vmem>>)
      %dma_wait3A_82 = arith.constant 0 : i32
      %dma_wait3A_83 = tpu.memref_slice %arg5[%dma_wait3A_82] : memref<802816xi32, #tpu.memory_space<hbm>> -> memref<128xi32, #tpu.memory_space<hbm>>
      %dma_wait3A_84 = arith.constant 0 : i32
      %dma_wait3A_85 = tpu.memref_slice %arg5[%dma_wait3A_84] : memref<802816xi32, #tpu.memory_space<hbm>> -> memref<128xi32, #tpu.memory_space<hbm>>
      tpu.wait_dma2 semaphore(%arg27 : memref<!tpu.dma_semaphore, #tpu.memory_space<semaphore_mem>>) src(%dma_wait3A_85 : memref<128xi32, #tpu.memory_space<hbm>>) dst(%arg16 : memref<128xi32, #tpu.memory_space<vmem>>)
      %dma_wait3A_86 = arith.constant 0 : i32
      %dma_wait3A_87 = tpu.memref_slice %arg4[%dma_wait3A_86] : memref<802816xi32, #tpu.memory_space<hbm>> -> memref<128xi32, #tpu.memory_space<hbm>>
      %dma_wait3A_88 = arith.constant 0 : i32
      %dma_wait3A_89 = tpu.memref_slice %arg4[%dma_wait3A_88] : memref<802816xi32, #tpu.memory_space<hbm>> -> memref<128xi32, #tpu.memory_space<hbm>>
      tpu.wait_dma2 semaphore(%arg27 : memref<!tpu.dma_semaphore, #tpu.memory_space<semaphore_mem>>) src(%dma_wait3A_89 : memref<128xi32, #tpu.memory_space<hbm>>) dst(%arg11 : memref<128xi32, #tpu.memory_space<vmem>>)
      %dma_wait3A_90 = arith.constant 0 : i32
      %dma_wait3A_91 = tpu.memref_slice %arg5[%dma_wait3A_90] : memref<802816xi32, #tpu.memory_space<hbm>> -> memref<128xi32, #tpu.memory_space<hbm>>
      %dma_wait3A_92 = arith.constant 0 : i32
      %dma_wait3A_93 = tpu.memref_slice %arg5[%dma_wait3A_92] : memref<802816xi32, #tpu.memory_space<hbm>> -> memref<128xi32, #tpu.memory_space<hbm>>
      tpu.wait_dma2 semaphore(%arg27 : memref<!tpu.dma_semaphore, #tpu.memory_space<semaphore_mem>>) src(%dma_wait3A_93 : memref<128xi32, #tpu.memory_space<hbm>>) dst(%arg17 : memref<128xi32, #tpu.memory_space<vmem>>)
      %dma_start3A_94 = arith.constant 0 : i32
      %dma_start3A_95 = arith.constant 0 : i32
      %dma_start3A_96 = tpu.memref_slice %arg3[%dma_start3A_94, %dma_start3A_95] : memref<50000x32xf32, #tpu.memory_space<hbm>> -> memref<50000x32xf32, #tpu.memory_space<hbm>>
      tpu.enqueue_indirect_dma source(%dma_start3A_96 : memref<50000x32xf32, #tpu.memory_space<hbm>>) target(%arg22 : memref<128x32xf32, #tpu.memory_space<vmem>>) offsets(%arg10 : memref<128xi32, #tpu.memory_space<vmem>>) semaphore(%arg28 : memref<!tpu.dma_semaphore, #tpu.memory_space<semaphore_mem>>)
      %dma_start3A_97 = arith.constant 0 : i32
      %dma_start3A_98 = arith.constant 0 : i32
      %dma_start3A_99 = tpu.memref_slice %arg3[%dma_start3A_97, %dma_start3A_98] : memref<50000x32xf32, #tpu.memory_space<hbm>> -> memref<50000x32xf32, #tpu.memory_space<hbm>>
      tpu.enqueue_indirect_dma source(%dma_start3A_99 : memref<50000x32xf32, #tpu.memory_space<hbm>>) target(%arg23 : memref<128x32xf32, #tpu.memory_space<vmem>>) offsets(%arg11 : memref<128xi32, #tpu.memory_space<vmem>>) semaphore(%arg28 : memref<!tpu.dma_semaphore, #tpu.memory_space<semaphore_mem>>)
      %add3A_100 = arith.constant 4 : i32
      %add3A_101 = arith.addi %mul3A_18, %add3A_100 : i32
      %mul3A_102 = arith.constant 128 : i32
      %mul3A_103 = arith.muli %add3A_101, %mul3A_102 : i32
      %add3A_104 = arith.constant 0 : i32
      %add3A_105 = arith.addi %mul3A_103, %add3A_104 : i32
      %dma_start3A_106 = tpu.memref_slice %arg4[%add3A_105] : memref<802816xi32, #tpu.memory_space<hbm>> -> memref<128xi32, #tpu.memory_space<hbm>>
      %dma_start3A_107 = tpu.memref_slice %arg4[%add3A_105] : memref<802816xi32, #tpu.memory_space<hbm>> -> memref<128xi32, #tpu.memory_space<hbm>>
      tpu.enqueue_dma source(%dma_start3A_107 : memref<128xi32, #tpu.memory_space<hbm>>) target(%arg12 : memref<128xi32, #tpu.memory_space<vmem>>) target_semaphore(%arg27 : memref<!tpu.dma_semaphore, #tpu.memory_space<semaphore_mem>>)
      %add3A_108 = arith.constant 0 : i32
      %add3A_109 = arith.addi %mul3A_103, %add3A_108 : i32
      %dma_start3A_110 = tpu.memref_slice %arg5[%add3A_109] : memref<802816xi32, #tpu.memory_space<hbm>> -> memref<128xi32, #tpu.memory_space<hbm>>
      %dma_start3A_111 = tpu.memref_slice %arg5[%add3A_109] : memref<802816xi32, #tpu.memory_space<hbm>> -> memref<128xi32, #tpu.memory_space<hbm>>
      tpu.enqueue_dma source(%dma_start3A_111 : memref<128xi32, #tpu.memory_space<hbm>>) target(%arg18 : memref<128xi32, #tpu.memory_space<vmem>>) target_semaphore(%arg27 : memref<!tpu.dma_semaphore, #tpu.memory_space<semaphore_mem>>)
      %add3A_112 = arith.constant 128 : i32
      %add3A_113 = arith.addi %mul3A_103, %add3A_112 : i32
      %dma_start3A_114 = tpu.memref_slice %arg4[%add3A_113] : memref<802816xi32, #tpu.memory_space<hbm>> -> memref<128xi32, #tpu.memory_space<hbm>>
      %dma_start3A_115 = tpu.memref_slice %arg4[%add3A_113] : memref<802816xi32, #tpu.memory_space<hbm>> -> memref<128xi32, #tpu.memory_space<hbm>>
      tpu.enqueue_dma source(%dma_start3A_115 : memref<128xi32, #tpu.memory_space<hbm>>) target(%arg13 : memref<128xi32, #tpu.memory_space<vmem>>) target_semaphore(%arg27 : memref<!tpu.dma_semaphore, #tpu.memory_space<semaphore_mem>>)
      %add3A_116 = arith.constant 128 : i32
      %add3A_117 = arith.addi %mul3A_103, %add3A_116 : i32
      %dma_start3A_118 = tpu.memref_slice %arg5[%add3A_117] : memref<802816xi32, #tpu.memory_space<hbm>> -> memref<128xi32, #tpu.memory_space<hbm>>
      %dma_start3A_119 = tpu.memref_slice %arg5[%add3A_117] : memref<802816xi32, #tpu.memory_space<hbm>> -> memref<128xi32, #tpu.memory_space<hbm>>
      tpu.enqueue_dma source(%dma_start3A_119 : memref<128xi32, #tpu.memory_space<hbm>>) target(%arg19 : memref<128xi32, #tpu.memory_space<vmem>>) target_semaphore(%arg27 : memref<!tpu.dma_semaphore, #tpu.memory_space<semaphore_mem>>)
      %dma_wait3A_120 = arith.constant 0 : i32
      %dma_wait3A_121 = arith.constant 0 : i32
      %dma_wait3A_122 = tpu.memref_slice %arg3[%dma_wait3A_120, %dma_wait3A_121] : memref<50000x32xf32, #tpu.memory_space<hbm>> -> memref<50000x32xf32, #tpu.memory_space<hbm>>
      tpu.wait_indirect_dma semaphore(%arg28 : memref<!tpu.dma_semaphore, #tpu.memory_space<semaphore_mem>>) src(%dma_wait3A_122 : memref<50000x32xf32, #tpu.memory_space<hbm>>) dst(%arg20 : memref<128x32xf32, #tpu.memory_space<vmem>>)
      %dma_wait3A_123 = arith.constant 0 : i32
      %dma_wait3A_124 = arith.constant 0 : i32
      %dma_wait3A_125 = tpu.memref_slice %arg3[%dma_wait3A_123, %dma_wait3A_124] : memref<50000x32xf32, #tpu.memory_space<hbm>> -> memref<50000x32xf32, #tpu.memory_space<hbm>>
      tpu.wait_indirect_dma semaphore(%arg28 : memref<!tpu.dma_semaphore, #tpu.memory_space<semaphore_mem>>) src(%dma_wait3A_125 : memref<50000x32xf32, #tpu.memory_space<hbm>>) dst(%arg21 : memref<128x32xf32, #tpu.memory_space<vmem>>)
      %dma_start3A_126 = arith.constant 0 : i32
      %dma_start3A_127 = arith.constant 0 : i32
      %dma_start3A_128 = tpu.memref_slice %arg26[%dma_start3A_126, %dma_start3A_127] : memref<50048x32xf32, #tpu.memory_space<vmem_shared>> -> memref<50048x32xf32, #tpu.memory_space<vmem_shared>>
      tpu.enqueue_indirect_dma source(%arg20 : memref<128x32xf32, #tpu.memory_space<vmem>>) target(%dma_start3A_128 : memref<50048x32xf32, #tpu.memory_space<vmem_shared>>) offsets(%arg14 : memref<128xi32, #tpu.memory_space<vmem>>) semaphore(%arg29 : memref<!tpu.dma_semaphore, #tpu.memory_space<semaphore_mem>>) {add = true}
      %dma_start3A_129 = arith.constant 0 : i32
      %dma_start3A_130 = arith.constant 0 : i32
      %dma_start3A_131 = tpu.memref_slice %arg26[%dma_start3A_129, %dma_start3A_130] : memref<50048x32xf32, #tpu.memory_space<vmem_shared>> -> memref<50048x32xf32, #tpu.memory_space<vmem_shared>>
      tpu.enqueue_indirect_dma source(%arg21 : memref<128x32xf32, #tpu.memory_space<vmem>>) target(%dma_start3A_131 : memref<50048x32xf32, #tpu.memory_space<vmem_shared>>) offsets(%arg15 : memref<128xi32, #tpu.memory_space<vmem>>) semaphore(%arg29 : memref<!tpu.dma_semaphore, #tpu.memory_space<semaphore_mem>>) {add = true}
      %dma_wait3A_132 = arith.constant 0 : i32
      %dma_wait3A_133 = tpu.memref_slice %arg4[%dma_wait3A_132] : memref<802816xi32, #tpu.memory_space<hbm>> -> memref<128xi32, #tpu.memory_space<hbm>>
      %dma_wait3A_134 = arith.constant 0 : i32
      %dma_wait3A_135 = tpu.memref_slice %arg4[%dma_wait3A_134] : memref<802816xi32, #tpu.memory_space<hbm>> -> memref<128xi32, #tpu.memory_space<hbm>>
      tpu.wait_dma2 semaphore(%arg27 : memref<!tpu.dma_semaphore, #tpu.memory_space<semaphore_mem>>) src(%dma_wait3A_135 : memref<128xi32, #tpu.memory_space<hbm>>) dst(%arg12 : memref<128xi32, #tpu.memory_space<vmem>>)
      %dma_wait3A_136 = arith.constant 0 : i32
      %dma_wait3A_137 = tpu.memref_slice %arg5[%dma_wait3A_136] : memref<802816xi32, #tpu.memory_space<hbm>> -> memref<128xi32, #tpu.memory_space<hbm>>
      %dma_wait3A_138 = arith.constant 0 : i32
      %dma_wait3A_139 = tpu.memref_slice %arg5[%dma_wait3A_138] : memref<802816xi32, #tpu.memory_space<hbm>> -> memref<128xi32, #tpu.memory_space<hbm>>
      tpu.wait_dma2 semaphore(%arg27 : memref<!tpu.dma_semaphore, #tpu.memory_space<semaphore_mem>>) src(%dma_wait3A_139 : memref<128xi32, #tpu.memory_space<hbm>>) dst(%arg18 : memref<128xi32, #tpu.memory_space<vmem>>)
      %dma_wait3A_140 = arith.constant 0 : i32
      %dma_wait3A_141 = tpu.memref_slice %arg4[%dma_wait3A_140] : memref<802816xi32, #tpu.memory_space<hbm>> -> memref<128xi32, #tpu.memory_space<hbm>>
      %dma_wait3A_142 = arith.constant 0 : i32
      %dma_wait3A_143 = tpu.memref_slice %arg4[%dma_wait3A_142] : memref<802816xi32, #tpu.memory_space<hbm>> -> memref<128xi32, #tpu.memory_space<hbm>>
      tpu.wait_dma2 semaphore(%arg27 : memref<!tpu.dma_semaphore, #tpu.memory_space<semaphore_mem>>) src(%dma_wait3A_143 : memref<128xi32, #tpu.memory_space<hbm>>) dst(%arg13 : memref<128xi32, #tpu.memory_space<vmem>>)
      %dma_wait3A_144 = arith.constant 0 : i32
      %dma_wait3A_145 = tpu.memref_slice %arg5[%dma_wait3A_144] : memref<802816xi32, #tpu.memory_space<hbm>> -> memref<128xi32, #tpu.memory_space<hbm>>
      %dma_wait3A_146 = arith.constant 0 : i32
      %dma_wait3A_147 = tpu.memref_slice %arg5[%dma_wait3A_146] : memref<802816xi32, #tpu.memory_space<hbm>> -> memref<128xi32, #tpu.memory_space<hbm>>
      tpu.wait_dma2 semaphore(%arg27 : memref<!tpu.dma_semaphore, #tpu.memory_space<semaphore_mem>>) src(%dma_wait3A_147 : memref<128xi32, #tpu.memory_space<hbm>>) dst(%arg19 : memref<128xi32, #tpu.memory_space<vmem>>)
      %dma_start3A_148 = arith.constant 0 : i32
      %dma_start3A_149 = arith.constant 0 : i32
      %dma_start3A_150 = tpu.memref_slice %arg3[%dma_start3A_148, %dma_start3A_149] : memref<50000x32xf32, #tpu.memory_space<hbm>> -> memref<50000x32xf32, #tpu.memory_space<hbm>>
      tpu.enqueue_indirect_dma source(%dma_start3A_150 : memref<50000x32xf32, #tpu.memory_space<hbm>>) target(%arg24 : memref<128x32xf32, #tpu.memory_space<vmem>>) offsets(%arg12 : memref<128xi32, #tpu.memory_space<vmem>>) semaphore(%arg28 : memref<!tpu.dma_semaphore, #tpu.memory_space<semaphore_mem>>)
      %dma_start3A_151 = arith.constant 0 : i32
      %dma_start3A_152 = arith.constant 0 : i32
      %dma_start3A_153 = tpu.memref_slice %arg3[%dma_start3A_151, %dma_start3A_152] : memref<50000x32xf32, #tpu.memory_space<hbm>> -> memref<50000x32xf32, #tpu.memory_space<hbm>>
      tpu.enqueue_indirect_dma source(%dma_start3A_153 : memref<50000x32xf32, #tpu.memory_space<hbm>>) target(%arg25 : memref<128x32xf32, #tpu.memory_space<vmem>>) offsets(%arg13 : memref<128xi32, #tpu.memory_space<vmem>>) semaphore(%arg28 : memref<!tpu.dma_semaphore, #tpu.memory_space<semaphore_mem>>)
      %dma_wait3A_154 = arith.constant 0 : i32
      %dma_wait3A_155 = arith.constant 0 : i32
      %dma_wait3A_156 = tpu.memref_slice %arg26[%dma_wait3A_154, %dma_wait3A_155] : memref<50048x32xf32, #tpu.memory_space<vmem_shared>> -> memref<50048x32xf32, #tpu.memory_space<vmem_shared>>
      tpu.wait_indirect_dma semaphore(%arg29 : memref<!tpu.dma_semaphore, #tpu.memory_space<semaphore_mem>>) src(%arg20 : memref<128x32xf32, #tpu.memory_space<vmem>>) dst(%dma_wait3A_156 : memref<50048x32xf32, #tpu.memory_space<vmem_shared>>)
      %dma_wait3A_157 = arith.constant 0 : i32
      %dma_wait3A_158 = arith.constant 0 : i32
      %dma_wait3A_159 = tpu.memref_slice %arg26[%dma_wait3A_157, %dma_wait3A_158] : memref<50048x32xf32, #tpu.memory_space<vmem_shared>> -> memref<50048x32xf32, #tpu.memory_space<vmem_shared>>
      tpu.wait_indirect_dma semaphore(%arg29 : memref<!tpu.dma_semaphore, #tpu.memory_space<semaphore_mem>>) src(%arg21 : memref<128x32xf32, #tpu.memory_space<vmem>>) dst(%dma_wait3A_159 : memref<50048x32xf32, #tpu.memory_space<vmem_shared>>)
      %add3A_160 = arith.constant 6 : i32
      %add3A_161 = arith.addi %mul3A_18, %add3A_160 : i32
      %mul3A_162 = arith.constant 128 : i32
      %mul3A_163 = arith.muli %add3A_161, %mul3A_162 : i32
      %add3A_164 = arith.constant 0 : i32
      %add3A_165 = arith.addi %mul3A_163, %add3A_164 : i32
      %dma_start3A_166 = tpu.memref_slice %arg4[%add3A_165] : memref<802816xi32, #tpu.memory_space<hbm>> -> memref<128xi32, #tpu.memory_space<hbm>>
      %dma_start3A_167 = tpu.memref_slice %arg4[%add3A_165] : memref<802816xi32, #tpu.memory_space<hbm>> -> memref<128xi32, #tpu.memory_space<hbm>>
      tpu.enqueue_dma source(%dma_start3A_167 : memref<128xi32, #tpu.memory_space<hbm>>) target(%arg8 : memref<128xi32, #tpu.memory_space<vmem>>) target_semaphore(%arg27 : memref<!tpu.dma_semaphore, #tpu.memory_space<semaphore_mem>>)
      %add3A_168 = arith.constant 0 : i32
      %add3A_169 = arith.addi %mul3A_163, %add3A_168 : i32
      %dma_start3A_170 = tpu.memref_slice %arg5[%add3A_169] : memref<802816xi32, #tpu.memory_space<hbm>> -> memref<128xi32, #tpu.memory_space<hbm>>
      %dma_start3A_171 = tpu.memref_slice %arg5[%add3A_169] : memref<802816xi32, #tpu.memory_space<hbm>> -> memref<128xi32, #tpu.memory_space<hbm>>
      tpu.enqueue_dma source(%dma_start3A_171 : memref<128xi32, #tpu.memory_space<hbm>>) target(%arg14 : memref<128xi32, #tpu.memory_space<vmem>>) target_semaphore(%arg27 : memref<!tpu.dma_semaphore, #tpu.memory_space<semaphore_mem>>)
      %add3A_172 = arith.constant 128 : i32
      %add3A_173 = arith.addi %mul3A_163, %add3A_172 : i32
      %dma_start3A_174 = tpu.memref_slice %arg4[%add3A_173] : memref<802816xi32, #tpu.memory_space<hbm>> -> memref<128xi32, #tpu.memory_space<hbm>>
      %dma_start3A_175 = tpu.memref_slice %arg4[%add3A_173] : memref<802816xi32, #tpu.memory_space<hbm>> -> memref<128xi32, #tpu.memory_space<hbm>>
      tpu.enqueue_dma source(%dma_start3A_175 : memref<128xi32, #tpu.memory_space<hbm>>) target(%arg9 : memref<128xi32, #tpu.memory_space<vmem>>) target_semaphore(%arg27 : memref<!tpu.dma_semaphore, #tpu.memory_space<semaphore_mem>>)
      %add3A_176 = arith.constant 128 : i32
      %add3A_177 = arith.addi %mul3A_163, %add3A_176 : i32
      %dma_start3A_178 = tpu.memref_slice %arg5[%add3A_177] : memref<802816xi32, #tpu.memory_space<hbm>> -> memref<128xi32, #tpu.memory_space<hbm>>
      %dma_start3A_179 = tpu.memref_slice %arg5[%add3A_177] : memref<802816xi32, #tpu.memory_space<hbm>> -> memref<128xi32, #tpu.memory_space<hbm>>
      tpu.enqueue_dma source(%dma_start3A_179 : memref<128xi32, #tpu.memory_space<hbm>>) target(%arg15 : memref<128xi32, #tpu.memory_space<vmem>>) target_semaphore(%arg27 : memref<!tpu.dma_semaphore, #tpu.memory_space<semaphore_mem>>)
      %dma_wait3A_180 = arith.constant 0 : i32
      %dma_wait3A_181 = arith.constant 0 : i32
      %dma_wait3A_182 = tpu.memref_slice %arg3[%dma_wait3A_180, %dma_wait3A_181] : memref<50000x32xf32, #tpu.memory_space<hbm>> -> memref<50000x32xf32, #tpu.memory_space<hbm>>
      tpu.wait_indirect_dma semaphore(%arg28 : memref<!tpu.dma_semaphore, #tpu.memory_space<semaphore_mem>>) src(%dma_wait3A_182 : memref<50000x32xf32, #tpu.memory_space<hbm>>) dst(%arg22 : memref<128x32xf32, #tpu.memory_space<vmem>>)
      %dma_wait3A_183 = arith.constant 0 : i32
      %dma_wait3A_184 = arith.constant 0 : i32
      %dma_wait3A_185 = tpu.memref_slice %arg3[%dma_wait3A_183, %dma_wait3A_184] : memref<50000x32xf32, #tpu.memory_space<hbm>> -> memref<50000x32xf32, #tpu.memory_space<hbm>>
      tpu.wait_indirect_dma semaphore(%arg28 : memref<!tpu.dma_semaphore, #tpu.memory_space<semaphore_mem>>) src(%dma_wait3A_185 : memref<50000x32xf32, #tpu.memory_space<hbm>>) dst(%arg23 : memref<128x32xf32, #tpu.memory_space<vmem>>)
      %dma_start3A_186 = arith.constant 0 : i32
      %dma_start3A_187 = arith.constant 0 : i32
      %dma_start3A_188 = tpu.memref_slice %arg26[%dma_start3A_186, %dma_start3A_187] : memref<50048x32xf32, #tpu.memory_space<vmem_shared>> -> memref<50048x32xf32, #tpu.memory_space<vmem_shared>>
      tpu.enqueue_indirect_dma source(%arg22 : memref<128x32xf32, #tpu.memory_space<vmem>>) target(%dma_start3A_188 : memref<50048x32xf32, #tpu.memory_space<vmem_shared>>) offsets(%arg16 : memref<128xi32, #tpu.memory_space<vmem>>) semaphore(%arg29 : memref<!tpu.dma_semaphore, #tpu.memory_space<semaphore_mem>>) {add = true}
      %dma_start3A_189 = arith.constant 0 : i32
      %dma_start3A_190 = arith.constant 0 : i32
      %dma_start3A_191 = tpu.memref_slice %arg26[%dma_start3A_189, %dma_start3A_190] : memref<50048x32xf32, #tpu.memory_space<vmem_shared>> -> memref<50048x32xf32, #tpu.memory_space<vmem_shared>>
      tpu.enqueue_indirect_dma source(%arg23 : memref<128x32xf32, #tpu.memory_space<vmem>>) target(%dma_start3A_191 : memref<50048x32xf32, #tpu.memory_space<vmem_shared>>) offsets(%arg17 : memref<128xi32, #tpu.memory_space<vmem>>) semaphore(%arg29 : memref<!tpu.dma_semaphore, #tpu.memory_space<semaphore_mem>>) {add = true}
      %scan3A = arith.constant 0 : i32
      %scan3A_192 = arith.constant 64 : i32
      %scan3A_193 = arith.addi %scan3A, %scan3A_192 : i32
      %scan3A_194 = arith.constant 1 : i32
      scf.for %scan3A_261 = %scan3A to %scan3A_193 step %scan3A_194  : i32 {
        %mul3A_262 = arith.constant 1 : i32
        %mul3A_263 = arith.muli %scan3A_261, %mul3A_262 : i32
        %add3A_264 = arith.constant 0 : i32
        %add3A_265 = arith.addi %add3A_264, %mul3A_263 : i32
        %mul3A_266 = arith.constant 3 : i32
        %mul3A_267 = arith.muli %add3A_265, %mul3A_266 : i32
        %add3A_268 = arith.constant 3 : i32
        %add3A_269 = arith.addi %add3A_268, %mul3A_267 : i32
        %add3A_270 = arith.constant 0 : i32
        %add3A_271 = arith.addi %add3A_269, %add3A_270 : i32
        %dma_wait3A_272 = arith.constant 0 : i32
        %dma_wait3A_273 = tpu.memref_slice %arg4[%dma_wait3A_272] : memref<802816xi32, #tpu.memory_space<hbm>> -> memref<128xi32, #tpu.memory_space<hbm>>
        %dma_wait3A_274 = arith.constant 0 : i32
        %dma_wait3A_275 = tpu.memref_slice %arg4[%dma_wait3A_274] : memref<802816xi32, #tpu.memory_space<hbm>> -> memref<128xi32, #tpu.memory_space<hbm>>
        tpu.wait_dma2 semaphore(%arg27 : memref<!tpu.dma_semaphore, #tpu.memory_space<semaphore_mem>>) src(%dma_wait3A_275 : memref<128xi32, #tpu.memory_space<hbm>>) dst(%arg8 : memref<128xi32, #tpu.memory_space<vmem>>)
        %dma_wait3A_276 = arith.constant 0 : i32
        %dma_wait3A_277 = tpu.memref_slice %arg5[%dma_wait3A_276] : memref<802816xi32, #tpu.memory_space<hbm>> -> memref<128xi32, #tpu.memory_space<hbm>>
        %dma_wait3A_278 = arith.constant 0 : i32
        %dma_wait3A_279 = tpu.memref_slice %arg5[%dma_wait3A_278] : memref<802816xi32, #tpu.memory_space<hbm>> -> memref<128xi32, #tpu.memory_space<hbm>>
        tpu.wait_dma2 semaphore(%arg27 : memref<!tpu.dma_semaphore, #tpu.memory_space<semaphore_mem>>) src(%dma_wait3A_279 : memref<128xi32, #tpu.memory_space<hbm>>) dst(%arg14 : memref<128xi32, #tpu.memory_space<vmem>>)
        %dma_wait3A_280 = arith.constant 0 : i32
        %dma_wait3A_281 = tpu.memref_slice %arg4[%dma_wait3A_280] : memref<802816xi32, #tpu.memory_space<hbm>> -> memref<128xi32, #tpu.memory_space<hbm>>
        %dma_wait3A_282 = arith.constant 0 : i32
        %dma_wait3A_283 = tpu.memref_slice %arg4[%dma_wait3A_282] : memref<802816xi32, #tpu.memory_space<hbm>> -> memref<128xi32, #tpu.memory_space<hbm>>
        tpu.wait_dma2 semaphore(%arg27 : memref<!tpu.dma_semaphore, #tpu.memory_space<semaphore_mem>>) src(%dma_wait3A_283 : memref<128xi32, #tpu.memory_space<hbm>>) dst(%arg9 : memref<128xi32, #tpu.memory_space<vmem>>)
        %dma_wait3A_284 = arith.constant 0 : i32
        %dma_wait3A_285 = tpu.memref_slice %arg5[%dma_wait3A_284] : memref<802816xi32, #tpu.memory_space<hbm>> -> memref<128xi32, #tpu.memory_space<hbm>>
        %dma_wait3A_286 = arith.constant 0 : i32
        %dma_wait3A_287 = tpu.memref_slice %arg5[%dma_wait3A_286] : memref<802816xi32, #tpu.memory_space<hbm>> -> memref<128xi32, #tpu.memory_space<hbm>>
        tpu.wait_dma2 semaphore(%arg27 : memref<!tpu.dma_semaphore, #tpu.memory_space<semaphore_mem>>) src(%dma_wait3A_287 : memref<128xi32, #tpu.memory_space<hbm>>) dst(%arg15 : memref<128xi32, #tpu.memory_space<vmem>>)
        %dma_start3A_288 = arith.constant 0 : i32
        %dma_start3A_289 = arith.constant 0 : i32
        %dma_start3A_290 = tpu.memref_slice %arg3[%dma_start3A_288, %dma_start3A_289] : memref<50000x32xf32, #tpu.memory_space<hbm>> -> memref<50000x32xf32, #tpu.memory_space<hbm>>
        tpu.enqueue_indirect_dma source(%dma_start3A_290 : memref<50000x32xf32, #tpu.memory_space<hbm>>) target(%arg20 : memref<128x32xf32, #tpu.memory_space<vmem>>) offsets(%arg8 : memref<128xi32, #tpu.memory_space<vmem>>) semaphore(%arg28 : memref<!tpu.dma_semaphore, #tpu.memory_space<semaphore_mem>>)
        %dma_start3A_291 = arith.constant 0 : i32
        %dma_start3A_292 = arith.constant 0 : i32
        %dma_start3A_293 = tpu.memref_slice %arg3[%dma_start3A_291, %dma_start3A_292] : memref<50000x32xf32, #tpu.memory_space<hbm>> -> memref<50000x32xf32, #tpu.memory_space<hbm>>
        tpu.enqueue_indirect_dma source(%dma_start3A_293 : memref<50000x32xf32, #tpu.memory_space<hbm>>) target(%arg21 : memref<128x32xf32, #tpu.memory_space<vmem>>) offsets(%arg9 : memref<128xi32, #tpu.memory_space<vmem>>) semaphore(%arg28 : memref<!tpu.dma_semaphore, #tpu.memory_space<semaphore_mem>>)
        %dma_wait3A_294 = arith.constant 0 : i32
        %dma_wait3A_295 = arith.constant 0 : i32
        %dma_wait3A_296 = tpu.memref_slice %arg3[%dma_wait3A_294, %dma_wait3A_295] : memref<50000x32xf32, #tpu.memory_space<hbm>> -> memref<50000x32xf32, #tpu.memory_space<hbm>>
        tpu.wait_indirect_dma semaphore(%arg28 : memref<!tpu.dma_semaphore, #tpu.memory_space<semaphore_mem>>) src(%dma_wait3A_296 : memref<50000x32xf32, #tpu.memory_space<hbm>>) dst(%arg24 : memref<128x32xf32, #tpu.memory_space<vmem>>)
        %dma_wait3A_297 = arith.constant 0 : i32
        %dma_wait3A_298 = arith.constant 0 : i32
        %dma_wait3A_299 = tpu.memref_slice %arg3[%dma_wait3A_297, %dma_wait3A_298] : memref<50000x32xf32, #tpu.memory_space<hbm>> -> memref<50000x32xf32, #tpu.memory_space<hbm>>
        tpu.wait_indirect_dma semaphore(%arg28 : memref<!tpu.dma_semaphore, #tpu.memory_space<semaphore_mem>>) src(%dma_wait3A_299 : memref<50000x32xf32, #tpu.memory_space<hbm>>) dst(%arg25 : memref<128x32xf32, #tpu.memory_space<vmem>>)
        %dma_start3A_300 = arith.constant 0 : i32
        %dma_start3A_301 = arith.constant 0 : i32
        %dma_start3A_302 = tpu.memref_slice %arg26[%dma_start3A_300, %dma_start3A_301] : memref<50048x32xf32, #tpu.memory_space<vmem_shared>> -> memref<50048x32xf32, #tpu.memory_space<vmem_shared>>
        tpu.enqueue_indirect_dma source(%arg24 : memref<128x32xf32, #tpu.memory_space<vmem>>) target(%dma_start3A_302 : memref<50048x32xf32, #tpu.memory_space<vmem_shared>>) offsets(%arg18 : memref<128xi32, #tpu.memory_space<vmem>>) semaphore(%arg29 : memref<!tpu.dma_semaphore, #tpu.memory_space<semaphore_mem>>) {add = true}
        %dma_start3A_303 = arith.constant 0 : i32
        %dma_start3A_304 = arith.constant 0 : i32
        %dma_start3A_305 = tpu.memref_slice %arg26[%dma_start3A_303, %dma_start3A_304] : memref<50048x32xf32, #tpu.memory_space<vmem_shared>> -> memref<50048x32xf32, #tpu.memory_space<vmem_shared>>
        tpu.enqueue_indirect_dma source(%arg25 : memref<128x32xf32, #tpu.memory_space<vmem>>) target(%dma_start3A_305 : memref<50048x32xf32, #tpu.memory_space<vmem_shared>>) offsets(%arg19 : memref<128xi32, #tpu.memory_space<vmem>>) semaphore(%arg29 : memref<!tpu.dma_semaphore, #tpu.memory_space<semaphore_mem>>) {add = true}
        %dma_wait3A_306 = arith.constant 0 : i32
        %dma_wait3A_307 = arith.constant 0 : i32
        %dma_wait3A_308 = tpu.memref_slice %arg26[%dma_wait3A_306, %dma_wait3A_307] : memref<50048x32xf32, #tpu.memory_space<vmem_shared>> -> memref<50048x32xf32, #tpu.memory_space<vmem_shared>>
        tpu.wait_indirect_dma semaphore(%arg29 : memref<!tpu.dma_semaphore, #tpu.memory_space<semaphore_mem>>) src(%arg22 : memref<128x32xf32, #tpu.memory_space<vmem>>) dst(%dma_wait3A_308 : memref<50048x32xf32, #tpu.memory_space<vmem_shared>>)
        %dma_wait3A_309 = arith.constant 0 : i32
        %dma_wait3A_310 = arith.constant 0 : i32
        %dma_wait3A_311 = tpu.memref_slice %arg26[%dma_wait3A_309, %dma_wait3A_310] : memref<50048x32xf32, #tpu.memory_space<vmem_shared>> -> memref<50048x32xf32, #tpu.memory_space<vmem_shared>>
        tpu.wait_indirect_dma semaphore(%arg29 : memref<!tpu.dma_semaphore, #tpu.memory_space<semaphore_mem>>) src(%arg23 : memref<128x32xf32, #tpu.memory_space<vmem>>) dst(%dma_wait3A_311 : memref<50048x32xf32, #tpu.memory_space<vmem_shared>>)
        %add3A_312 = arith.constant 1 : i32
        %add3A_313 = arith.addi %add3A_271, %add3A_312 : i32
        %mul3A_314 = arith.constant 2 : i32
        %mul3A_315 = arith.muli %add3A_313, %mul3A_314 : i32
        %add3A_316 = arith.addi %mul3A_18, %mul3A_315 : i32
        %mul3A_317 = arith.constant 128 : i32
        %mul3A_318 = arith.muli %add3A_316, %mul3A_317 : i32
        %add3A_319 = arith.constant 0 : i32
        %add3A_320 = arith.addi %mul3A_318, %add3A_319 : i32
        %dma_start3A_321 = tpu.memref_slice %arg4[%add3A_320] : memref<802816xi32, #tpu.memory_space<hbm>> -> memref<128xi32, #tpu.memory_space<hbm>>
        %dma_start3A_322 = tpu.memref_slice %arg4[%add3A_320] : memref<802816xi32, #tpu.memory_space<hbm>> -> memref<128xi32, #tpu.memory_space<hbm>>
        tpu.enqueue_dma source(%dma_start3A_322 : memref<128xi32, #tpu.memory_space<hbm>>) target(%arg10 : memref<128xi32, #tpu.memory_space<vmem>>) target_semaphore(%arg27 : memref<!tpu.dma_semaphore, #tpu.memory_space<semaphore_mem>>)
        %add3A_323 = arith.constant 0 : i32
        %add3A_324 = arith.addi %mul3A_318, %add3A_323 : i32
        %dma_start3A_325 = tpu.memref_slice %arg5[%add3A_324] : memref<802816xi32, #tpu.memory_space<hbm>> -> memref<128xi32, #tpu.memory_space<hbm>>
        %dma_start3A_326 = tpu.memref_slice %arg5[%add3A_324] : memref<802816xi32, #tpu.memory_space<hbm>> -> memref<128xi32, #tpu.memory_space<hbm>>
        tpu.enqueue_dma source(%dma_start3A_326 : memref<128xi32, #tpu.memory_space<hbm>>) target(%arg16 : memref<128xi32, #tpu.memory_space<vmem>>) target_semaphore(%arg27 : memref<!tpu.dma_semaphore, #tpu.memory_space<semaphore_mem>>)
        %add3A_327 = arith.constant 128 : i32
        %add3A_328 = arith.addi %mul3A_318, %add3A_327 : i32
        %dma_start3A_329 = tpu.memref_slice %arg4[%add3A_328] : memref<802816xi32, #tpu.memory_space<hbm>> -> memref<128xi32, #tpu.memory_space<hbm>>
        %dma_start3A_330 = tpu.memref_slice %arg4[%add3A_328] : memref<802816xi32, #tpu.memory_space<hbm>> -> memref<128xi32, #tpu.memory_space<hbm>>
        tpu.enqueue_dma source(%dma_start3A_330 : memref<128xi32, #tpu.memory_space<hbm>>) target(%arg11 : memref<128xi32, #tpu.memory_space<vmem>>) target_semaphore(%arg27 : memref<!tpu.dma_semaphore, #tpu.memory_space<semaphore_mem>>)
        %add3A_331 = arith.constant 128 : i32
        %add3A_332 = arith.addi %mul3A_318, %add3A_331 : i32
        %dma_start3A_333 = tpu.memref_slice %arg5[%add3A_332] : memref<802816xi32, #tpu.memory_space<hbm>> -> memref<128xi32, #tpu.memory_space<hbm>>
        %dma_start3A_334 = tpu.memref_slice %arg5[%add3A_332] : memref<802816xi32, #tpu.memory_space<hbm>> -> memref<128xi32, #tpu.memory_space<hbm>>
        tpu.enqueue_dma source(%dma_start3A_334 : memref<128xi32, #tpu.memory_space<hbm>>) target(%arg17 : memref<128xi32, #tpu.memory_space<vmem>>) target_semaphore(%arg27 : memref<!tpu.dma_semaphore, #tpu.memory_space<semaphore_mem>>)
        %mul3A_335 = arith.constant 3 : i32
        %mul3A_336 = arith.muli %add3A_265, %mul3A_335 : i32
        %add3A_337 = arith.constant 3 : i32
        %add3A_338 = arith.addi %add3A_337, %mul3A_336 : i32
        %add3A_339 = arith.constant 1 : i32
        %add3A_340 = arith.addi %add3A_338, %add3A_339 : i32
        %dma_wait3A_341 = arith.constant 0 : i32
        %dma_wait3A_342 = tpu.memref_slice %arg4[%dma_wait3A_341] : memref<802816xi32, #tpu.memory_space<hbm>> -> memref<128xi32, #tpu.memory_space<hbm>>
        %dma_wait3A_343 = arith.constant 0 : i32
        %dma_wait3A_344 = tpu.memref_slice %arg4[%dma_wait3A_343] : memref<802816xi32, #tpu.memory_space<hbm>> -> memref<128xi32, #tpu.memory_space<hbm>>
        tpu.wait_dma2 semaphore(%arg27 : memref<!tpu.dma_semaphore, #tpu.memory_space<semaphore_mem>>) src(%dma_wait3A_344 : memref<128xi32, #tpu.memory_space<hbm>>) dst(%arg10 : memref<128xi32, #tpu.memory_space<vmem>>)
        %dma_wait3A_345 = arith.constant 0 : i32
        %dma_wait3A_346 = tpu.memref_slice %arg5[%dma_wait3A_345] : memref<802816xi32, #tpu.memory_space<hbm>> -> memref<128xi32, #tpu.memory_space<hbm>>
        %dma_wait3A_347 = arith.constant 0 : i32
        %dma_wait3A_348 = tpu.memref_slice %arg5[%dma_wait3A_347] : memref<802816xi32, #tpu.memory_space<hbm>> -> memref<128xi32, #tpu.memory_space<hbm>>
        tpu.wait_dma2 semaphore(%arg27 : memref<!tpu.dma_semaphore, #tpu.memory_space<semaphore_mem>>) src(%dma_wait3A_348 : memref<128xi32, #tpu.memory_space<hbm>>) dst(%arg16 : memref<128xi32, #tpu.memory_space<vmem>>)
        %dma_wait3A_349 = arith.constant 0 : i32
        %dma_wait3A_350 = tpu.memref_slice %arg4[%dma_wait3A_349] : memref<802816xi32, #tpu.memory_space<hbm>> -> memref<128xi32, #tpu.memory_space<hbm>>
        %dma_wait3A_351 = arith.constant 0 : i32
        %dma_wait3A_352 = tpu.memref_slice %arg4[%dma_wait3A_351] : memref<802816xi32, #tpu.memory_space<hbm>> -> memref<128xi32, #tpu.memory_space<hbm>>
        tpu.wait_dma2 semaphore(%arg27 : memref<!tpu.dma_semaphore, #tpu.memory_space<semaphore_mem>>) src(%dma_wait3A_352 : memref<128xi32, #tpu.memory_space<hbm>>) dst(%arg11 : memref<128xi32, #tpu.memory_space<vmem>>)
        %dma_wait3A_353 = arith.constant 0 : i32
        %dma_wait3A_354 = tpu.memref_slice %arg5[%dma_wait3A_353] : memref<802816xi32, #tpu.memory_space<hbm>> -> memref<128xi32, #tpu.memory_space<hbm>>
        %dma_wait3A_355 = arith.constant 0 : i32
        %dma_wait3A_356 = tpu.memref_slice %arg5[%dma_wait3A_355] : memref<802816xi32, #tpu.memory_space<hbm>> -> memref<128xi32, #tpu.memory_space<hbm>>
        tpu.wait_dma2 semaphore(%arg27 : memref<!tpu.dma_semaphore, #tpu.memory_space<semaphore_mem>>) src(%dma_wait3A_356 : memref<128xi32, #tpu.memory_space<hbm>>) dst(%arg17 : memref<128xi32, #tpu.memory_space<vmem>>)
        %dma_start3A_357 = arith.constant 0 : i32
        %dma_start3A_358 = arith.constant 0 : i32
        %dma_start3A_359 = tpu.memref_slice %arg3[%dma_start3A_357, %dma_start3A_358] : memref<50000x32xf32, #tpu.memory_space<hbm>> -> memref<50000x32xf32, #tpu.memory_space<hbm>>
        tpu.enqueue_indirect_dma source(%dma_start3A_359 : memref<50000x32xf32, #tpu.memory_space<hbm>>) target(%arg22 : memref<128x32xf32, #tpu.memory_space<vmem>>) offsets(%arg10 : memref<128xi32, #tpu.memory_space<vmem>>) semaphore(%arg28 : memref<!tpu.dma_semaphore, #tpu.memory_space<semaphore_mem>>)
        %dma_start3A_360 = arith.constant 0 : i32
        %dma_start3A_361 = arith.constant 0 : i32
        %dma_start3A_362 = tpu.memref_slice %arg3[%dma_start3A_360, %dma_start3A_361] : memref<50000x32xf32, #tpu.memory_space<hbm>> -> memref<50000x32xf32, #tpu.memory_space<hbm>>
        tpu.enqueue_indirect_dma source(%dma_start3A_362 : memref<50000x32xf32, #tpu.memory_space<hbm>>) target(%arg23 : memref<128x32xf32, #tpu.memory_space<vmem>>) offsets(%arg11 : memref<128xi32, #tpu.memory_space<vmem>>) semaphore(%arg28 : memref<!tpu.dma_semaphore, #tpu.memory_space<semaphore_mem>>)
        %dma_wait3A_363 = arith.constant 0 : i32
        %dma_wait3A_364 = arith.constant 0 : i32
        %dma_wait3A_365 = tpu.memref_slice %arg3[%dma_wait3A_363, %dma_wait3A_364] : memref<50000x32xf32, #tpu.memory_space<hbm>> -> memref<50000x32xf32, #tpu.memory_space<hbm>>
        tpu.wait_indirect_dma semaphore(%arg28 : memref<!tpu.dma_semaphore, #tpu.memory_space<semaphore_mem>>) src(%dma_wait3A_365 : memref<50000x32xf32, #tpu.memory_space<hbm>>) dst(%arg20 : memref<128x32xf32, #tpu.memory_space<vmem>>)
        %dma_wait3A_366 = arith.constant 0 : i32
        %dma_wait3A_367 = arith.constant 0 : i32
        %dma_wait3A_368 = tpu.memref_slice %arg3[%dma_wait3A_366, %dma_wait3A_367] : memref<50000x32xf32, #tpu.memory_space<hbm>> -> memref<50000x32xf32, #tpu.memory_space<hbm>>
        tpu.wait_indirect_dma semaphore(%arg28 : memref<!tpu.dma_semaphore, #tpu.memory_space<semaphore_mem>>) src(%dma_wait3A_368 : memref<50000x32xf32, #tpu.memory_space<hbm>>) dst(%arg21 : memref<128x32xf32, #tpu.memory_space<vmem>>)
        %dma_start3A_369 = arith.constant 0 : i32
        %dma_start3A_370 = arith.constant 0 : i32
        %dma_start3A_371 = tpu.memref_slice %arg26[%dma_start3A_369, %dma_start3A_370] : memref<50048x32xf32, #tpu.memory_space<vmem_shared>> -> memref<50048x32xf32, #tpu.memory_space<vmem_shared>>
        tpu.enqueue_indirect_dma source(%arg20 : memref<128x32xf32, #tpu.memory_space<vmem>>) target(%dma_start3A_371 : memref<50048x32xf32, #tpu.memory_space<vmem_shared>>) offsets(%arg14 : memref<128xi32, #tpu.memory_space<vmem>>) semaphore(%arg29 : memref<!tpu.dma_semaphore, #tpu.memory_space<semaphore_mem>>) {add = true}
        %dma_start3A_372 = arith.constant 0 : i32
        %dma_start3A_373 = arith.constant 0 : i32
        %dma_start3A_374 = tpu.memref_slice %arg26[%dma_start3A_372, %dma_start3A_373] : memref<50048x32xf32, #tpu.memory_space<vmem_shared>> -> memref<50048x32xf32, #tpu.memory_space<vmem_shared>>
        tpu.enqueue_indirect_dma source(%arg21 : memref<128x32xf32, #tpu.memory_space<vmem>>) target(%dma_start3A_374 : memref<50048x32xf32, #tpu.memory_space<vmem_shared>>) offsets(%arg15 : memref<128xi32, #tpu.memory_space<vmem>>) semaphore(%arg29 : memref<!tpu.dma_semaphore, #tpu.memory_space<semaphore_mem>>) {add = true}
        %dma_wait3A_375 = arith.constant 0 : i32
        %dma_wait3A_376 = arith.constant 0 : i32
        %dma_wait3A_377 = tpu.memref_slice %arg26[%dma_wait3A_375, %dma_wait3A_376] : memref<50048x32xf32, #tpu.memory_space<vmem_shared>> -> memref<50048x32xf32, #tpu.memory_space<vmem_shared>>
        tpu.wait_indirect_dma semaphore(%arg29 : memref<!tpu.dma_semaphore, #tpu.memory_space<semaphore_mem>>) src(%arg24 : memref<128x32xf32, #tpu.memory_space<vmem>>) dst(%dma_wait3A_377 : memref<50048x32xf32, #tpu.memory_space<vmem_shared>>)
        %dma_wait3A_378 = arith.constant 0 : i32
        %dma_wait3A_379 = arith.constant 0 : i32
        %dma_wait3A_380 = tpu.memref_slice %arg26[%dma_wait3A_378, %dma_wait3A_379] : memref<50048x32xf32, #tpu.memory_space<vmem_shared>> -> memref<50048x32xf32, #tpu.memory_space<vmem_shared>>
        tpu.wait_indirect_dma semaphore(%arg29 : memref<!tpu.dma_semaphore, #tpu.memory_space<semaphore_mem>>) src(%arg25 : memref<128x32xf32, #tpu.memory_space<vmem>>) dst(%dma_wait3A_380 : memref<50048x32xf32, #tpu.memory_space<vmem_shared>>)
        %add3A_381 = arith.constant 1 : i32
        %add3A_382 = arith.addi %add3A_340, %add3A_381 : i32
        %mul3A_383 = arith.constant 2 : i32
        %mul3A_384 = arith.muli %add3A_382, %mul3A_383 : i32
        %add3A_385 = arith.addi %mul3A_18, %mul3A_384 : i32
        %mul3A_386 = arith.constant 128 : i32
        %mul3A_387 = arith.muli %add3A_385, %mul3A_386 : i32
        %add3A_388 = arith.constant 0 : i32
        %add3A_389 = arith.addi %mul3A_387, %add3A_388 : i32
        %dma_start3A_390 = tpu.memref_slice %arg4[%add3A_389] : memref<802816xi32, #tpu.memory_space<hbm>> -> memref<128xi32, #tpu.memory_space<hbm>>
        %dma_start3A_391 = tpu.memref_slice %arg4[%add3A_389] : memref<802816xi32, #tpu.memory_space<hbm>> -> memref<128xi32, #tpu.memory_space<hbm>>
        tpu.enqueue_dma source(%dma_start3A_391 : memref<128xi32, #tpu.memory_space<hbm>>) target(%arg12 : memref<128xi32, #tpu.memory_space<vmem>>) target_semaphore(%arg27 : memref<!tpu.dma_semaphore, #tpu.memory_space<semaphore_mem>>)
        %add3A_392 = arith.constant 0 : i32
        %add3A_393 = arith.addi %mul3A_387, %add3A_392 : i32
        %dma_start3A_394 = tpu.memref_slice %arg5[%add3A_393] : memref<802816xi32, #tpu.memory_space<hbm>> -> memref<128xi32, #tpu.memory_space<hbm>>
        %dma_start3A_395 = tpu.memref_slice %arg5[%add3A_393] : memref<802816xi32, #tpu.memory_space<hbm>> -> memref<128xi32, #tpu.memory_space<hbm>>
        tpu.enqueue_dma source(%dma_start3A_395 : memref<128xi32, #tpu.memory_space<hbm>>) target(%arg18 : memref<128xi32, #tpu.memory_space<vmem>>) target_semaphore(%arg27 : memref<!tpu.dma_semaphore, #tpu.memory_space<semaphore_mem>>)
        %add3A_396 = arith.constant 128 : i32
        %add3A_397 = arith.addi %mul3A_387, %add3A_396 : i32
        %dma_start3A_398 = tpu.memref_slice %arg4[%add3A_397] : memref<802816xi32, #tpu.memory_space<hbm>> -> memref<128xi32, #tpu.memory_space<hbm>>
        %dma_start3A_399 = tpu.memref_slice %arg4[%add3A_397] : memref<802816xi32, #tpu.memory_space<hbm>> -> memref<128xi32, #tpu.memory_space<hbm>>
        tpu.enqueue_dma source(%dma_start3A_399 : memref<128xi32, #tpu.memory_space<hbm>>) target(%arg13 : memref<128xi32, #tpu.memory_space<vmem>>) target_semaphore(%arg27 : memref<!tpu.dma_semaphore, #tpu.memory_space<semaphore_mem>>)
        %add3A_400 = arith.constant 128 : i32
        %add3A_401 = arith.addi %mul3A_387, %add3A_400 : i32
        %dma_start3A_402 = tpu.memref_slice %arg5[%add3A_401] : memref<802816xi32, #tpu.memory_space<hbm>> -> memref<128xi32, #tpu.memory_space<hbm>>
        %dma_start3A_403 = tpu.memref_slice %arg5[%add3A_401] : memref<802816xi32, #tpu.memory_space<hbm>> -> memref<128xi32, #tpu.memory_space<hbm>>
        tpu.enqueue_dma source(%dma_start3A_403 : memref<128xi32, #tpu.memory_space<hbm>>) target(%arg19 : memref<128xi32, #tpu.memory_space<vmem>>) target_semaphore(%arg27 : memref<!tpu.dma_semaphore, #tpu.memory_space<semaphore_mem>>)
        %mul3A_404 = arith.constant 3 : i32
        %mul3A_405 = arith.muli %add3A_265, %mul3A_404 : i32
        %add3A_406 = arith.constant 3 : i32
        %add3A_407 = arith.addi %add3A_406, %mul3A_405 : i32
        %add3A_408 = arith.constant 2 : i32
        %add3A_409 = arith.addi %add3A_407, %add3A_408 : i32
        %dma_wait3A_410 = arith.constant 0 : i32
        %dma_wait3A_411 = tpu.memref_slice %arg4[%dma_wait3A_410] : memref<802816xi32, #tpu.memory_space<hbm>> -> memref<128xi32, #tpu.memory_space<hbm>>
        %dma_wait3A_412 = arith.constant 0 : i32
        %dma_wait3A_413 = tpu.memref_slice %arg4[%dma_wait3A_412] : memref<802816xi32, #tpu.memory_space<hbm>> -> memref<128xi32, #tpu.memory_space<hbm>>
        tpu.wait_dma2 semaphore(%arg27 : memref<!tpu.dma_semaphore, #tpu.memory_space<semaphore_mem>>) src(%dma_wait3A_413 : memref<128xi32, #tpu.memory_space<hbm>>) dst(%arg12 : memref<128xi32, #tpu.memory_space<vmem>>)
        %dma_wait3A_414 = arith.constant 0 : i32
        %dma_wait3A_415 = tpu.memref_slice %arg5[%dma_wait3A_414] : memref<802816xi32, #tpu.memory_space<hbm>> -> memref<128xi32, #tpu.memory_space<hbm>>
        %dma_wait3A_416 = arith.constant 0 : i32
        %dma_wait3A_417 = tpu.memref_slice %arg5[%dma_wait3A_416] : memref<802816xi32, #tpu.memory_space<hbm>> -> memref<128xi32, #tpu.memory_space<hbm>>
        tpu.wait_dma2 semaphore(%arg27 : memref<!tpu.dma_semaphore, #tpu.memory_space<semaphore_mem>>) src(%dma_wait3A_417 : memref<128xi32, #tpu.memory_space<hbm>>) dst(%arg18 : memref<128xi32, #tpu.memory_space<vmem>>)
        %dma_wait3A_418 = arith.constant 0 : i32
        %dma_wait3A_419 = tpu.memref_slice %arg4[%dma_wait3A_418] : memref<802816xi32, #tpu.memory_space<hbm>> -> memref<128xi32, #tpu.memory_space<hbm>>
        %dma_wait3A_420 = arith.constant 0 : i32
        %dma_wait3A_421 = tpu.memref_slice %arg4[%dma_wait3A_420] : memref<802816xi32, #tpu.memory_space<hbm>> -> memref<128xi32, #tpu.memory_space<hbm>>
        tpu.wait_dma2 semaphore(%arg27 : memref<!tpu.dma_semaphore, #tpu.memory_space<semaphore_mem>>) src(%dma_wait3A_421 : memref<128xi32, #tpu.memory_space<hbm>>) dst(%arg13 : memref<128xi32, #tpu.memory_space<vmem>>)
        %dma_wait3A_422 = arith.constant 0 : i32
        %dma_wait3A_423 = tpu.memref_slice %arg5[%dma_wait3A_422] : memref<802816xi32, #tpu.memory_space<hbm>> -> memref<128xi32, #tpu.memory_space<hbm>>
        %dma_wait3A_424 = arith.constant 0 : i32
        %dma_wait3A_425 = tpu.memref_slice %arg5[%dma_wait3A_424] : memref<802816xi32, #tpu.memory_space<hbm>> -> memref<128xi32, #tpu.memory_space<hbm>>
        tpu.wait_dma2 semaphore(%arg27 : memref<!tpu.dma_semaphore, #tpu.memory_space<semaphore_mem>>) src(%dma_wait3A_425 : memref<128xi32, #tpu.memory_space<hbm>>) dst(%arg19 : memref<128xi32, #tpu.memory_space<vmem>>)
        %dma_start3A_426 = arith.constant 0 : i32
        %dma_start3A_427 = arith.constant 0 : i32
        %dma_start3A_428 = tpu.memref_slice %arg3[%dma_start3A_426, %dma_start3A_427] : memref<50000x32xf32, #tpu.memory_space<hbm>> -> memref<50000x32xf32, #tpu.memory_space<hbm>>
        tpu.enqueue_indirect_dma source(%dma_start3A_428 : memref<50000x32xf32, #tpu.memory_space<hbm>>) target(%arg24 : memref<128x32xf32, #tpu.memory_space<vmem>>) offsets(%arg12 : memref<128xi32, #tpu.memory_space<vmem>>) semaphore(%arg28 : memref<!tpu.dma_semaphore, #tpu.memory_space<semaphore_mem>>)
        %dma_start3A_429 = arith.constant 0 : i32
        %dma_start3A_430 = arith.constant 0 : i32
        %dma_start3A_431 = tpu.memref_slice %arg3[%dma_start3A_429, %dma_start3A_430] : memref<50000x32xf32, #tpu.memory_space<hbm>> -> memref<50000x32xf32, #tpu.memory_space<hbm>>
        tpu.enqueue_indirect_dma source(%dma_start3A_431 : memref<50000x32xf32, #tpu.memory_space<hbm>>) target(%arg25 : memref<128x32xf32, #tpu.memory_space<vmem>>) offsets(%arg13 : memref<128xi32, #tpu.memory_space<vmem>>) semaphore(%arg28 : memref<!tpu.dma_semaphore, #tpu.memory_space<semaphore_mem>>)
        %dma_wait3A_432 = arith.constant 0 : i32
        %dma_wait3A_433 = arith.constant 0 : i32
        %dma_wait3A_434 = tpu.memref_slice %arg3[%dma_wait3A_432, %dma_wait3A_433] : memref<50000x32xf32, #tpu.memory_space<hbm>> -> memref<50000x32xf32, #tpu.memory_space<hbm>>
        tpu.wait_indirect_dma semaphore(%arg28 : memref<!tpu.dma_semaphore, #tpu.memory_space<semaphore_mem>>) src(%dma_wait3A_434 : memref<50000x32xf32, #tpu.memory_space<hbm>>) dst(%arg22 : memref<128x32xf32, #tpu.memory_space<vmem>>)
        %dma_wait3A_435 = arith.constant 0 : i32
        %dma_wait3A_436 = arith.constant 0 : i32
        %dma_wait3A_437 = tpu.memref_slice %arg3[%dma_wait3A_435, %dma_wait3A_436] : memref<50000x32xf32, #tpu.memory_space<hbm>> -> memref<50000x32xf32, #tpu.memory_space<hbm>>
        tpu.wait_indirect_dma semaphore(%arg28 : memref<!tpu.dma_semaphore, #tpu.memory_space<semaphore_mem>>) src(%dma_wait3A_437 : memref<50000x32xf32, #tpu.memory_space<hbm>>) dst(%arg23 : memref<128x32xf32, #tpu.memory_space<vmem>>)
        %dma_start3A_438 = arith.constant 0 : i32
        %dma_start3A_439 = arith.constant 0 : i32
        %dma_start3A_440 = tpu.memref_slice %arg26[%dma_start3A_438, %dma_start3A_439] : memref<50048x32xf32, #tpu.memory_space<vmem_shared>> -> memref<50048x32xf32, #tpu.memory_space<vmem_shared>>
        tpu.enqueue_indirect_dma source(%arg22 : memref<128x32xf32, #tpu.memory_space<vmem>>) target(%dma_start3A_440 : memref<50048x32xf32, #tpu.memory_space<vmem_shared>>) offsets(%arg16 : memref<128xi32, #tpu.memory_space<vmem>>) semaphore(%arg29 : memref<!tpu.dma_semaphore, #tpu.memory_space<semaphore_mem>>) {add = true}
        %dma_start3A_441 = arith.constant 0 : i32
        %dma_start3A_442 = arith.constant 0 : i32
        %dma_start3A_443 = tpu.memref_slice %arg26[%dma_start3A_441, %dma_start3A_442] : memref<50048x32xf32, #tpu.memory_space<vmem_shared>> -> memref<50048x32xf32, #tpu.memory_space<vmem_shared>>
        tpu.enqueue_indirect_dma source(%arg23 : memref<128x32xf32, #tpu.memory_space<vmem>>) target(%dma_start3A_443 : memref<50048x32xf32, #tpu.memory_space<vmem_shared>>) offsets(%arg17 : memref<128xi32, #tpu.memory_space<vmem>>) semaphore(%arg29 : memref<!tpu.dma_semaphore, #tpu.memory_space<semaphore_mem>>) {add = true}
        %dma_wait3A_444 = arith.constant 0 : i32
        %dma_wait3A_445 = arith.constant 0 : i32
        %dma_wait3A_446 = tpu.memref_slice %arg26[%dma_wait3A_444, %dma_wait3A_445] : memref<50048x32xf32, #tpu.memory_space<vmem_shared>> -> memref<50048x32xf32, #tpu.memory_space<vmem_shared>>
        tpu.wait_indirect_dma semaphore(%arg29 : memref<!tpu.dma_semaphore, #tpu.memory_space<semaphore_mem>>) src(%arg20 : memref<128x32xf32, #tpu.memory_space<vmem>>) dst(%dma_wait3A_446 : memref<50048x32xf32, #tpu.memory_space<vmem_shared>>)
        %dma_wait3A_447 = arith.constant 0 : i32
        %dma_wait3A_448 = arith.constant 0 : i32
        %dma_wait3A_449 = tpu.memref_slice %arg26[%dma_wait3A_447, %dma_wait3A_448] : memref<50048x32xf32, #tpu.memory_space<vmem_shared>> -> memref<50048x32xf32, #tpu.memory_space<vmem_shared>>
        tpu.wait_indirect_dma semaphore(%arg29 : memref<!tpu.dma_semaphore, #tpu.memory_space<semaphore_mem>>) src(%arg21 : memref<128x32xf32, #tpu.memory_space<vmem>>) dst(%dma_wait3A_449 : memref<50048x32xf32, #tpu.memory_space<vmem_shared>>)
        %add3A_450 = arith.constant 1 : i32
        %add3A_451 = arith.addi %add3A_409, %add3A_450 : i32
        %mul3A_452 = arith.constant 2 : i32
        %mul3A_453 = arith.muli %add3A_451, %mul3A_452 : i32
        %add3A_454 = arith.addi %mul3A_18, %mul3A_453 : i32
        %mul3A_455 = arith.constant 128 : i32
        %mul3A_456 = arith.muli %add3A_454, %mul3A_455 : i32
        %add3A_457 = arith.constant 0 : i32
        %add3A_458 = arith.addi %mul3A_456, %add3A_457 : i32
        %dma_start3A_459 = tpu.memref_slice %arg4[%add3A_458] : memref<802816xi32, #tpu.memory_space<hbm>> -> memref<128xi32, #tpu.memory_space<hbm>>
        %dma_start3A_460 = tpu.memref_slice %arg4[%add3A_458] : memref<802816xi32, #tpu.memory_space<hbm>> -> memref<128xi32, #tpu.memory_space<hbm>>
        tpu.enqueue_dma source(%dma_start3A_460 : memref<128xi32, #tpu.memory_space<hbm>>) target(%arg8 : memref<128xi32, #tpu.memory_space<vmem>>) target_semaphore(%arg27 : memref<!tpu.dma_semaphore, #tpu.memory_space<semaphore_mem>>)
        %add3A_461 = arith.constant 0 : i32
        %add3A_462 = arith.addi %mul3A_456, %add3A_461 : i32
        %dma_start3A_463 = tpu.memref_slice %arg5[%add3A_462] : memref<802816xi32, #tpu.memory_space<hbm>> -> memref<128xi32, #tpu.memory_space<hbm>>
        %dma_start3A_464 = tpu.memref_slice %arg5[%add3A_462] : memref<802816xi32, #tpu.memory_space<hbm>> -> memref<128xi32, #tpu.memory_space<hbm>>
        tpu.enqueue_dma source(%dma_start3A_464 : memref<128xi32, #tpu.memory_space<hbm>>) target(%arg14 : memref<128xi32, #tpu.memory_space<vmem>>) target_semaphore(%arg27 : memref<!tpu.dma_semaphore, #tpu.memory_space<semaphore_mem>>)
        %add3A_465 = arith.constant 128 : i32
        %add3A_466 = arith.addi %mul3A_456, %add3A_465 : i32
        %dma_start3A_467 = tpu.memref_slice %arg4[%add3A_466] : memref<802816xi32, #tpu.memory_space<hbm>> -> memref<128xi32, #tpu.memory_space<hbm>>
        %dma_start3A_468 = tpu.memref_slice %arg4[%add3A_466] : memref<802816xi32, #tpu.memory_space<hbm>> -> memref<128xi32, #tpu.memory_space<hbm>>
        tpu.enqueue_dma source(%dma_start3A_468 : memref<128xi32, #tpu.memory_space<hbm>>) target(%arg9 : memref<128xi32, #tpu.memory_space<vmem>>) target_semaphore(%arg27 : memref<!tpu.dma_semaphore, #tpu.memory_space<semaphore_mem>>)
        %add3A_469 = arith.constant 128 : i32
        %add3A_470 = arith.addi %mul3A_456, %add3A_469 : i32
        %dma_start3A_471 = tpu.memref_slice %arg5[%add3A_470] : memref<802816xi32, #tpu.memory_space<hbm>> -> memref<128xi32, #tpu.memory_space<hbm>>
        %dma_start3A_472 = tpu.memref_slice %arg5[%add3A_470] : memref<802816xi32, #tpu.memory_space<hbm>> -> memref<128xi32, #tpu.memory_space<hbm>>
        tpu.enqueue_dma source(%dma_start3A_472 : memref<128xi32, #tpu.memory_space<hbm>>) target(%arg15 : memref<128xi32, #tpu.memory_space<vmem>>) target_semaphore(%arg27 : memref<!tpu.dma_semaphore, #tpu.memory_space<semaphore_mem>>)
      }
      %scan3A_195 = arith.constant 64 : i32
      %dma_wait3A_196 = arith.constant 0 : i32
      %dma_wait3A_197 = tpu.memref_slice %arg4[%dma_wait3A_196] : memref<802816xi32, #tpu.memory_space<hbm>> -> memref<128xi32, #tpu.memory_space<hbm>>
      %dma_wait3A_198 = arith.constant 0 : i32
      %dma_wait3A_199 = tpu.memref_slice %arg4[%dma_wait3A_198] : memref<802816xi32, #tpu.memory_space<hbm>> -> memref<128xi32, #tpu.memory_space<hbm>>
      tpu.wait_dma2 semaphore(%arg27 : memref<!tpu.dma_semaphore, #tpu.memory_space<semaphore_mem>>) src(%dma_wait3A_199 : memref<128xi32, #tpu.memory_space<hbm>>) dst(%arg8 : memref<128xi32, #tpu.memory_space<vmem>>)
      %dma_wait3A_200 = arith.constant 0 : i32
      %dma_wait3A_201 = tpu.memref_slice %arg5[%dma_wait3A_200] : memref<802816xi32, #tpu.memory_space<hbm>> -> memref<128xi32, #tpu.memory_space<hbm>>
      %dma_wait3A_202 = arith.constant 0 : i32
      %dma_wait3A_203 = tpu.memref_slice %arg5[%dma_wait3A_202] : memref<802816xi32, #tpu.memory_space<hbm>> -> memref<128xi32, #tpu.memory_space<hbm>>
      tpu.wait_dma2 semaphore(%arg27 : memref<!tpu.dma_semaphore, #tpu.memory_space<semaphore_mem>>) src(%dma_wait3A_203 : memref<128xi32, #tpu.memory_space<hbm>>) dst(%arg14 : memref<128xi32, #tpu.memory_space<vmem>>)
      %dma_wait3A_204 = arith.constant 0 : i32
      %dma_wait3A_205 = tpu.memref_slice %arg4[%dma_wait3A_204] : memref<802816xi32, #tpu.memory_space<hbm>> -> memref<128xi32, #tpu.memory_space<hbm>>
      %dma_wait3A_206 = arith.constant 0 : i32
      %dma_wait3A_207 = tpu.memref_slice %arg4[%dma_wait3A_206] : memref<802816xi32, #tpu.memory_space<hbm>> -> memref<128xi32, #tpu.memory_space<hbm>>
      tpu.wait_dma2 semaphore(%arg27 : memref<!tpu.dma_semaphore, #tpu.memory_space<semaphore_mem>>) src(%dma_wait3A_207 : memref<128xi32, #tpu.memory_space<hbm>>) dst(%arg9 : memref<128xi32, #tpu.memory_space<vmem>>)
      %dma_wait3A_208 = arith.constant 0 : i32
      %dma_wait3A_209 = tpu.memref_slice %arg5[%dma_wait3A_208] : memref<802816xi32, #tpu.memory_space<hbm>> -> memref<128xi32, #tpu.memory_space<hbm>>
      %dma_wait3A_210 = arith.constant 0 : i32
      %dma_wait3A_211 = tpu.memref_slice %arg5[%dma_wait3A_210] : memref<802816xi32, #tpu.memory_space<hbm>> -> memref<128xi32, #tpu.memory_space<hbm>>
      tpu.wait_dma2 semaphore(%arg27 : memref<!tpu.dma_semaphore, #tpu.memory_space<semaphore_mem>>) src(%dma_wait3A_211 : memref<128xi32, #tpu.memory_space<hbm>>) dst(%arg15 : memref<128xi32, #tpu.memory_space<vmem>>)
      %dma_start3A_212 = arith.constant 0 : i32
      %dma_start3A_213 = arith.constant 0 : i32
      %dma_start3A_214 = tpu.memref_slice %arg3[%dma_start3A_212, %dma_start3A_213] : memref<50000x32xf32, #tpu.memory_space<hbm>> -> memref<50000x32xf32, #tpu.memory_space<hbm>>
      tpu.enqueue_indirect_dma source(%dma_start3A_214 : memref<50000x32xf32, #tpu.memory_space<hbm>>) target(%arg20 : memref<128x32xf32, #tpu.memory_space<vmem>>) offsets(%arg8 : memref<128xi32, #tpu.memory_space<vmem>>) semaphore(%arg28 : memref<!tpu.dma_semaphore, #tpu.memory_space<semaphore_mem>>)
      %dma_start3A_215 = arith.constant 0 : i32
      %dma_start3A_216 = arith.constant 0 : i32
      %dma_start3A_217 = tpu.memref_slice %arg3[%dma_start3A_215, %dma_start3A_216] : memref<50000x32xf32, #tpu.memory_space<hbm>> -> memref<50000x32xf32, #tpu.memory_space<hbm>>
      tpu.enqueue_indirect_dma source(%dma_start3A_217 : memref<50000x32xf32, #tpu.memory_space<hbm>>) target(%arg21 : memref<128x32xf32, #tpu.memory_space<vmem>>) offsets(%arg9 : memref<128xi32, #tpu.memory_space<vmem>>) semaphore(%arg28 : memref<!tpu.dma_semaphore, #tpu.memory_space<semaphore_mem>>)
      %dma_wait3A_218 = arith.constant 0 : i32
      %dma_wait3A_219 = arith.constant 0 : i32
      %dma_wait3A_220 = tpu.memref_slice %arg3[%dma_wait3A_218, %dma_wait3A_219] : memref<50000x32xf32, #tpu.memory_space<hbm>> -> memref<50000x32xf32, #tpu.memory_space<hbm>>
      tpu.wait_indirect_dma semaphore(%arg28 : memref<!tpu.dma_semaphore, #tpu.memory_space<semaphore_mem>>) src(%dma_wait3A_220 : memref<50000x32xf32, #tpu.memory_space<hbm>>) dst(%arg24 : memref<128x32xf32, #tpu.memory_space<vmem>>)
      %dma_wait3A_221 = arith.constant 0 : i32
      %dma_wait3A_222 = arith.constant 0 : i32
      %dma_wait3A_223 = tpu.memref_slice %arg3[%dma_wait3A_221, %dma_wait3A_222] : memref<50000x32xf32, #tpu.memory_space<hbm>> -> memref<50000x32xf32, #tpu.memory_space<hbm>>
      tpu.wait_indirect_dma semaphore(%arg28 : memref<!tpu.dma_semaphore, #tpu.memory_space<semaphore_mem>>) src(%dma_wait3A_223 : memref<50000x32xf32, #tpu.memory_space<hbm>>) dst(%arg25 : memref<128x32xf32, #tpu.memory_space<vmem>>)
      %dma_start3A_224 = arith.constant 0 : i32
      %dma_start3A_225 = arith.constant 0 : i32
      %dma_start3A_226 = tpu.memref_slice %arg26[%dma_start3A_224, %dma_start3A_225] : memref<50048x32xf32, #tpu.memory_space<vmem_shared>> -> memref<50048x32xf32, #tpu.memory_space<vmem_shared>>
      tpu.enqueue_indirect_dma source(%arg24 : memref<128x32xf32, #tpu.memory_space<vmem>>) target(%dma_start3A_226 : memref<50048x32xf32, #tpu.memory_space<vmem_shared>>) offsets(%arg18 : memref<128xi32, #tpu.memory_space<vmem>>) semaphore(%arg29 : memref<!tpu.dma_semaphore, #tpu.memory_space<semaphore_mem>>) {add = true}
      %dma_start3A_227 = arith.constant 0 : i32
      %dma_start3A_228 = arith.constant 0 : i32
      %dma_start3A_229 = tpu.memref_slice %arg26[%dma_start3A_227, %dma_start3A_228] : memref<50048x32xf32, #tpu.memory_space<vmem_shared>> -> memref<50048x32xf32, #tpu.memory_space<vmem_shared>>
      tpu.enqueue_indirect_dma source(%arg25 : memref<128x32xf32, #tpu.memory_space<vmem>>) target(%dma_start3A_229 : memref<50048x32xf32, #tpu.memory_space<vmem_shared>>) offsets(%arg19 : memref<128xi32, #tpu.memory_space<vmem>>) semaphore(%arg29 : memref<!tpu.dma_semaphore, #tpu.memory_space<semaphore_mem>>) {add = true}
      %dma_wait3A_230 = arith.constant 0 : i32
      %dma_wait3A_231 = arith.constant 0 : i32
      %dma_wait3A_232 = tpu.memref_slice %arg3[%dma_wait3A_230, %dma_wait3A_231] : memref<50000x32xf32, #tpu.memory_space<hbm>> -> memref<50000x32xf32, #tpu.memory_space<hbm>>
      tpu.wait_indirect_dma semaphore(%arg28 : memref<!tpu.dma_semaphore, #tpu.memory_space<semaphore_mem>>) src(%dma_wait3A_232 : memref<50000x32xf32, #tpu.memory_space<hbm>>) dst(%arg20 : memref<128x32xf32, #tpu.memory_space<vmem>>)
      %dma_wait3A_233 = arith.constant 0 : i32
      %dma_wait3A_234 = arith.constant 0 : i32
      %dma_wait3A_235 = tpu.memref_slice %arg3[%dma_wait3A_233, %dma_wait3A_234] : memref<50000x32xf32, #tpu.memory_space<hbm>> -> memref<50000x32xf32, #tpu.memory_space<hbm>>
      tpu.wait_indirect_dma semaphore(%arg28 : memref<!tpu.dma_semaphore, #tpu.memory_space<semaphore_mem>>) src(%dma_wait3A_235 : memref<50000x32xf32, #tpu.memory_space<hbm>>) dst(%arg21 : memref<128x32xf32, #tpu.memory_space<vmem>>)
      %dma_start3A_236 = arith.constant 0 : i32
      %dma_start3A_237 = arith.constant 0 : i32
      %dma_start3A_238 = tpu.memref_slice %arg26[%dma_start3A_236, %dma_start3A_237] : memref<50048x32xf32, #tpu.memory_space<vmem_shared>> -> memref<50048x32xf32, #tpu.memory_space<vmem_shared>>
      tpu.enqueue_indirect_dma source(%arg20 : memref<128x32xf32, #tpu.memory_space<vmem>>) target(%dma_start3A_238 : memref<50048x32xf32, #tpu.memory_space<vmem_shared>>) offsets(%arg14 : memref<128xi32, #tpu.memory_space<vmem>>) semaphore(%arg29 : memref<!tpu.dma_semaphore, #tpu.memory_space<semaphore_mem>>) {add = true}
      %dma_start3A_239 = arith.constant 0 : i32
      %dma_start3A_240 = arith.constant 0 : i32
      %dma_start3A_241 = tpu.memref_slice %arg26[%dma_start3A_239, %dma_start3A_240] : memref<50048x32xf32, #tpu.memory_space<vmem_shared>> -> memref<50048x32xf32, #tpu.memory_space<vmem_shared>>
      tpu.enqueue_indirect_dma source(%arg21 : memref<128x32xf32, #tpu.memory_space<vmem>>) target(%dma_start3A_241 : memref<50048x32xf32, #tpu.memory_space<vmem_shared>>) offsets(%arg15 : memref<128xi32, #tpu.memory_space<vmem>>) semaphore(%arg29 : memref<!tpu.dma_semaphore, #tpu.memory_space<semaphore_mem>>) {add = true}
      %dma_wait3A_242 = arith.constant 0 : i32
      %dma_wait3A_243 = arith.constant 0 : i32
      %dma_wait3A_244 = tpu.memref_slice %arg26[%dma_wait3A_242, %dma_wait3A_243] : memref<50048x32xf32, #tpu.memory_space<vmem_shared>> -> memref<50048x32xf32, #tpu.memory_space<vmem_shared>>
      tpu.wait_indirect_dma semaphore(%arg29 : memref<!tpu.dma_semaphore, #tpu.memory_space<semaphore_mem>>) src(%arg22 : memref<128x32xf32, #tpu.memory_space<vmem>>) dst(%dma_wait3A_244 : memref<50048x32xf32, #tpu.memory_space<vmem_shared>>)
      %dma_wait3A_245 = arith.constant 0 : i32
      %dma_wait3A_246 = arith.constant 0 : i32
      %dma_wait3A_247 = tpu.memref_slice %arg26[%dma_wait3A_245, %dma_wait3A_246] : memref<50048x32xf32, #tpu.memory_space<vmem_shared>> -> memref<50048x32xf32, #tpu.memory_space<vmem_shared>>
      tpu.wait_indirect_dma semaphore(%arg29 : memref<!tpu.dma_semaphore, #tpu.memory_space<semaphore_mem>>) src(%arg23 : memref<128x32xf32, #tpu.memory_space<vmem>>) dst(%dma_wait3A_247 : memref<50048x32xf32, #tpu.memory_space<vmem_shared>>)
      %dma_wait3A_248 = arith.constant 0 : i32
      %dma_wait3A_249 = arith.constant 0 : i32
      %dma_wait3A_250 = tpu.memref_slice %arg26[%dma_wait3A_248, %dma_wait3A_249] : memref<50048x32xf32, #tpu.memory_space<vmem_shared>> -> memref<50048x32xf32, #tpu.memory_space<vmem_shared>>
      tpu.wait_indirect_dma semaphore(%arg29 : memref<!tpu.dma_semaphore, #tpu.memory_space<semaphore_mem>>) src(%arg24 : memref<128x32xf32, #tpu.memory_space<vmem>>) dst(%dma_wait3A_250 : memref<50048x32xf32, #tpu.memory_space<vmem_shared>>)
      %dma_wait3A_251 = arith.constant 0 : i32
      %dma_wait3A_252 = arith.constant 0 : i32
      %dma_wait3A_253 = tpu.memref_slice %arg26[%dma_wait3A_251, %dma_wait3A_252] : memref<50048x32xf32, #tpu.memory_space<vmem_shared>> -> memref<50048x32xf32, #tpu.memory_space<vmem_shared>>
      tpu.wait_indirect_dma semaphore(%arg29 : memref<!tpu.dma_semaphore, #tpu.memory_space<semaphore_mem>>) src(%arg25 : memref<128x32xf32, #tpu.memory_space<vmem>>) dst(%dma_wait3A_253 : memref<50048x32xf32, #tpu.memory_space<vmem_shared>>)
      %dma_wait3A_254 = arith.constant 0 : i32
      %dma_wait3A_255 = arith.constant 0 : i32
      %dma_wait3A_256 = tpu.memref_slice %arg26[%dma_wait3A_254, %dma_wait3A_255] : memref<50048x32xf32, #tpu.memory_space<vmem_shared>> -> memref<50048x32xf32, #tpu.memory_space<vmem_shared>>
      tpu.wait_indirect_dma semaphore(%arg29 : memref<!tpu.dma_semaphore, #tpu.memory_space<semaphore_mem>>) src(%arg20 : memref<128x32xf32, #tpu.memory_space<vmem>>) dst(%dma_wait3A_256 : memref<50048x32xf32, #tpu.memory_space<vmem_shared>>)
      %dma_wait3A_257 = arith.constant 0 : i32
      %dma_wait3A_258 = arith.constant 0 : i32
      %dma_wait3A_259 = tpu.memref_slice %arg26[%dma_wait3A_257, %dma_wait3A_258] : memref<50048x32xf32, #tpu.memory_space<vmem_shared>> -> memref<50048x32xf32, #tpu.memory_space<vmem_shared>>
      tpu.wait_indirect_dma semaphore(%arg29 : memref<!tpu.dma_semaphore, #tpu.memory_space<semaphore_mem>>) src(%arg21 : memref<128x32xf32, #tpu.memory_space<vmem>>) dst(%dma_wait3A_259 : memref<50048x32xf32, #tpu.memory_space<vmem_shared>>)
      %barrier3A_260 = arith.constant 0 : index
      tpu.barrier barrier_id(%barrier3A_260)
      "tpu.region"() ({
        %run_scoped3A = tpu.sem_alloc : memref<!tpu.dma_semaphore, #tpu.memory_space<semaphore_mem>>
        %dma_start3A_261 = arith.constant 0 : i32
        %dma_start3A_262 = tpu.memref_slice %arg7[%mul3A_7, %dma_start3A_261] : memref<50048x32xf32, #tpu.memory_space<hbm>> -> memref<3128x32xf32, #tpu.memory_space<hbm>>
        %dma_start3A_263 = arith.constant 0 : i32
        %dma_start3A_264 = tpu.memref_slice %arg26[%mul3A_7, %dma_start3A_263] : memref<50048x32xf32, #tpu.memory_space<vmem_shared>> -> memref<3128x32xf32, #tpu.memory_space<vmem_shared>>
        tpu.enqueue_dma source(%dma_start3A_264 : memref<3128x32xf32, #tpu.memory_space<vmem_shared>>) target(%dma_start3A_262 : memref<3128x32xf32, #tpu.memory_space<hbm>>) target_semaphore(%run_scoped3A : memref<!tpu.dma_semaphore, #tpu.memory_space<semaphore_mem>>)
        %dma_wait3A_265 = arith.constant 0 : i32
        %dma_wait3A_266 = tpu.memref_slice %arg7[%mul3A_7, %dma_wait3A_265] : memref<50048x32xf32, #tpu.memory_space<hbm>> -> memref<3128x32xf32, #tpu.memory_space<hbm>>
        %dma_wait3A_267 = arith.constant 0 : i32
        %dma_wait3A_268 = tpu.memref_slice %arg26[%mul3A_7, %dma_wait3A_267] : memref<50048x32xf32, #tpu.memory_space<vmem_shared>> -> memref<3128x32xf32, #tpu.memory_space<vmem_shared>>
        tpu.wait_dma2 semaphore(%run_scoped3A : memref<!tpu.dma_semaphore, #tpu.memory_space<semaphore_mem>>) src(%dma_wait3A_268 : memref<3128x32xf32, #tpu.memory_space<vmem_shared>>) dst(%dma_wait3A_266 : memref<3128x32xf32, #tpu.memory_space<hbm>>)
        tpu.yield
      }) : () -> ()
    } else {
    }
    return
  }
}

module attributes {stable_mosaic.version = 14 : i64} {
  func.func @_lin0_body(%arg0: i32, %arg1: memref<2000x25xf32, #tpu.memory_space<vmem>>, %arg2: memref<32x25xf32, #tpu.memory_space<vmem>>, %arg3: memref<32x25xf32, #tpu.memory_space<vmem>>, %arg4: memref<1x64xf32, #tpu.memory_space<vmem>>, %arg5: memref<2000x32xf32, #tpu.memory_space<vmem>>, %arg6: memref<2000x32xf32, #tpu.memory_space<vmem>>) attributes {dimension_semantics = [#tpu.dimension_semantics<arbitrary>], iteration_bounds = array<i64: 25>, scalar_prefetch = 0 : i64, scratch_operands = 0 : i64, tpu.core_type = #tpu.core_type<tc>, window_params = [{transform_indices = @transform_0, window_bounds = array<i64: 2000, 25>}, {pipeline_mode = #tpu.pipeline_mode<synchronous>, transform_indices = @transform_1, window_bounds = array<i64: 32, 25>}, {pipeline_mode = #tpu.pipeline_mode<synchronous>, transform_indices = @transform_2, window_bounds = array<i64: 32, 25>}, {pipeline_mode = #tpu.pipeline_mode<synchronous>, transform_indices = @transform_3, window_bounds = array<i64: 1, 64>}, {transform_indices = @transform_4, window_bounds = array<i64: 2000, 32>}, {transform_indices = @transform_5, window_bounds = array<i64: 2000, 32>}]} {
    %get3A = arith.constant 0 : index
    %get3A_0 = arith.constant 0 : index
    %get3A_1 = vector.load %arg1[%get3A, %get3A_0] : memref<2000x25xf32, #tpu.memory_space<vmem>>, vector<2000x25xf32>
    %get3A_2 = arith.constant 0 : index
    %get3A_3 = arith.constant 0 : index
    %get3A_4 = vector.load %arg4[%get3A_2, %get3A_3] : memref<1x64xf32, #tpu.memory_space<vmem>>, vector<1x64xf32>
    %get3A_5 = arith.constant 0 : index
    %get3A_6 = arith.constant 0 : index
    %get3A_7 = vector.load %arg2[%get3A_5, %get3A_6] : memref<32x25xf32, #tpu.memory_space<vmem>>, vector<32x25xf32>
    %dot_general3A = arith.constant dense<0.000000e+00> : vector<2000x32xf32>
    %dot_general3A_8 = tpu.matmul %get3A_1, %get3A_7, %dot_general3A {dimension_numbers = #tpu.dot_dimension_numbers<[1], [1], [0], [0], [0, 0, 1, 0], [], []>, transpose_lhs_hint = false} : vector<2000x25xf32>, vector<32x25xf32>, vector<2000x32xf32> -> vector<2000x32xf32>
    %get3A_9 = arith.constant 0 : index
    %get3A_10 = arith.constant 0 : index
    %get3A_11 = vector.load %arg3[%get3A_9, %get3A_10] : memref<32x25xf32, #tpu.memory_space<vmem>>, vector<32x25xf32>
    %dot_general3A_12 = arith.constant dense<0.000000e+00> : vector<2000x32xf32>
    %dot_general3A_13 = tpu.matmul %get3A_1, %get3A_11, %dot_general3A_12 {dimension_numbers = #tpu.dot_dimension_numbers<[1], [1], [0], [0], [0, 0, 1, 0], [], []>, transpose_lhs_hint = false} : vector<2000x25xf32>, vector<32x25xf32>, vector<2000x32xf32> -> vector<2000x32xf32>
    %slice3A = vector.extract_strided_slice %get3A_4 {offsets = [0, 0], sizes = [1, 32], strides = [1, 1]} : vector<1x64xf32> to vector<1x32xf32>
    %add3A = vector.broadcast %slice3A : vector<1x32xf32> to vector<2000x32xf32>
    %add3A_14 = arith.addf %dot_general3A_8, %add3A : vector<2000x32xf32>
    %max3A = arith.constant 0.000000e+00 : f32
    %max3A_15 = vector.broadcast %max3A : f32 to vector<2000x32xf32>
    %max3A_16 = arith.maximumf %add3A_14, %max3A_15 : vector<2000x32xf32>
    %swap3A = arith.constant 0 : index
    %swap3A_17 = arith.constant 0 : index
    %swap3A_18 = vector.load %arg5[%swap3A, %swap3A_17] : memref<2000x32xf32, #tpu.memory_space<vmem>>, vector<2000x32xf32>
    tpu.vector_store %arg5[%swap3A, %swap3A_17], %max3A_16 {strides = array<i32>} : memref<2000x32xf32, #tpu.memory_space<vmem>>, vector<2000x32xf32>,
    %slice3A_19 = vector.extract_strided_slice %get3A_4 {offsets = [0, 32], sizes = [1, 32], strides = [1, 1]} : vector<1x64xf32> to vector<1x32xf32>
    %add3A_20 = vector.broadcast %slice3A_19 : vector<1x32xf32> to vector<2000x32xf32>
    %add3A_21 = arith.addf %dot_general3A_13, %add3A_20 : vector<2000x32xf32>
    %max3A_22 = arith.constant 0.000000e+00 : f32
    %max3A_23 = vector.broadcast %max3A_22 : f32 to vector<2000x32xf32>
    %max3A_24 = arith.maximumf %add3A_21, %max3A_23 : vector<2000x32xf32>
    %swap3A_25 = arith.constant 0 : index
    %swap3A_26 = arith.constant 0 : index
    %swap3A_27 = vector.load %arg6[%swap3A_25, %swap3A_26] : memref<2000x32xf32, #tpu.memory_space<vmem>>, vector<2000x32xf32>
    tpu.vector_store %arg6[%swap3A_25, %swap3A_26], %max3A_24 {strides = array<i32>} : memref<2000x32xf32, #tpu.memory_space<vmem>>, vector<2000x32xf32>,
    return
  }
  func.func @transform_0(%arg0: i32) -> (i32, i32) {
    %c0_i32 = arith.constant 0 : i32
    %c0_i32_0 = arith.constant 0 : i32
    return %arg0, %c0_i32 : i32, i32
  }
  func.func @transform_1(%arg0: i32) -> (i32, i32) {
    %c0_i32 = arith.constant 0 : i32
    %c0_i32_0 = arith.constant 0 : i32
    %c0_i32_1 = arith.constant 0 : i32
    return %c0_i32, %c0_i32_0 : i32, i32
  }
  func.func @transform_2(%arg0: i32) -> (i32, i32) {
    %c0_i32 = arith.constant 0 : i32
    %c0_i32_0 = arith.constant 0 : i32
    %c0_i32_1 = arith.constant 0 : i32
    return %c0_i32, %c0_i32_0 : i32, i32
  }
  func.func @transform_3(%arg0: i32) -> (i32, i32) {
    %c0_i32 = arith.constant 0 : i32
    %c0_i32_0 = arith.constant 0 : i32
    %c0_i32_1 = arith.constant 0 : i32
    return %c0_i32, %c0_i32_0 : i32, i32
  }
  func.func @transform_4(%arg0: i32) -> (i32, i32) {
    %c0_i32 = arith.constant 0 : i32
    %c0_i32_0 = arith.constant 0 : i32
    return %arg0, %c0_i32 : i32, i32
  }
  func.func @transform_5(%arg0: i32) -> (i32, i32) {
    %c0_i32 = arith.constant 0 : i32
    %c0_i32_0 = arith.constant 0 : i32
    return %arg0, %c0_i32 : i32, i32
  }
}

module attributes {stable_mosaic.version = 14 : i64} {
  func.func @_conv_body(%arg0: i32, %arg1: memref<2000x32xf32, #tpu.memory_space<vmem>>, %arg2: memref<2000x32xf32, #tpu.memory_space<vmem>>, %arg3: memref<64x32xf32, #tpu.memory_space<vmem>>, %arg4: memref<64x32xf32, #tpu.memory_space<vmem>>, %arg5: memref<1x64xf32, #tpu.memory_space<vmem>>, %arg6: memref<2000x64xf32, #tpu.memory_space<vmem>>) attributes {dimension_semantics = [#tpu.dimension_semantics<arbitrary>], iteration_bounds = array<i64: 25>, scalar_prefetch = 0 : i64, scratch_operands = 0 : i64, tpu.core_type = #tpu.core_type<tc>, window_params = [{transform_indices = @transform_0, window_bounds = array<i64: 2000, 32>}, {transform_indices = @transform_1, window_bounds = array<i64: 2000, 32>}, {pipeline_mode = #tpu.pipeline_mode<synchronous>, transform_indices = @transform_2, window_bounds = array<i64: 64, 32>}, {pipeline_mode = #tpu.pipeline_mode<synchronous>, transform_indices = @transform_3, window_bounds = array<i64: 64, 32>}, {pipeline_mode = #tpu.pipeline_mode<synchronous>, transform_indices = @transform_4, window_bounds = array<i64: 1, 64>}, {transform_indices = @transform_5, window_bounds = array<i64: 2000, 64>}]} {
    %get3A = arith.constant 0 : index
    %get3A_0 = arith.constant 0 : index
    %get3A_1 = vector.load %arg1[%get3A, %get3A_0] : memref<2000x32xf32, #tpu.memory_space<vmem>>, vector<2000x32xf32>
    %get3A_2 = arith.constant 0 : index
    %get3A_3 = arith.constant 0 : index
    %get3A_4 = vector.load %arg2[%get3A_2, %get3A_3] : memref<2000x32xf32, #tpu.memory_space<vmem>>, vector<2000x32xf32>
    %get3A_5 = arith.constant 0 : index
    %get3A_6 = arith.constant 0 : index
    %get3A_7 = vector.load %arg3[%get3A_5, %get3A_6] : memref<64x32xf32, #tpu.memory_space<vmem>>, vector<64x32xf32>
    %dot_general3A = arith.constant dense<0.000000e+00> : vector<2000x64xf32>
    %dot_general3A_8 = tpu.matmul %get3A_1, %get3A_7, %dot_general3A {dimension_numbers = #tpu.dot_dimension_numbers<[1], [1], [0], [0], [0, 0, 1, 0], [], []>, transpose_lhs_hint = false} : vector<2000x32xf32>, vector<64x32xf32>, vector<2000x64xf32> -> vector<2000x64xf32>
    %get3A_9 = arith.constant 0 : index
    %get3A_10 = arith.constant 0 : index
    %get3A_11 = vector.load %arg4[%get3A_9, %get3A_10] : memref<64x32xf32, #tpu.memory_space<vmem>>, vector<64x32xf32>
    %dot_general3A_12 = arith.constant dense<0.000000e+00> : vector<2000x64xf32>
    %dot_general3A_13 = tpu.matmul %get3A_4, %get3A_11, %dot_general3A_12 {dimension_numbers = #tpu.dot_dimension_numbers<[1], [1], [0], [0], [0, 0, 1, 0], [], []>, transpose_lhs_hint = false} : vector<2000x32xf32>, vector<64x32xf32>, vector<2000x64xf32> -> vector<2000x64xf32>
    %add3A = arith.addf %dot_general3A_8, %dot_general3A_13 : vector<2000x64xf32>
    %get3A_14 = arith.constant 0 : index
    %get3A_15 = arith.constant 0 : index
    %get3A_16 = vector.load %arg5[%get3A_14, %get3A_15] : memref<1x64xf32, #tpu.memory_space<vmem>>, vector<1x64xf32>
    %add3A_17 = vector.broadcast %get3A_16 : vector<1x64xf32> to vector<2000x64xf32>
    %add3A_18 = arith.addf %add3A, %add3A_17 : vector<2000x64xf32>
    %max3A = arith.constant 0.000000e+00 : f32
    %max3A_19 = vector.broadcast %max3A : f32 to vector<2000x64xf32>
    %max3A_20 = arith.maximumf %add3A_18, %max3A_19 : vector<2000x64xf32>
    %swap3A = arith.constant 0 : index
    %swap3A_21 = arith.constant 0 : index
    %swap3A_22 = vector.load %arg6[%swap3A, %swap3A_21] : memref<2000x64xf32, #tpu.memory_space<vmem>>, vector<2000x64xf32>
    tpu.vector_store %arg6[%swap3A, %swap3A_21], %max3A_20 {strides = array<i32>} : memref<2000x64xf32, #tpu.memory_space<vmem>>, vector<2000x64xf32>,
    return
  }
  func.func @transform_0(%arg0: i32) -> (i32, i32) {
    %c0_i32 = arith.constant 0 : i32
    %c0_i32_0 = arith.constant 0 : i32
    return %arg0, %c0_i32 : i32, i32
  }
  func.func @transform_1(%arg0: i32) -> (i32, i32) {
    %c0_i32 = arith.constant 0 : i32
    %c0_i32_0 = arith.constant 0 : i32
    return %arg0, %c0_i32 : i32, i32
  }
  func.func @transform_2(%arg0: i32) -> (i32, i32) {
    %c0_i32 = arith.constant 0 : i32
    %c0_i32_0 = arith.constant 0 : i32
    %c0_i32_1 = arith.constant 0 : i32
    return %c0_i32, %c0_i32_0 : i32, i32
  }
  func.func @transform_3(%arg0: i32) -> (i32, i32) {
    %c0_i32 = arith.constant 0 : i32
    %c0_i32_0 = arith.constant 0 : i32
    %c0_i32_1 = arith.constant 0 : i32
    return %c0_i32, %c0_i32_0 : i32, i32
  }
  func.func @transform_4(%arg0: i32) -> (i32, i32) {
    %c0_i32 = arith.constant 0 : i32
    %c0_i32_0 = arith.constant 0 : i32
    %c0_i32_1 = arith.constant 0 : i32
    return %c0_i32, %c0_i32_0 : i32, i32
  }
  func.func @transform_5(%arg0: i32) -> (i32, i32) {
    %c0_i32 = arith.constant 0 : i32
    %c0_i32_0 = arith.constant 0 : i32
    return %arg0, %c0_i32 : i32, i32
  }
}

module attributes {stable_mosaic.version = 14 : i64} {
  func.func @_set2set_body(%arg0: i32, %arg1: memref<25xi32, #tpu.memory_space<smem>>, %arg2: memref<2000x64xf32, #tpu.memory_space<vmem>>, %arg3: memref<1x1x2000xi32, #tpu.memory_space<vmem>>, %arg4: memref<256x128xf32, #tpu.memory_space<vmem>>, %arg5: memref<256x64xf32, #tpu.memory_space<vmem>>, %arg6: memref<1x256xf32, #tpu.memory_space<vmem>>, %arg7: memref<64x128xf32, #tpu.memory_space<vmem>>, %arg8: memref<1x64xf32, #tpu.memory_space<vmem>>, %arg9: memref<1x64xf32, #tpu.memory_space<vmem>>, %arg10: memref<1x1xf32, #tpu.memory_space<vmem>>, %arg11: memref<1x128xf32, #tpu.memory_space<vmem>>, %arg12: memref<128x1xf32, #tpu.memory_space<vmem>>, %arg13: memref<128x1xf32, #tpu.memory_space<vmem>>, %arg14: memref<128x64xf32, #tpu.memory_space<vmem>>, %arg15: memref<128x64xf32, #tpu.memory_space<vmem>>, %arg16: memref<128x64xf32, #tpu.memory_space<vmem>>, %arg17: memref<128x128xf32, #tpu.memory_space<vmem>>) attributes {dimension_semantics = [#tpu.dimension_semantics<arbitrary>], iteration_bounds = array<i64: 76>, scalar_prefetch = 1 : i64, scratch_operands = 6 : i64, tpu.core_type = #tpu.core_type<tc>, window_params = [{transform_indices = @transform_0, window_bounds = array<i64: 2000, 64>}, {transform_indices = @transform_1, window_bounds = array<i64: 1, 1, 2000>}, {pipeline_mode = #tpu.pipeline_mode<synchronous>, transform_indices = @transform_2, window_bounds = array<i64: 256, 128>}, {pipeline_mode = #tpu.pipeline_mode<synchronous>, transform_indices = @transform_3, window_bounds = array<i64: 256, 64>}, {pipeline_mode = #tpu.pipeline_mode<synchronous>, transform_indices = @transform_4, window_bounds = array<i64: 1, 256>}, {pipeline_mode = #tpu.pipeline_mode<synchronous>, transform_indices = @transform_5, window_bounds = array<i64: 64, 128>}, {pipeline_mode = #tpu.pipeline_mode<synchronous>, transform_indices = @transform_6, window_bounds = array<i64: 1, 64>}, {pipeline_mode = #tpu.pipeline_mode<synchronous>, transform_indices = @transform_7, window_bounds = array<i64: 1, 64>}, {pipeline_mode = #tpu.pipeline_mode<synchronous>, transform_indices = @transform_8, window_bounds = array<i64: 1, 1>}, {pipeline_mode = #tpu.pipeline_mode<synchronous>, transform_indices = @transform_9, window_bounds = array<i64: 1, 128>}]} {
    %jit3A = arith.constant 25 : i32
    %eq3A = arith.constant 0 : i32
    %eq3A_0 = arith.cmpi eq, %jit3A, %eq3A : i32
    %jit3A_1 = arith.constant 1 : i32
    %select_n3A = arith.select %eq3A_0, %jit3A_1, %jit3A : i32
    %rem3A = arith.remsi %arg0, %select_n3A : i32
    %ne3A = arith.constant 0 : i32
    %ne3A_2 = arith.cmpi ne, %rem3A, %ne3A : i32
    %lt3A = arith.constant 0 : i32
    %lt3A_3 = arith.cmpi slt, %rem3A, %lt3A : i32
    %lt3A_4 = arith.constant 0 : i32
    %lt3A_5 = arith.cmpi slt, %select_n3A, %lt3A_4 : i32
    %ne3A_6 = arith.xori %lt3A_3, %lt3A_5 : i1
    %and3A = arith.andi %ne3A_6, %ne3A_2 : i1
    %add3A = arith.addi %rem3A, %select_n3A : i32
    %select_n3A_7 = arith.select %and3A, %add3A, %rem3A : i32
    %eq3A_8 = arith.constant 0 : i32
    %eq3A_9 = arith.cmpi eq, %select_n3A_7, %eq3A_8 : i32
    %eq3A_10 = arith.constant 0 : i32
    %eq3A_11 = arith.cmpi eq, %arg0, %eq3A_10 : i32
    %convert_element_type3A = arith.extui %eq3A_11 : i1 to i32
    %cond3A = arith.constant 0 : i32
    %cond3A_12 = arith.cmpi ne, %convert_element_type3A, %cond3A : i32
    scf.if %cond3A_12 {
      %broadcast_in_dim3A = arith.constant 0.000000e+00 : f32
      %broadcast_in_dim3A_34 = vector.broadcast %broadcast_in_dim3A : f32 to vector<128x128xf32>
      %swap3A = arith.constant 0 : index
      %swap3A_35 = arith.constant 0 : index
      %swap3A_36 = vector.load %arg17[%swap3A, %swap3A_35] : memref<128x128xf32, #tpu.memory_space<vmem>>, vector<128x128xf32>
      tpu.vector_store %arg17[%swap3A, %swap3A_35], %broadcast_in_dim3A_34 {strides = array<i32>} : memref<128x128xf32, #tpu.memory_space<vmem>>, vector<128x128xf32>,
      %broadcast_in_dim3A_37 = arith.constant 0.000000e+00 : f32
      %broadcast_in_dim3A_38 = vector.broadcast %broadcast_in_dim3A_37 : f32 to vector<128x64xf32>
      %swap3A_39 = arith.constant 0 : index
      %swap3A_40 = arith.constant 0 : index
      %swap3A_41 = vector.load %arg15[%swap3A_39, %swap3A_40] : memref<128x64xf32, #tpu.memory_space<vmem>>, vector<128x64xf32>
      tpu.vector_store %arg15[%swap3A_39, %swap3A_40], %broadcast_in_dim3A_38 {strides = array<i32>} : memref<128x64xf32, #tpu.memory_space<vmem>>, vector<128x64xf32>,
      %broadcast_in_dim3A_42 = arith.constant 0.000000e+00 : f32
      %broadcast_in_dim3A_43 = vector.broadcast %broadcast_in_dim3A_42 : f32 to vector<128x64xf32>
      %swap3A_44 = arith.constant 0 : index
      %swap3A_45 = arith.constant 0 : index
      %swap3A_46 = vector.load %arg16[%swap3A_44, %swap3A_45] : memref<128x64xf32, #tpu.memory_space<vmem>>, vector<128x64xf32>
      tpu.vector_store %arg16[%swap3A_44, %swap3A_45], %broadcast_in_dim3A_43 {strides = array<i32>} : memref<128x64xf32, #tpu.memory_space<vmem>>, vector<128x64xf32>,
    } else {
    }
    %gt3A = arith.constant 0 : i32
    %gt3A_13 = arith.cmpi sgt, %arg0, %gt3A : i32
    %and3A_14 = arith.andi %eq3A_9, %gt3A_13 : i1
    %convert_element_type3A_15 = arith.extui %and3A_14 : i1 to i32
    %cond3A_16 = arith.constant 0 : i32
    %cond3A_17 = arith.cmpi ne, %convert_element_type3A_15, %cond3A_16 : i32
    scf.if %cond3A_17 {
      %get3A = arith.constant 0 : index
      %get3A_34 = arith.constant 0 : index
      %get3A_35 = vector.load %arg14[%get3A, %get3A_34] : memref<128x64xf32, #tpu.memory_space<vmem>>, vector<128x64xf32>
      %get3A_36 = arith.constant 0 : index
      %get3A_37 = arith.constant 0 : index
      %get3A_38 = vector.load %arg13[%get3A_36, %get3A_37] : memref<128x1xf32, #tpu.memory_space<vmem>>, vector<128x1xf32>
      %add3A_39 = arith.constant 1.000000e-16 : f32
      %add3A_40 = vector.broadcast %add3A_39 : f32 to vector<128x1xf32>
      %add3A_41 = arith.addf %get3A_38, %add3A_40 : vector<128x1xf32>
      %div3A = vector.broadcast %add3A_41 : vector<128x1xf32> to vector<128x64xf32>
      %div3A_42 = arith.divf %get3A_35, %div3A : vector<128x64xf32>
      %get3A_43 = arith.constant 0 : index
      %get3A_44 = arith.constant 0 : index
      %get3A_45 = vector.load %arg15[%get3A_43, %get3A_44] : memref<128x64xf32, #tpu.memory_space<vmem>>, vector<128x64xf32>
      %swap3A = arith.constant 0 : index
      %swap3A_46 = arith.constant 0 : index
      %swap3A_47 = vector.load %arg17[%swap3A, %swap3A_46] : memref<128x128xf32, #tpu.memory_space<vmem>>, vector<128x64xf32>
      tpu.vector_store %arg17[%swap3A, %swap3A_46], %get3A_45 {strides = array<i32>} : memref<128x128xf32, #tpu.memory_space<vmem>>, vector<128x64xf32>,
      %swap3A_48 = arith.constant 0 : index
      %swap3A_49 = arith.constant 64 : index
      %swap3A_50 = vector.load %arg17[%swap3A_48, %swap3A_49] : memref<128x128xf32, #tpu.memory_space<vmem>>, vector<128x64xf32>
      tpu.vector_store %arg17[%swap3A_48, %swap3A_49], %div3A_42 {strides = array<i32>} : memref<128x128xf32, #tpu.memory_space<vmem>>, vector<128x64xf32>,
    } else {
    }
    %lt3A_18 = arith.constant 75 : i32
    %lt3A_19 = arith.cmpi slt, %arg0, %lt3A_18 : i32
    %and3A_20 = arith.andi %eq3A_9, %lt3A_19 : i1
    %convert_element_type3A_21 = arith.extui %and3A_20 : i1 to i32
    %cond3A_22 = arith.constant 0 : i32
    %cond3A_23 = arith.cmpi ne, %convert_element_type3A_21, %cond3A_22 : i32
    scf.if %cond3A_23 {
      %get3A = arith.constant 0 : index
      %get3A_34 = arith.constant 0 : index
      %get3A_35 = vector.load %arg17[%get3A, %get3A_34] : memref<128x128xf32, #tpu.memory_space<vmem>>, vector<128x128xf32>
      %get3A_36 = arith.constant 0 : index
      %get3A_37 = arith.constant 0 : index
      %get3A_38 = vector.load %arg4[%get3A_36, %get3A_37] : memref<256x128xf32, #tpu.memory_space<vmem>>, vector<256x128xf32>
      %dot_general3A = arith.constant dense<0.000000e+00> : vector<128x256xf32>
      %dot_general3A_39 = tpu.matmul %get3A_35, %get3A_38, %dot_general3A {dimension_numbers = #tpu.dot_dimension_numbers<[1], [1], [0], [0], [0, 0, 1, 0], [], []>, transpose_lhs_hint = false} : vector<128x128xf32>, vector<256x128xf32>, vector<128x256xf32> -> vector<128x256xf32>
      %get3A_40 = arith.constant 0 : index
      %get3A_41 = arith.constant 0 : index
      %get3A_42 = vector.load %arg15[%get3A_40, %get3A_41] : memref<128x64xf32, #tpu.memory_space<vmem>>, vector<128x64xf32>
      %get3A_43 = arith.constant 0 : index
      %get3A_44 = arith.constant 0 : index
      %get3A_45 = vector.load %arg5[%get3A_43, %get3A_44] : memref<256x64xf32, #tpu.memory_space<vmem>>, vector<256x64xf32>
      %dot_general3A_46 = arith.constant dense<0.000000e+00> : vector<128x256xf32>
      %dot_general3A_47 = tpu.matmul %get3A_42, %get3A_45, %dot_general3A_46 {dimension_numbers = #tpu.dot_dimension_numbers<[1], [1], [0], [0], [0, 0, 1, 0], [], []>, transpose_lhs_hint = false} : vector<128x64xf32>, vector<256x64xf32>, vector<128x256xf32> -> vector<128x256xf32>
      %add3A_48 = arith.addf %dot_general3A_39, %dot_general3A_47 : vector<128x256xf32>
      %get3A_49 = arith.constant 0 : index
      %get3A_50 = arith.constant 0 : index
      %get3A_51 = vector.load %arg6[%get3A_49, %get3A_50] : memref<1x256xf32, #tpu.memory_space<vmem>>, vector<1x256xf32>
      %add3A_52 = vector.broadcast %get3A_51 : vector<1x256xf32> to vector<128x256xf32>
      %add3A_53 = arith.addf %add3A_48, %add3A_52 : vector<128x256xf32>
      %slice3A = vector.extract_strided_slice %add3A_53 {offsets = [0, 0], sizes = [128, 64], strides = [1, 1]} : vector<128x256xf32> to vector<128x64xf32>
      %logistic3A = arith.negf %slice3A : vector<128x64xf32>
      %logistic3A_54 = math.exp %logistic3A : vector<128x64xf32>
      %logistic3A_55 = arith.constant 1.000000e+00 : f32
      %logistic3A_56 = vector.broadcast %logistic3A_55 : f32 to vector<128x64xf32>
      %logistic3A_57 = arith.addf %logistic3A_56, %logistic3A_54 : vector<128x64xf32>
      %logistic3A_58 = arith.divf %logistic3A_56, %logistic3A_57 : vector<128x64xf32>
      %slice3A_59 = vector.extract_strided_slice %add3A_53 {offsets = [0, 64], sizes = [128, 64], strides = [1, 1]} : vector<128x256xf32> to vector<128x64xf32>
      %logistic3A_60 = arith.negf %slice3A_59 : vector<128x64xf32>
      %logistic3A_61 = math.exp %logistic3A_60 : vector<128x64xf32>
      %logistic3A_62 = arith.constant 1.000000e+00 : f32
      %logistic3A_63 = vector.broadcast %logistic3A_62 : f32 to vector<128x64xf32>
      %logistic3A_64 = arith.addf %logistic3A_63, %logistic3A_61 : vector<128x64xf32>
      %logistic3A_65 = arith.divf %logistic3A_63, %logistic3A_64 : vector<128x64xf32>
      %slice3A_66 = vector.extract_strided_slice %add3A_53 {offsets = [0, 128], sizes = [128, 64], strides = [1, 1]} : vector<128x256xf32> to vector<128x64xf32>
      %tanh3A = math.tanh %slice3A_66 : vector<128x64xf32>
      %slice3A_67 = vector.extract_strided_slice %add3A_53 {offsets = [0, 192], sizes = [128, 64], strides = [1, 1]} : vector<128x256xf32> to vector<128x64xf32>
      %logistic3A_68 = arith.negf %slice3A_67 : vector<128x64xf32>
      %logistic3A_69 = math.exp %logistic3A_68 : vector<128x64xf32>
      %logistic3A_70 = arith.constant 1.000000e+00 : f32
      %logistic3A_71 = vector.broadcast %logistic3A_70 : f32 to vector<128x64xf32>
      %logistic3A_72 = arith.addf %logistic3A_71, %logistic3A_69 : vector<128x64xf32>
      %logistic3A_73 = arith.divf %logistic3A_71, %logistic3A_72 : vector<128x64xf32>
      %get3A_74 = arith.constant 0 : index
      %get3A_75 = arith.constant 0 : index
      %get3A_76 = vector.load %arg16[%get3A_74, %get3A_75] : memref<128x64xf32, #tpu.memory_space<vmem>>, vector<128x64xf32>
      %mul3A = arith.mulf %logistic3A_65, %get3A_76 : vector<128x64xf32>
      %mul3A_77 = arith.mulf %logistic3A_58, %tanh3A : vector<128x64xf32>
      %add3A_78 = arith.addf %mul3A, %mul3A_77 : vector<128x64xf32>
      %swap3A = arith.constant 0 : index
      %swap3A_79 = arith.constant 0 : index
      %swap3A_80 = vector.load %arg16[%swap3A, %swap3A_79] : memref<128x64xf32, #tpu.memory_space<vmem>>, vector<128x64xf32>
      tpu.vector_store %arg16[%swap3A, %swap3A_79], %add3A_78 {strides = array<i32>} : memref<128x64xf32, #tpu.memory_space<vmem>>, vector<128x64xf32>,
      %tanh3A_81 = math.tanh %add3A_78 : vector<128x64xf32>
      %mul3A_82 = arith.mulf %logistic3A_73, %tanh3A_81 : vector<128x64xf32>
      %swap3A_83 = arith.constant 0 : index
      %swap3A_84 = arith.constant 0 : index
      %swap3A_85 = vector.load %arg15[%swap3A_83, %swap3A_84] : memref<128x64xf32, #tpu.memory_space<vmem>>, vector<128x64xf32>
      tpu.vector_store %arg15[%swap3A_83, %swap3A_84], %mul3A_82 {strides = array<i32>} : memref<128x64xf32, #tpu.memory_space<vmem>>, vector<128x64xf32>,
      %broadcast_in_dim3A = arith.constant -1.000000e+30 : f32
      %broadcast_in_dim3A_86 = vector.broadcast %broadcast_in_dim3A : f32 to vector<128x1xf32>
      %swap3A_87 = arith.constant 0 : index
      %swap3A_88 = arith.constant 0 : index
      %swap3A_89 = vector.load %arg12[%swap3A_87, %swap3A_88] : memref<128x1xf32, #tpu.memory_space<vmem>>, vector<128x1xf32>
      tpu.vector_store %arg12[%swap3A_87, %swap3A_88], %broadcast_in_dim3A_86 {strides = array<i32>} : memref<128x1xf32, #tpu.memory_space<vmem>>, vector<128x1xf32>,
      %broadcast_in_dim3A_90 = arith.constant 0.000000e+00 : f32
      %broadcast_in_dim3A_91 = vector.broadcast %broadcast_in_dim3A_90 : f32 to vector<128x1xf32>
      %swap3A_92 = arith.constant 0 : index
      %swap3A_93 = arith.constant 0 : index
      %swap3A_94 = vector.load %arg13[%swap3A_92, %swap3A_93] : memref<128x1xf32, #tpu.memory_space<vmem>>, vector<128x1xf32>
      tpu.vector_store %arg13[%swap3A_92, %swap3A_93], %broadcast_in_dim3A_91 {strides = array<i32>} : memref<128x1xf32, #tpu.memory_space<vmem>>, vector<128x1xf32>,
      %broadcast_in_dim3A_95 = arith.constant 0.000000e+00 : f32
      %broadcast_in_dim3A_96 = vector.broadcast %broadcast_in_dim3A_95 : f32 to vector<128x64xf32>
      %swap3A_97 = arith.constant 0 : index
      %swap3A_98 = arith.constant 0 : index
      %swap3A_99 = vector.load %arg14[%swap3A_97, %swap3A_98] : memref<128x64xf32, #tpu.memory_space<vmem>>, vector<128x64xf32>
      tpu.vector_store %arg14[%swap3A_97, %swap3A_98], %broadcast_in_dim3A_96 {strides = array<i32>} : memref<128x64xf32, #tpu.memory_space<vmem>>, vector<128x64xf32>,
    } else {
    }
    %lt3A_24 = arith.constant 75 : i32
    %lt3A_25 = arith.cmpi slt, %arg0, %lt3A_24 : i32
    %convert_element_type3A_26 = arith.extui %lt3A_25 : i1 to i32
    %cond3A_27 = arith.constant 0 : i32
    %cond3A_28 = arith.cmpi ne, %convert_element_type3A_26, %cond3A_27 : i32
    scf.if %cond3A_28 {
      %get3A = arith.index_cast %select_n3A_7 : i32 to index
      %get3A_34 = memref.load %arg1[%get3A] : memref<25xi32, #tpu.memory_space<smem>>
      %get3A_35 = arith.constant 0 : index
      %get3A_36 = arith.constant 0 : index
      %get3A_37 = vector.load %arg2[%get3A_35, %get3A_36] : memref<2000x64xf32, #tpu.memory_space<vmem>>, vector<2000x64xf32>
      %get3A_38 = arith.constant 0 : index
      %get3A_39 = arith.constant 0 : index
      %get3A_40 = arith.constant 0 : index
      %get3A_41 = vector.load %arg3[%get3A_38, %get3A_39, %get3A_40] : memref<1x1x2000xi32, #tpu.memory_space<vmem>>, vector<1x1x2000xi32>
      %get3A_42 = vector.shape_cast %get3A_41 : vector<1x1x2000xi32> to vector<1x2000xi32>
      %get3A_43 = arith.index_cast %get3A_34 : i32 to index
      %get3A_44 = arith.constant 0 : index
      %get3A_45 = vector.load %arg15[%get3A_43, %get3A_44] : memref<128x64xf32, #tpu.memory_space<vmem>>, vector<48x64xf32>
      %dot_general3A = arith.constant dense<0.000000e+00> : vector<48x2000xf32>
      %dot_general3A_46 = tpu.matmul %get3A_45, %get3A_37, %dot_general3A {dimension_numbers = #tpu.dot_dimension_numbers<[1], [1], [0], [0], [0, 0, 1, 0], [], []>, precision = #tpu.contract_precision<fp32>, transpose_lhs_hint = false} : vector<48x64xf32>, vector<2000x64xf32>, vector<48x2000xf32> -> vector<48x2000xf32>
      %iota3A = tpu.iota {dimensions = array<i32: 0>} : vector<48x2000xi32>
      %add3A_47 = vector.broadcast %get3A_34 : i32 to vector<48x2000xi32>
      %add3A_48 = arith.addi %iota3A, %add3A_47 : vector<48x2000xi32>
      %eq3A_49 = vector.broadcast %get3A_42 : vector<1x2000xi32> to vector<48x2000xi32>
      %eq3A_50 = arith.cmpi eq, %add3A_48, %eq3A_49 : vector<48x2000xi32>
      %jit3A_51 = arith.constant -1.000000e+30 : f32
      %broadcast_in_dim3A = vector.broadcast %jit3A_51 : f32 to vector<48x2000xf32>
      %select_n3A_52 = arith.select %eq3A_50, %dot_general3A_46, %broadcast_in_dim3A : vector<48x2000xi1>, vector<48x2000xf32>
      %get3A_53 = arith.index_cast %get3A_34 : i32 to index
      %get3A_54 = arith.constant 0 : index
      %get3A_55 = vector.load %arg12[%get3A_53, %get3A_54] : memref<128x1xf32, #tpu.memory_space<vmem>>, vector<48x1xf32>
      %reduce_max3A = arith.constant dense<0xFF800000> : vector<48xf32>
      %reduce_max3A_56 = vector.multi_reduction <maximumf>, %select_n3A_52, %reduce_max3A [1] : vector<48x2000xf32> to vector<48xf32>
      %broadcast_in_dim3A_57 = vector.shape_cast %reduce_max3A_56 : vector<48xf32> to vector<48x1xf32>
      %max3A = arith.maximumf %get3A_55, %broadcast_in_dim3A_57 : vector<48x1xf32>
      %sub3A = arith.subf %get3A_55, %max3A : vector<48x1xf32>
      %exp3A = math.exp %sub3A : vector<48x1xf32>
      %max3A_58 = arith.constant -1.000000e+20 : f32
      %max3A_59 = vector.broadcast %max3A_58 : f32 to vector<48x1xf32>
      %max3A_60 = arith.maximumf %max3A, %max3A_59 : vector<48x1xf32>
      %sub3A_61 = vector.broadcast %max3A_60 : vector<48x1xf32> to vector<48x2000xf32>
      %sub3A_62 = arith.subf %select_n3A_52, %sub3A_61 : vector<48x2000xf32>
      %exp3A_63 = math.exp %sub3A_62 : vector<48x2000xf32>
      %get3A_64 = arith.index_cast %get3A_34 : i32 to index
      %get3A_65 = arith.constant 0 : index
      %get3A_66 = vector.load %arg13[%get3A_64, %get3A_65] : memref<128x1xf32, #tpu.memory_space<vmem>>, vector<48x1xf32>
      %mul3A = arith.mulf %get3A_66, %exp3A : vector<48x1xf32>
      %reduce_sum3A = arith.constant dense<0.000000e+00> : vector<48xf32>
      %reduce_sum3A_67 = vector.multi_reduction <add>, %exp3A_63, %reduce_sum3A [1] : vector<48x2000xf32> to vector<48xf32>
      %broadcast_in_dim3A_68 = vector.shape_cast %reduce_sum3A_67 : vector<48xf32> to vector<48x1xf32>
      %add3A_69 = arith.addf %mul3A, %broadcast_in_dim3A_68 : vector<48x1xf32>
      %swap3A = arith.index_cast %get3A_34 : i32 to index
      %swap3A_70 = arith.constant 0 : index
      %swap3A_71 = vector.load %arg13[%swap3A, %swap3A_70] : memref<128x1xf32, #tpu.memory_space<vmem>>, vector<48x1xf32>
      tpu.vector_store %arg13[%swap3A, %swap3A_70], %add3A_69 {strides = array<i32>} : memref<128x1xf32, #tpu.memory_space<vmem>>, vector<48x1xf32>,
      %get3A_72 = arith.index_cast %get3A_34 : i32 to index
      %get3A_73 = arith.constant 0 : index
      %get3A_74 = vector.load %arg14[%get3A_72, %get3A_73] : memref<128x64xf32, #tpu.memory_space<vmem>>, vector<48x64xf32>
      %mul3A_75 = vector.broadcast %exp3A : vector<48x1xf32> to vector<48x64xf32>
      %mul3A_76 = arith.mulf %get3A_74, %mul3A_75 : vector<48x64xf32>
      %dot_general3A_77 = arith.constant dense<0.000000e+00> : vector<48x64xf32>
      %dot_general3A_78 = tpu.matmul %exp3A_63, %get3A_37, %dot_general3A_77 {dimension_numbers = #tpu.dot_dimension_numbers<[1], [0], [0], [1], [0, 0, 1, 1], [], []>, precision = #tpu.contract_precision<fp32>, transpose_lhs_hint = false} : vector<48x2000xf32>, vector<2000x64xf32>, vector<48x64xf32> -> vector<48x64xf32>
      %add3A_79 = arith.addf %mul3A_76, %dot_general3A_78 : vector<48x64xf32>
      %swap3A_80 = arith.index_cast %get3A_34 : i32 to index
      %swap3A_81 = arith.constant 0 : index
      %swap3A_82 = vector.load %arg14[%swap3A_80, %swap3A_81] : memref<128x64xf32, #tpu.memory_space<vmem>>, vector<48x64xf32>
      tpu.vector_store %arg14[%swap3A_80, %swap3A_81], %add3A_79 {strides = array<i32>} : memref<128x64xf32, #tpu.memory_space<vmem>>, vector<48x64xf32>,
      %swap3A_83 = arith.index_cast %get3A_34 : i32 to index
      %swap3A_84 = arith.constant 0 : index
      %swap3A_85 = vector.load %arg12[%swap3A_83, %swap3A_84] : memref<128x1xf32, #tpu.memory_space<vmem>>, vector<48x1xf32>
      tpu.vector_store %arg12[%swap3A_83, %swap3A_84], %max3A {strides = array<i32>} : memref<128x1xf32, #tpu.memory_space<vmem>>, vector<48x1xf32>,
    } else {
    }
    %eq3A_29 = arith.constant 75 : i32
    %eq3A_30 = arith.cmpi eq, %arg0, %eq3A_29 : i32
    %convert_element_type3A_31 = arith.extui %eq3A_30 : i1 to i32
    %cond3A_32 = arith.constant 0 : i32
    %cond3A_33 = arith.cmpi ne, %convert_element_type3A_31, %cond3A_32 : i32
    scf.if %cond3A_33 {
      %get3A = arith.constant 0 : index
      %get3A_34 = arith.constant 0 : index
      %get3A_35 = vector.load %arg17[%get3A, %get3A_34] : memref<128x128xf32, #tpu.memory_space<vmem>>, vector<128x128xf32>
      %get3A_36 = arith.constant 0 : index
      %get3A_37 = arith.constant 0 : index
      %get3A_38 = vector.load %arg7[%get3A_36, %get3A_37] : memref<64x128xf32, #tpu.memory_space<vmem>>, vector<64x128xf32>
      %dot_general3A = arith.constant dense<0.000000e+00> : vector<128x64xf32>
      %dot_general3A_39 = tpu.matmul %get3A_35, %get3A_38, %dot_general3A {dimension_numbers = #tpu.dot_dimension_numbers<[1], [1], [0], [0], [0, 0, 1, 0], [], []>, transpose_lhs_hint = false} : vector<128x128xf32>, vector<64x128xf32>, vector<128x64xf32> -> vector<128x64xf32>
      %get3A_40 = arith.constant 0 : index
      %get3A_41 = arith.constant 0 : index
      %get3A_42 = vector.load %arg8[%get3A_40, %get3A_41] : memref<1x64xf32, #tpu.memory_space<vmem>>, vector<1x64xf32>
      %add3A_43 = vector.broadcast %get3A_42 : vector<1x64xf32> to vector<128x64xf32>
      %add3A_44 = arith.addf %dot_general3A_39, %add3A_43 : vector<128x64xf32>
      %max3A = arith.constant 0.000000e+00 : f32
      %max3A_45 = vector.broadcast %max3A : f32 to vector<128x64xf32>
      %max3A_46 = arith.maximumf %add3A_44, %max3A_45 : vector<128x64xf32>
      %get3A_47 = arith.constant 0 : index
      %get3A_48 = arith.constant 0 : index
      %get3A_49 = vector.load %arg9[%get3A_47, %get3A_48] : memref<1x64xf32, #tpu.memory_space<vmem>>, vector<1x64xf32>
      %dot_general3A_50 = arith.constant dense<0.000000e+00> : vector<1x128xf32>
      %dot_general3A_51 = tpu.matmul %get3A_49, %max3A_46, %dot_general3A_50 {dimension_numbers = #tpu.dot_dimension_numbers<[1], [1], [0], [0], [0, 0, 1, 0], [], []>, transpose_lhs_hint = false} : vector<1x64xf32>, vector<128x64xf32>, vector<1x128xf32> -> vector<1x128xf32>
      %get3A_52 = arith.constant 0 : index
      %get3A_53 = arith.constant 0 : index
      %get3A_54 = vector.load %arg10[%get3A_52, %get3A_53] : memref<1x1xf32, #tpu.memory_space<vmem>>, vector<1x1xf32>
      %add3A_55 = vector.broadcast %get3A_54 : vector<1x1xf32> to vector<1x128xf32>
      %add3A_56 = arith.addf %dot_general3A_51, %add3A_55 : vector<1x128xf32>
      %swap3A = arith.constant 0 : index
      %swap3A_57 = arith.constant 0 : index
      %swap3A_58 = vector.load %arg11[%swap3A, %swap3A_57] : memref<1x128xf32, #tpu.memory_space<vmem>>, vector<1x128xf32>
      tpu.vector_store %arg11[%swap3A, %swap3A_57], %add3A_56 {strides = array<i32>} : memref<1x128xf32, #tpu.memory_space<vmem>>, vector<1x128xf32>,
    } else {
    }
    return
  }
  func.func @transform_0(%arg0: i32, %arg1: memref<25xi32, #tpu.memory_space<smem>>) -> (i32, i32) {
    %jit3A = arith.constant 25 : i32
    %eq3A = arith.constant 0 : i32
    %eq3A_0 = arith.cmpi eq, %jit3A, %eq3A : i32
    %jit3A_1 = arith.constant 1 : i32
    %select_n3A = arith.select %eq3A_0, %jit3A_1, %jit3A : i32
    %rem3A = arith.remsi %arg0, %select_n3A : i32
    %ne3A = arith.constant 0 : i32
    %ne3A_2 = arith.cmpi ne, %rem3A, %ne3A : i32
    %lt3A = arith.constant 0 : i32
    %lt3A_3 = arith.cmpi slt, %rem3A, %lt3A : i32
    %lt3A_4 = arith.constant 0 : i32
    %lt3A_5 = arith.cmpi slt, %select_n3A, %lt3A_4 : i32
    %ne3A_6 = arith.xori %lt3A_3, %lt3A_5 : i1
    %and3A = arith.andi %ne3A_6, %ne3A_2 : i1
    %add3A = arith.addi %rem3A, %select_n3A : i32
    %select_n3A_7 = arith.select %and3A, %add3A, %rem3A : i32
    %c0_i32 = arith.constant 0 : i32
    %c0_i32_8 = arith.constant 0 : i32
    return %select_n3A_7, %c0_i32 : i32, i32
  }
  func.func @transform_1(%arg0: i32, %arg1: memref<25xi32, #tpu.memory_space<smem>>) -> (i32, i32, i32) {
    %jit3A = arith.constant 25 : i32
    %eq3A = arith.constant 0 : i32
    %eq3A_0 = arith.cmpi eq, %jit3A, %eq3A : i32
    %jit3A_1 = arith.constant 1 : i32
    %select_n3A = arith.select %eq3A_0, %jit3A_1, %jit3A : i32
    %rem3A = arith.remsi %arg0, %select_n3A : i32
    %ne3A = arith.constant 0 : i32
    %ne3A_2 = arith.cmpi ne, %rem3A, %ne3A : i32
    %lt3A = arith.constant 0 : i32
    %lt3A_3 = arith.cmpi slt, %rem3A, %lt3A : i32
    %lt3A_4 = arith.constant 0 : i32
    %lt3A_5 = arith.cmpi slt, %select_n3A, %lt3A_4 : i32
    %ne3A_6 = arith.xori %lt3A_3, %lt3A_5 : i1
    %and3A = arith.andi %ne3A_6, %ne3A_2 : i1
    %add3A = arith.addi %rem3A, %select_n3A : i32
    %select_n3A_7 = arith.select %and3A, %add3A, %rem3A : i32
    %c0_i32 = arith.constant 0 : i32
    %c0_i32_8 = arith.constant 0 : i32
    %c0_i32_9 = arith.constant 0 : i32
    return %select_n3A_7, %c0_i32, %c0_i32_8 : i32, i32, i32
  }
  func.func @transform_2(%arg0: i32, %arg1: memref<25xi32, #tpu.memory_space<smem>>) -> (i32, i32) {
    %c0_i32 = arith.constant 0 : i32
    %c0_i32_0 = arith.constant 0 : i32
    %c0_i32_1 = arith.constant 0 : i32
    return %c0_i32, %c0_i32_0 : i32, i32
  }
  func.func @transform_3(%arg0: i32, %arg1: memref<25xi32, #tpu.memory_space<smem>>) -> (i32, i32) {
    %c0_i32 = arith.constant 0 : i32
    %c0_i32_0 = arith.constant 0 : i32
    %c0_i32_1 = arith.constant 0 : i32
    return %c0_i32, %c0_i32_0 : i32, i32
  }
  func.func @transform_4(%arg0: i32, %arg1: memref<25xi32, #tpu.memory_space<smem>>) -> (i32, i32) {
    %c0_i32 = arith.constant 0 : i32
    %c0_i32_0 = arith.constant 0 : i32
    %c0_i32_1 = arith.constant 0 : i32
    return %c0_i32, %c0_i32_0 : i32, i32
  }
  func.func @transform_5(%arg0: i32, %arg1: memref<25xi32, #tpu.memory_space<smem>>) -> (i32, i32) {
    %c0_i32 = arith.constant 0 : i32
    %c0_i32_0 = arith.constant 0 : i32
    %c0_i32_1 = arith.constant 0 : i32
    return %c0_i32, %c0_i32_0 : i32, i32
  }
  func.func @transform_6(%arg0: i32, %arg1: memref<25xi32, #tpu.memory_space<smem>>) -> (i32, i32) {
    %c0_i32 = arith.constant 0 : i32
    %c0_i32_0 = arith.constant 0 : i32
    %c0_i32_1 = arith.constant 0 : i32
    return %c0_i32, %c0_i32_0 : i32, i32
  }
  func.func @transform_7(%arg0: i32, %arg1: memref<25xi32, #tpu.memory_space<smem>>) -> (i32, i32) {
    %c0_i32 = arith.constant 0 : i32
    %c0_i32_0 = arith.constant 0 : i32
    %c0_i32_1 = arith.constant 0 : i32
    return %c0_i32, %c0_i32_0 : i32, i32
  }
  func.func @transform_8(%arg0: i32, %arg1: memref<25xi32, #tpu.memory_space<smem>>) -> (i32, i32) {
    %c0_i32 = arith.constant 0 : i32
    %c0_i32_0 = arith.constant 0 : i32
    %c0_i32_1 = arith.constant 0 : i32
    return %c0_i32, %c0_i32_0 : i32, i32
  }
  func.func @transform_9(%arg0: i32, %arg1: memref<25xi32, #tpu.memory_space<smem>>) -> (i32, i32) {
    %c0_i32 = arith.constant 0 : i32
    %c0_i32_0 = arith.constant 0 : i32
    %c0_i32_1 = arith.constant 0 : i32
    return %c0_i32, %c0_i32_0 : i32, i32
  }
}

</mosaic_0001>

<sc_bundles>
// kernel: kernel.6.cloned.1.call-start
scs
__scs_entry_jumppad:
0x0: {  	(pc) =	sbr.rel $0x88, $3  }
0x1: {  	(tag) =	ssettag $0x0;
	lr =	simm.s32 $0x1  }
0x2: {  	[smem:$0x3F92] =	sst lr;
	_ =	strace $0xD0000000  }
0x3: {  	_ = 	snop  }
0x4: {  	_ = 	snop  }
0x5: {  	_ = 	snop  }
0x6: {  	_ = 	snop  }
0x7: {  	_ = 	snop  }
__scs_overlays_trampoline_lowered:
0x8: {  	[smem:$0x3FA1] =	sst s0  }
0x9: {  	[smem:$0x3FA2] =	sst s1  }
0xa: {  	[smem:$0x3FA3] =	sst s2  }
0xb: {  	[smem:$0x3FA4] =	sst s3  }
0xc: {  	[smem:$0x3FA5] =	sst s4  }
0xd: {  	[smem:$0x3FA6] =	sst s5  }
0xe: {  	[smem:$0x3FA7] =	sst s6  }
0xf: {  	[smem:$0x3FA8] =	sst s7  }
0x10: {  	[smem:$0x3FA9] =	sst s8  }
0x11: {  	[smem:$0x3FAA] =	sst s9;
	s0 =	simm.s32 @!p0 $0x0  }
0x12: {  	s1 =	sld [smem:$0x3F90];
	s0 =	simm.s32 @p0 $0x1  }
0x13: {  	[smem:$0x3FAB] =	sst s0;
	s0 =	simm.s32 @!p1 $0x0  }
0x14: {  	s2 =	sld [smem:$0x3F8F];
	s0 =	simm.s32 @p1 $0x1  }
0x15: {  	[smem:$0x3FAC] =	sst s0;
	s0 =	simm.s32 @!p2 $0x0  }
0x16: {  	s3 =	sld [smem:$0x3FDB];
	s0 =	simm.s32 @p2 $0x1  }
0x17: {  	s4 =	simm.s32 $0x1BF5;
	[smem:$0x3FAE] =	sst s0  }
0x18: {  	s0 =	sld [smem:$0x3F91];
	_ =	swait.ge [sflag:s4], $0x0  }
0x19: {  	s7 =	sld [smem:$0x3F92]  }
0x1a: {  	s8 =	sadd.s32 $0xFFFFE003, lr  }
0x1b: {  	s9 =	sadd.s32 $0xFFFFFEF7, lr;
	s5 =	simm.s32 $0xFFFFFFFF;
	p2 =	slt.u32 s8, $0xFFFFF086  }
0x1c: {  	p1 =	slt.u32 s9, $0xF7A;
	s5 =	simm.s32 @!p2 $0x0  }
0x1d: {  	s5 =	simm.s32 @p1 $0x1;
	p0 =	seq.s32 s7, s2  }
0x1e: {  	s7 =	smul.u32 @!p0 $0xF7A, s2;
	p2 =	seq.s32 @!p0 s5, $0x0  }
0x1f: {  	s9 =	smul.u32 $0xF7A, s1;
	s8 =	simm.s32 @!p0 $0x1BF5;
	p2 =	por !p2, p0  }
0x20: {  	[sflag:s8] =	ssyncset.s32 @!p0 $0xFFFFF086;
	s6 =	sadd.s32 @!p0 s3, s7;
	s7 =	simm.s32 @!p0 $0x108  }
0x21: {  	s3 =	sadd.s32 s3, s9;
	s6 =	sadd.s32 @!p0 $0x88, s6;
	s7 =	simm.s32 @p2 $0x1082  }
0x22: {  	[simem:s7], [sflag:s8] =	dma.local @!p0 [hbm:s6], $0xF7A  }
0x23: {  	s9 =	sor.u32 $0xD0000000, s2;
	s6 =	simm.s32 $0x108;
	_ =	swait.ge @!p0 [sflag:s8], $0x0  }
0x24: {  	s3 =	sadd.s32 $0x88, s3;
	s6 =	simm.s32 @!p1 $0x1082;
	[sflag:s4] =	ssyncset.s32 $0xFFFFF086  }
0x25: {  	[simem:s6], [sflag:s4] =	dma.local [hbm:s3], $0xF7A  }
0x26: {  	[smem:$0x3F92] =	sst s1;
	(tag) =	ssettag s2;
	_ =	strace s9  }
0x27: {  	s1 =	sld [smem:$0x3FA2]  }
0x28: {  	s2 =	sld [smem:$0x3FA3]  }
0x29: {  	s4 =	sld [smem:$0x3FA5]  }
0x2a: {  	p0 =	seq.s32 s5, $0x0;
	s5 =	sld [smem:$0x3FA6]  }
0x2b: {  	s6 =	sld [smem:$0x3FA7]  }
0x2c: {  	s7 =	sld [smem:$0x3FA8]  }
0x2d: {  	s3 =	simm.s32 $0x108;
	s8 =	sld [smem:$0x3FA9]  }
0x2e: {  	s3 =	simm.s32 @!p0 $0x1082;
	s9 =	sld [smem:$0x3FAA]  }
0x2f: {  	lr =	sadd.s32 s0, s3;
	s0 =	sld [smem:$0x3FA1]  }
0x30: {  	s3 =	sld [smem:$0x3FA4]  }
0x31: {  	[smem:$0x3FAD] =	sst s10  }
0x32: {  	s10 =	sld [smem:$0x3FAB];
	_ =	sdelay $0x3  }
0x33: {  	p0 =	seq.s32 s10, $0x1;
	s10 =	sld [smem:$0x3FAD];
	_ =	sdelay $0x3  }
0x34: {  	[smem:$0x3FAD] =	sst s10  }
0x35: {  	s10 =	sld [smem:$0x3FAC];
	_ =	sdelay $0x3  }
0x36: {  	p1 =	seq.s32 s10, $0x1;
	s10 =	sld [smem:$0x3FAD];
	_ =	sdelay $0x3  }
0x37: {  	[smem:$0x3FAD] =	sst s10  }
0x38: {  	s10 =	sld [smem:$0x3FAE]  }
0x39: {  	_ = 	snop;
	(pc) =	sbr.ind lr, $3  }
0x3a: {  	_ = 	snop  }
0x3b: {  	_ = 	snop  }
0x3c: {  	p2 =	seq.s32 s10, $0x1;
	s10 =	sld [smem:$0x3FAD]  }
0x3d: {  	_ =	shalt  }
0x3e: {  	_ =	shalt  }
0x3f: {  	_ =	shalt  }
0x40: {  	_ =	shalt  }
0x41: {  	_ =	shalt  }
0x42: {  	_ =	shalt  }
0x43: {  	_ =	shalt  }
0x44: {  	_ =	shalt  }
0x45: {  	_ =	shalt  }
0x46: {  	_ =	shalt  }
0x47: {  	_ =	shalt  }
0x48: {  	_ =	shalt  }
0x49: {  	_ =	shalt  }
0x4a: {  	_ =	shalt  }
0x4b: {  	_ =	shalt  }
0x4c: {  	_ =	shalt  }
0x4d: {  	_ =	shalt  }
0x4e: {  	_ =	shalt  }
0x4f: {  	_ =	shalt  }
0x50: {  	_ =	shalt  }
0x51: {  	_ =	shalt  }
0x52: {  	_ =	shalt  }
0x53: {  	_ =	shalt  }
0x54: {  	_ =	shalt  }
0x55: {  	_ =	shalt  }
0x56: {  	_ =	shalt  }
0x57: {  	_ =	shalt  }
0x58: {  	_ =	shalt  }
0x59: {  	_ =	shalt  }
0x5a: {  	_ =	shalt  }
0x5b: {  	_ =	shalt  }
0x5c: {  	_ =	shalt  }
0x5d: {  	_ =	shalt  }
0x5e: {  	_ =	shalt  }
0x5f: {  	_ =	shalt  }
0x60: {  	_ =	shalt  }
0x61: {  	_ =	shalt  }
0x62: {  	_ =	shalt  }
0x63: {  	_ =	shalt  }
0x64: {  	_ =	shalt  }
0x65: {  	_ =	shalt  }
0x66: {  	_ =	shalt  }
0x67: {  	_ =	shalt  }
0x68: {  	_ =	shalt  }
0x69: {  	_ =	shalt  }
0x6a: {  	_ =	shalt  }
0x6b: {  	_ =	shalt  }
0x6c: {  	_ =	shalt  }
0x6d: {  	_ =	shalt  }
0x6e: {  	_ =	shalt  }
0x6f: {  	_ =	shalt  }
0x70: {  	_ =	shalt  }
0x71: {  	_ =	shalt  }
0x72: {  	_ =	shalt  }
0x73: {  	_ =	shalt  }
0x74: {  	_ =	shalt  }
0x75: {  	_ =	shalt  }
0x76: {  	_ =	shalt  }
0x77: {  	_ =	shalt  }
0x78: {  	_ =	shalt  }
0x79: {  	_ =	shalt  }
0x7a: {  	_ =	shalt  }
0x7b: {  	_ =	shalt  }
0x7c: {  	_ =	shalt  }
0x7d: {  	_ =	shalt  }
0x7e: {  	_ =	shalt  }
0x7f: {  	_ =	shalt  }
0x80: {  	_ =	shalt  }
0x81: {  	_ =	shalt  }
0x82: {  	_ =	shalt  }
0x83: {  	_ =	shalt  }
0x84: {  	_ =	shalt  }
0x85: {  	_ =	shalt  }
0x86: {  	_ =	shalt  }
0x87: {  	_ =	shalt  }
.Lfunc_end0:
.L_simem_size_0:
called_computation_lowered:
.L_overlay_start_0:
0x88: {  	s2 =	sld [smem:$0x3FD9]  }
0x89: {  	s3 =	sld [smem:$0x3FFE];
	_ =	sdelay $0x1  }
0x8a: {  	s1 =	srdreg.scid  }
0x8b: {  	s0 =	sand.u32 $0x1, s1  }
0x8c: {  	s16 =	sshll.u32 s0, $0xA;
	s2 =	sadd.s32 s3, s2  }
0x8d: {  	s2 =	sadd.s32 s2, s16  }
0x8e: {  	[smem:$0x3FB9] =	sst s2  }
0x8f: {  	_ = 	snop  }
0x90: {  	(tm) =	ssettm $0x1  }
0x91: {  	s17 =	sld [smem:$0x3FFB];
	_ =	sdelay $0x3  }
0x92: {  	_ =	strace s17  }
0x93: {  	s2 =	sld [smem:$0x3FFC];
	_ =	sdelay $0x3  }
0x94: {  	_ =	strace s2  }
0x95: {  	s2 =	sld [smem:$0x3FFD];
	_ =	sdelay $0x3  }
0x96: {  	_ =	strace s2  }
0x97: {  	_ =	strace $0x8FFFFFFF  }
0x98: {  	s18 =	sld [smem:$0x3FDB];
	_ =	sdelay $0x1  }
0x99: {  	s19 =	simm.s32 $_scs_section_size  }
0x9a: {  	s4 =	simm.s32 $_size__tile_overlayer_lowered;
	s5 =	simm.s32 $_tile_overlayer_lowered  }
0x9b: {  	s22 =	simm.s32 $0x1BFF;
	s21 =	sshll.u32 s5, $0x1;
	s2 =	sadd.s32 s19, s18  }
0x9c: {  	s6 =	simm.s32 $0x0;
	s20 =	sshll.u32 s4, $0x1;
	s4 =	sadd.s32 s21, s2  }
0x9d: {  	[timem:s6], [sflag:s22] =	dma.local [hbm:s4], s20  }
0x9e: {  	_ =	swait.ge [sflag:s22], s20  }
0x9f: {  	s3 =	ssub.s32 $0x0, s20;
	[sflag:s22] =	ssyncset.done $0x0  }
0xa0: {  	[sflag:s22] =	ssyncadd.s32 s3;
	_ =	sdelay $0x1  }
0xa1: {  	s23 =	simm.s32 $0x1B8B  }
0xa2: {  	_ =	swait.ge [sflag:s23], $0x1  }
0xa3: {  	[sflag:s23] =	ssyncset.done $0x0  }
0xa4: {  	s25 =	simm.s32 $0x1B8E;
	s24 =	sld [smem:$0x3FFE];
	[sflag:s23] =	ssyncadd.s32 $0xFFFFFFFF  }
0xa5: {  	s26 =	simm.s32 $execute0_lowered;
	[smem:$0x3FD2] =	sst s25  }
0xa6: {  	s4 =	sshll.u32 s26, $0x1;
	_ =	strace $0x80000046;
	[dreg:$0x1] =	wrdreg $0xFFFFFFFF  }
0xa7: {  	s28 =	simm.s32 $_size_execute0_lowered;
	s2 =	sadd.s32 s2, s4;
	[dreg:$0x0] =	wrdreg $0x0  }
0xa8: {  	s4 =	sshll.u32 s28, $0x1;
	[dreg:$0x2] =	wrdreg s2  }
0xa9: {  	[dreg:$0x3] =	wrdreg s4  }
0xaa: {  	[dreg:$0x4] =	wrdreg $0xC0  }
0xab: {  	_ =	task [dreg:s6], $0x5FFFF  }
0xac: {  	[dreg:$0x1] =	wrdreg $0xFFFFFFFF  }
0xad: {  	[dreg:$0x0] =	wrdreg $0x60  }
0xae: {  	[dreg:$0x2] =	wrdreg s24  }
0xaf: {  	[dreg:$0x3] =	wrdreg $0x66000  }
0xb0: {  	[dreg:$0x4] =	wrdreg $0x9  }
0xb1: {  	_ =	task.clear_ibuf [dreg:s6], $0x5FFFF;
	_ =	strace $0x90000046  }
0xb2: {  	s29 =	simm.s32 $0x9;
	_ =	strace $0x80000048  }
0xb3: {  	_ =	swait.ge [sflag:s29], $0x1  }
0xb4: {  	[sflag:s29] =	ssyncadd.s32 $0xFFFFFFFF  }
0xb5: {  	_ =	strace $0x90000048  }
0xb6: {  	_ =	sfence  }
0xb7: {  	s30 =	sld [smem:$0x0];
	_ =	sdelay $0x2  }
0xb8: {  	s31 =	sshll.u32 s1, $0xD;
	s1 =	sshrl.u32 s1, $0x2  }
0xb9: {  	s3 =	sand.u32 $0x4000, s31;
	s1 =	sadd.s32 s1, s30  }
0xba: {  	s0 =	sor.u32 s3, s0;
	s1 =	sshll.u32 s1, $0x11  }
0xbb: {  	s0 =	sor.u32 s1, s0  }
0xbc: {  	s0 =	sadd.s32 $0x8F2B, s0  }
0xbd: {  	[sflag:s0] =	ssyncadd.remote.s32 $0x1  }
0xbe: {  	_ =	sfence.sel $0xFFFF  }
0xbf: {  	[dreg:$0x0] =	wrdreg $0xFFFFFFFF;
	(pc) =	sbr.abs _section_cstart, $3  }
0xc0: {  	[dreg:$0x1] =	wrdreg $0xFFFFFFFF  }
0xc1: {  	_ =	task.clear_ibuf [dreg:s6], $0x2FFFF;
	_ =	strace $0x9FFFFFFF  }
0xc2: {  	(tm) =	ssettm $0x7FFFFFFF  }
0xc3: {  	_ =	shalt  }
tec
execute0_lowered:
.L_overlay_start_1:
0x0: {  	(tag) =	ssettag $0x1  }
0x1: {  	s0 =	rddreg [dreg:$0x0]  }
0x2: {  	s1 =	rddreg [dreg:$0x1]  }
0x3: {  	s2 =	simm.s32 $0x0;
	s3 =	srdreg.scid;
	s23 =	stileid.u32  }
0x4: {  	s28 =	simm.s32 $0x80;
	s30 =	simm.s32 $0x380;
	s31 =	simm.s32 $0x0  }
0x5: {  	[smem:$0x7FF] =	sst s2;
	s4 =	sadd.s32 $0x33200, s0;
	s3 =	sand.u32 $0x1, s3  }
0x6: {  	s5 =	sadd.s32 $0x2400, s0;
	s8 =	sadd.s32 $0x64000, s0;
	s9 =	smul.u32 $0x1880, s23  }
0x7: {  	s10 =	sadd.s32 $0x7C800, s0;
	s19 =	smul.u32 $0x18700, s23;
	p1 =	seq.s32 s23, $0xF  }
0x8: {  	_ =	strace $0x80000047;
	s6 =	ssub.s32 $0x2, s3;
	p0 =	seq.s32 s3, $0x1  }
0x9: {  	s7 =	sshrl.u32 s6, $0x1;
	s12 =	sor.u32 $0x10, s9;
	s3 =	sshrl.u32 s19, $0x3  }
0xa: {  	s20 =	sor.u32 $0x20, s9;
	s13 =	sadd.s32 s8, s12;
	[dreg:$0x12] =	wrdreg s3  }
0xb: {  	s22 =	sor.u32 $0x30, s9;
	s12 =	sadd.s32 s10, s12;
	[dreg:$0x3] =	wrdreg s13  }
0xc: {  	s25 =	sor.u32 $0x40, s9;
	s21 =	sadd.s32 s8, s20;
	[dreg:$0x4] =	wrdreg s12  }
0xd: {  	s29 =	sor.u32 $0x50, s9;
	s24 =	sadd.s32 s8, s22;
	[dreg:$0x5] =	wrdreg s21  }
0xe: {  	s15 =	sor.u32 $0x60, s9;
	s26 =	sadd.s32 s8, s25;
	[dreg:$0x7] =	wrdreg s24  }
0xf: {  	s11 =	ssub.s32 s6, s7;
	s14 =	sadd.s32 s8, s29;
	[dreg:$0x9] =	wrdreg s26  }
0x10: {  	s6 =	sadd.s32 s8, s9;
	s16 =	sadd.s32 s8, s15;
	[dreg:$0xb] =	wrdreg s14  }
0x11: {  	s7 =	sadd.s32 s10, s9;
	s17 =	sadd.s32 s10, s15;
	[dreg:$0xd] =	wrdreg s16  }
0x12: {  	s9 =	sor.u32 $0x70, s9;
	s13 =	sadd.s32 s10, s20;
	[dreg:$0xe] =	wrdreg s17  }
0x13: {  	s15 =	simm.s32 $0x500;
	s12 =	sadd.s32 s10, s22;
	[dreg:$0x6] =	wrdreg s13  }
0x14: {  	s8 =	sadd.s32 s8, s9;
	s18 =	sadd.s32 s10, s9;
	[dreg:$0x8] =	wrdreg s12  }
0x15: {  	s22 =	sadd.s32 s19, s1;
	s19 =	sadd.s32 $0xC5E00, s0;
	[dreg:$0xf] =	wrdreg s8  }
0x16: {  	s20 =	sadd.s32 $0x95000, s0;
	s21 =	sadd.s32 $0x60F20, s0;
	[dreg:$0x10] =	wrdreg s18  }
0x17: {  	s0 =	sadd.s32 $0x30120, s0;
	s24 =	smax.u32 s11, $0x1;
	[dreg:$0x13] =	wrdreg s19  }
0x18: {  	s26 =	sadd.s32 $0x16E900, s1;
	s9 =	simm.s32 $0x400;
	[dreg:$0x14] =	wrdreg s20  }
0x19: {  	s11 =	simm.s32 $0x480;
	s14 =	simm.s32 $0x200;
	[dreg:$0x15] =	wrdreg s21  }
0x1a: {  	s16 =	simm.s32 $0x280;
	s17 =	simm.s32 $0x580;
	[dreg:$0x16] =	wrdreg s0  }
0x1b: {  	s13 =	sadd.s32 s10, s25;
	s12 =	sadd.s32 s10, s29;
	[dreg:$0x17] =	wrdreg s24  }
0x1c: {  	s25 =	sadd.s32 s4, s3;
	[dreg:$0x19] =	wrdreg s26;
	s29 =	sadd.s32 s5, s3  }
0x1d: {  	s26 =	simm.s32 $0x300;
	s0 =	simm.s32 $0x1;
	[dreg:$0x11] =	wrdreg s22  }
.Ltmp0:
0x1e: {  	s24 =	simm.s32 $0x600;
	[dreg:$0xa] =	wrdreg s13;
	(pc) =	sbr.rel .LBB2_1-.Ltmp0, $4  }
0x1f: {  	s8 =	simm.s32 $0x100;
	s10 =	simm.s32 $0x180;
	[dreg:$0xc] =	wrdreg s12  }
0x20: {  	s18 =	simm.s32 $0x2;
	s19 =	simm.s32 $0x4600;
	[dreg:$0x18] =	wrdreg s25  }
0x21: {  	s20 =	simm.s32 $0x5600;
	s21 =	simm.s32 $0x3;
	[dreg:$0x1a] =	wrdreg s29  }
0x22: {  	s25 =	simm.s32 $0x1600;
	s12 =	simm.s32 $0x2600;
	s13 =	simm.s32 $0x3600  }
.LBB2_7:
0x23: {  	[tilespmem:s30], [sflag:$0x1] =	stream.linear.gather [hbm4b:s23+s2], $0x80, $0x38;
	[tilespmem:$0x1ED00] =	vst v63  }
0x24: {  	s23 =	rddreg [dreg:$0x14]  }
0x25: {  	s29 =	smov.u32 s5;
	s31 =	rddreg [dreg:$0x1b]  }
.LBB2_8:
0x26: {  	_ =	swait.ge [sflag:s0], $0x80  }
0x27: {  	[sflag:s0] =	ssyncset.done $0x0  }
0x28: {  	[sflag:s0] =	ssyncadd.s32 $0xFFFFFF80  }
0x29: {  	_ =	swait.ge [sflag:s0], $0x80  }
0x2a: {  	[sflag:s0] =	ssyncset.done $0x0  }
0x2b: {  	[sflag:s0] =	ssyncadd.s32 $0xFFFFFF80  }
0x2c: {  	_ =	swait.ge [sflag:s0], $0x80  }
0x2d: {  	[sflag:s0] =	ssyncset.done $0x0  }
0x2e: {  	[sflag:s0] =	ssyncadd.s32 $0xFFFFFF80  }
0x2f: {  	_ =	swait.ge [sflag:s0], $0x80  }
0x30: {  	[sflag:s0] =	ssyncset.done $0x0  }
0x31: {  	[sflag:s0] =	ssyncadd.s32 $0xFFFFFF80  }
0x32: {  	[tilespmem:s24], [sflag:$0x2] =	stream.indirect.gather [hbm4b:s29+s28], $0x20, s2, s28, $0xb8;
	[tilespmem:$0x1ED00] =	vst v63  }
0x33: {  	_ = 	snop  }
0x34: {  	[tilespmem:s25], [sflag:$0x2] =	stream.indirect.gather [hbm4b:s29+s28], $0x20, s28, s28, $0xb8;
	[tilespmem:$0x1ED00] =	vst v63  }
0x35: {  	_ =	swait.ge [sflag:s18], $0x1000  }
0x36: {  	[sflag:s18] =	ssyncset.done $0x0  }
0x37: {  	[sflag:s18] =	ssyncadd.s32 $0xFFFFF000  }
0x38: {  	_ =	swait.ge [sflag:s18], $0x1000  }
0x39: {  	[sflag:s18] =	ssyncset.done $0x0  }
0x3a: {  	[sflag:s18] =	ssyncadd.s32 $0xFFFFF000  }
0x3b: {  	[spmem:s1] =	stream.indirect.scatter.add.f32 [tilespmem:s19], [sflag:$0x3], $0x20, s15, s28, $0xb8;
	[tilespmem:$0x1ED00] =	vst v63  }
0x3c: {  	_ = 	snop  }
0x3d: {  	[spmem:s1] =	stream.indirect.scatter.add.f32 [tilespmem:s20], [sflag:$0x3], $0x20, s17, s28, $0xb8;
	[tilespmem:$0x1ED00] =	vst v63  }
0x3e: {  	_ =	swait.ge [sflag:s18], $0x1000  }
0x3f: {  	[sflag:s18] =	ssyncset.done $0x0  }
0x40: {  	[sflag:s18] =	ssyncadd.s32 $0xFFFFF000  }
0x41: {  	_ =	swait.ge [sflag:s18], $0x1000  }
0x42: {  	[sflag:s18] =	ssyncset.done $0x0  }
0x43: {  	[sflag:s18] =	ssyncadd.s32 $0xFFFFF000  }
0x44: {  	[spmem:s1] =	stream.indirect.scatter.add.f32 [tilespmem:s24], [sflag:$0x3], $0x20, s26, s28, $0xb8;
	[tilespmem:$0x1ED00] =	vst v63  }
0x45: {  	_ = 	snop  }
0x46: {  	[spmem:s1] =	stream.indirect.scatter.add.f32 [tilespmem:s25], [sflag:$0x3], $0x20, s30, s28, $0xb8;
	[tilespmem:$0x1ED00] =	vst v63  }
0x47: {  	_ =	swait.ge [sflag:s21], $0x1000  }
0x48: {  	[sflag:s21] =	ssyncset.done $0x0  }
0x49: {  	[sflag:s21] =	ssyncadd.s32 $0xFFFFF000  }
0x4a: {  	_ =	swait.ge [sflag:s21], $0x1000  }
0x4b: {  	[sflag:s21] =	ssyncset.done $0x0  }
0x4c: {  	[sflag:s21] =	ssyncadd.s32 $0xFFFFF000  }
0x4d: {  	_ =	swait.ge [sflag:s21], $0x1000  }
0x4e: {  	[sflag:s21] =	ssyncset.done $0x0  }
0x4f: {  	[sflag:s21] =	ssyncadd.s32 $0xFFFFF000  }
0x50: {  	_ =	swait.ge [sflag:s21], $0x1000  }
0x51: {  	[sflag:s21] =	ssyncset.done $0x0  }
0x52: {  	[sflag:s21] =	ssyncadd.s32 $0xFFFFF000  }
0x53: {  	_ =	swait.ge [sflag:s21], $0x1000  }
0x54: {  	[sflag:s21] =	ssyncset.done $0x0  }
0x55: {  	[sflag:s21] =	ssyncadd.s32 $0xFFFFF000  }
0x56: {  	_ =	swait.ge [sflag:s21], $0x1000  }
0x57: {  	[sflag:s21] =	ssyncset.done $0x0  }
0x58: {  	s22 =	stileid.u32;
	[sflag:s21] =	ssyncadd.s32 $0xFFFFF000  }
0x59: {  	s22 =	sshll.u32 s22, $0x6;
	s3 =	rddreg [dreg:$0x12];
	[bflag:$0x0] =	sbarrier.arrive $0xFFFF  }
0x5a: {  	s3 =	sadd.s32 s23, s3;
	s23 =	sor.u32 $0x1C04, s22;
	s22 =	rddreg [dreg:$0x11]  }
0x5b: {  	s29 =	sshrl.u32 s22, $0x3  }
0x5c: {  	[hbm:s3], [sflag:s23] =	dma.local [spmem:s29], $0x30E0  }
0x5d: {  	s23 =	simm.s32 $0x4  }
0x5e: {  	_ =	swait.ge [sflag:s23], $0x30E0  }
0x5f: {  	s31 =	sadd.s32 $0x1, s31;
	s29 =	rddreg [dreg:$0x17]  }
0x60: {  	p2 =	sne.s32 s31, s29  }
.Ltmp1:
0x61: {  	_ = 	snop;
	(pc) =	sbr.rel @!p2 .LBB2_9-.Ltmp1, $3  }
0x62: {  	_ =	sdelay $0x1  }
0x63: {  	[sflag:s23] =	ssyncset.done $0x0  }
0x64: {  	[sflag:s23] =	ssyncadd.s32 $0xFFFFCF20;
	s23 =	stileid.u32  }
.LBB2_1:
.Ltmp2:
0x65: {  	(pc) =	sbr.rel @!p0 .LBB2_2-.Ltmp2, $4  }
0x66: {  	_ = 	snop  }
0x67: {  	[dreg:$0x1b] =	wrdreg s31  }
0x68: {  	s29 =	sshll.u32 @!p1 s23, $0x6;
	s3 =	rddreg [dreg:$0x19]  }
0x69: {  	s23 =	sshrl.u32 @!p1 s22, $0x3;
	s31 =	sshrl.u32 @p1 s3, $0x3;
	s29 =	sor.u32 @!p1 $0x1C04, s29  }
0x6a: {  	s22 =	simm.s32 @p1 $0x1FC4;
	s3 =	rddreg [dreg:$0x16]  }
0x6b: {  	[spmem:s31], [sflag:s22] =	dma.local @p1 [hbm:s3], $0x3020  }
0x6c: {  	s22 =	simm.s32 @p1 $0x4  }
0x6d: {  	_ =	swait.ge @p1 [sflag:s22], $0x3020  }
0x6e: {  	[sflag:s22] =	ssyncset.done @p1 $0x0  }
0x6f: {  	s3 =	rddreg [dreg:$0x1a];
	[sflag:s22] =	ssyncadd.s32 @p1 $0xFFFFCFE0;
	s22 =	simm.s32 @!p1 $0x4  }
0x70: {  	[spmem:s23], [sflag:s29] =	dma.local @!p1 [hbm:s3], $0x30E0  }
0x71: {  	_ =	swait.ge @!p1 [sflag:s22], $0x30E0  }
0x72: {  	[sflag:s22] =	ssyncset.done @!p1 $0x0  }
0x73: {  	[sflag:s22] =	ssyncadd.s32 @!p1 $0xFFFFCF20  }
0x74: {  	s23 =	simm.s32 $0x0;
	[bflag:$0x0] =	sbarrier.arrive $0xFFFF  }
0x75: {  	[tilespmem:s23], [sflag:$0x1] =	stream.linear.gather [hbm4b:s6+s23], $0x80, $0x38;
	[tilespmem:$0x1ED00] =	vst v63  }
0x76: {  	_ = 	snop  }
0x77: {  	[tilespmem:s26], [sflag:$0x1] =	stream.linear.gather [hbm4b:s7+s23], $0x80, $0x38;
	[tilespmem:$0x1ED00] =	vst v63  }
0x78: {  	s3 =	rddreg [dreg:$0x3]  }
0x79: {  	[tilespmem:s28], [sflag:$0x1] =	stream.linear.gather [hbm4b:s3+s23], $0x80, $0x38;
	[tilespmem:$0x1ED00] =	vst v63  }
0x7a: {  	s29 =	rddreg [dreg:$0x4]  }
0x7b: {  	[tilespmem:s30], [sflag:$0x1] =	stream.linear.gather [hbm4b:s29+s23], $0x80, $0x38;
	[tilespmem:$0x1ED00] =	vst v63  }
0x7c: {  	_ =	swait.ge [sflag:s0], $0x80  }
0x7d: {  	[sflag:s0] =	ssyncset.done $0x0  }
0x7e: {  	[sflag:s0] =	ssyncadd.s32 $0xFFFFFF80  }
0x7f: {  	_ =	swait.ge [sflag:s0], $0x80  }
0x80: {  	[sflag:s0] =	ssyncset.done $0x0  }
0x81: {  	[sflag:s0] =	ssyncadd.s32 $0xFFFFFF80  }
0x82: {  	_ =	swait.ge [sflag:s0], $0x80  }
0x83: {  	[sflag:s0] =	ssyncset.done $0x0  }
0x84: {  	[sflag:s0] =	ssyncadd.s32 $0xFFFFFF80  }
0x85: {  	_ =	swait.ge [sflag:s0], $0x80  }
0x86: {  	[sflag:s0] =	ssyncset.done $0x0  }
0x87: {  	[sflag:s0] =	ssyncadd.s32 $0xFFFFFF80  }
0x88: {  	[tilespmem:s24], [sflag:$0x2] =	stream.indirect.gather [hbm4b:s5+s28], $0x20, s23, s28, $0xb8;
	[tilespmem:$0x1ED00] =	vst v63  }
0x89: {  	_ = 	snop  }
0x8a: {  	[tilespmem:s25], [sflag:$0x2] =	stream.indirect.gather [hbm4b:s5+s28], $0x20, s28, s28, $0xb8;
	[tilespmem:$0x1ED00] =	vst v63  }
0x8b: {  	s3 =	rddreg [dreg:$0x5]  }
0x8c: {  	[tilespmem:s8], [sflag:$0x1] =	stream.linear.gather [hbm4b:s3+s23], $0x80, $0x38;
	[tilespmem:$0x1ED00] =	vst v63  }
0x8d: {  	s29 =	rddreg [dreg:$0x6]  }
0x8e: {  	[tilespmem:s9], [sflag:$0x1] =	stream.linear.gather [hbm4b:s29+s23], $0x80, $0x38;
	[tilespmem:$0x1ED00] =	vst v63  }
0x8f: {  	s3 =	rddreg [dreg:$0x7]  }
0x90: {  	[tilespmem:s10], [sflag:$0x1] =	stream.linear.gather [hbm4b:s3+s23], $0x80, $0x38;
	[tilespmem:$0x1ED00] =	vst v63  }
0x91: {  	s29 =	rddreg [dreg:$0x8]  }
0x92: {  	[tilespmem:s11], [sflag:$0x1] =	stream.linear.gather [hbm4b:s29+s23], $0x80, $0x38;
	[tilespmem:$0x1ED00] =	vst v63  }
0x93: {  	_ =	swait.ge [sflag:s0], $0x80  }
0x94: {  	[sflag:s0] =	ssyncset.done $0x0  }
0x95: {  	[sflag:s0] =	ssyncadd.s32 $0xFFFFFF80  }
0x96: {  	_ =	swait.ge [sflag:s0], $0x80  }
0x97: {  	[sflag:s0] =	ssyncset.done $0x0  }
0x98: {  	[sflag:s0] =	ssyncadd.s32 $0xFFFFFF80  }
0x99: {  	_ =	swait.ge [sflag:s0], $0x80  }
0x9a: {  	[sflag:s0] =	ssyncset.done $0x0  }
0x9b: {  	[sflag:s0] =	ssyncadd.s32 $0xFFFFFF80  }
0x9c: {  	_ =	swait.ge [sflag:s0], $0x80  }
0x9d: {  	[sflag:s0] =	ssyncset.done $0x0  }
0x9e: {  	[sflag:s0] =	ssyncadd.s32 $0xFFFFFF80  }
0x9f: {  	[tilespmem:s12], [sflag:$0x2] =	stream.indirect.gather [hbm4b:s5+s28], $0x20, s8, s28, $0xb8;
	[tilespmem:$0x1ED00] =	vst v63  }
0xa0: {  	_ = 	snop  }
0xa1: {  	[tilespmem:s13], [sflag:$0x2] =	stream.indirect.gather [hbm4b:s5+s28], $0x20, s10, s28, $0xb8;
	[tilespmem:$0x1ED00] =	vst v63  }
0xa2: {  	s3 =	rddreg [dreg:$0x9]  }
0xa3: {  	[tilespmem:s14], [sflag:$0x1] =	stream.linear.gather [hbm4b:s3+s23], $0x80, $0x38;
	[tilespmem:$0x1ED00] =	vst v63  }
0xa4: {  	s29 =	rddreg [dreg:$0xa]  }
0xa5: {  	[tilespmem:s15], [sflag:$0x1] =	stream.linear.gather [hbm4b:s29+s23], $0x80, $0x38;
	[tilespmem:$0x1ED00] =	vst v63  }
0xa6: {  	s3 =	rddreg [dreg:$0xb]  }
0xa7: {  	[tilespmem:s16], [sflag:$0x1] =	stream.linear.gather [hbm4b:s3+s23], $0x80, $0x38;
	[tilespmem:$0x1ED00] =	vst v63  }
0xa8: {  	s29 =	rddreg [dreg:$0xc]  }
0xa9: {  	[tilespmem:s17], [sflag:$0x1] =	stream.linear.gather [hbm4b:s29+s23], $0x80, $0x38;
	[tilespmem:$0x1ED00] =	vst v63  }
0xaa: {  	_ =	swait.ge [sflag:s18], $0x1000  }
0xab: {  	[sflag:s18] =	ssyncset.done $0x0  }
0xac: {  	[sflag:s18] =	ssyncadd.s32 $0xFFFFF000  }
0xad: {  	_ =	swait.ge [sflag:s18], $0x1000  }
0xae: {  	[sflag:s18] =	ssyncset.done $0x0  }
0xaf: {  	[sflag:s18] =	ssyncadd.s32 $0xFFFFF000  }
0xb0: {  	[spmem:s1] =	stream.indirect.scatter.add.f32 [tilespmem:s24], [sflag:$0x3], $0x20, s26, s28, $0xb8;
	[tilespmem:$0x1ED00] =	vst v63  }
0xb1: {  	_ = 	snop  }
0xb2: {  	[spmem:s1] =	stream.indirect.scatter.add.f32 [tilespmem:s25], [sflag:$0x3], $0x20, s30, s28, $0xb8;
	[tilespmem:$0x1ED00] =	vst v63  }
0xb3: {  	_ =	swait.ge [sflag:s0], $0x80  }
0xb4: {  	[sflag:s0] =	ssyncset.done $0x0  }
0xb5: {  	[sflag:s0] =	ssyncadd.s32 $0xFFFFFF80  }
0xb6: {  	_ =	swait.ge [sflag:s0], $0x80  }
0xb7: {  	[sflag:s0] =	ssyncset.done $0x0  }
0xb8: {  	[sflag:s0] =	ssyncadd.s32 $0xFFFFFF80  }
0xb9: {  	_ =	swait.ge [sflag:s0], $0x80  }
0xba: {  	[sflag:s0] =	ssyncset.done $0x0  }
0xbb: {  	[sflag:s0] =	ssyncadd.s32 $0xFFFFFF80  }
0xbc: {  	_ =	swait.ge [sflag:s0], $0x80  }
0xbd: {  	[sflag:s0] =	ssyncset.done $0x0  }
0xbe: {  	[sflag:s0] =	ssyncadd.s32 $0xFFFFFF80  }
0xbf: {  	[tilespmem:s19], [sflag:$0x2] =	stream.indirect.gather [hbm4b:s5+s28], $0x20, s14, s28, $0xb8;
	[tilespmem:$0x1ED00] =	vst v63  }
0xc0: {  	_ = 	snop  }
0xc1: {  	[tilespmem:s20], [sflag:$0x2] =	stream.indirect.gather [hbm4b:s5+s28], $0x20, s16, s28, $0xb8;
	[tilespmem:$0x1ED00] =	vst v63  }
0xc2: {  	_ =	swait.ge [sflag:s21], $0x1000  }
0xc3: {  	[sflag:s21] =	ssyncset.done $0x0  }
0xc4: {  	[sflag:s21] =	ssyncadd.s32 $0xFFFFF000  }
0xc5: {  	_ =	swait.ge [sflag:s21], $0x1000  }
0xc6: {  	[sflag:s21] =	ssyncset.done $0x0  }
0xc7: {  	s3 =	rddreg [dreg:$0xd];
	[sflag:s21] =	ssyncadd.s32 $0xFFFFF000  }
0xc8: {  	[tilespmem:s23], [sflag:$0x1] =	stream.linear.gather [hbm4b:s3+s23], $0x80, $0x38;
	[tilespmem:$0x1ED00] =	vst v63  }
0xc9: {  	s29 =	rddreg [dreg:$0xe]  }
0xca: {  	[tilespmem:s26], [sflag:$0x1] =	stream.linear.gather [hbm4b:s29+s23], $0x80, $0x38;
	[tilespmem:$0x1ED00] =	vst v63  }
0xcb: {  	s3 =	rddreg [dreg:$0xf]  }
0xcc: {  	[tilespmem:s28], [sflag:$0x1] =	stream.linear.gather [hbm4b:s3+s23], $0x80, $0x38;
	[tilespmem:$0x1ED00] =	vst v63  }
0xcd: {  	s29 =	rddreg [dreg:$0x10]  }
0xce: {  	[tilespmem:s30], [sflag:$0x1] =	stream.linear.gather [hbm4b:s29+s23], $0x80, $0x38;
	[tilespmem:$0x1ED00] =	vst v63  }
0xcf: {  	_ =	swait.ge [sflag:s18], $0x1000  }
0xd0: {  	[sflag:s18] =	ssyncset.done $0x0  }
0xd1: {  	[sflag:s18] =	ssyncadd.s32 $0xFFFFF000  }
0xd2: {  	_ =	swait.ge [sflag:s18], $0x1000  }
0xd3: {  	[sflag:s18] =	ssyncset.done $0x0  }
0xd4: {  	[sflag:s18] =	ssyncadd.s32 $0xFFFFF000  }
0xd5: {  	[spmem:s1] =	stream.indirect.scatter.add.f32 [tilespmem:s12], [sflag:$0x3], $0x20, s9, s28, $0xb8;
	[tilespmem:$0x1ED00] =	vst v63  }
0xd6: {  	_ = 	snop  }
0xd7: {  	[spmem:s1] =	stream.indirect.scatter.add.f32 [tilespmem:s13], [sflag:$0x3], $0x20, s11, s28, $0xb8;
	[tilespmem:$0x1ED00] =	vst v63  }
0xd8: {  	_ =	swait.ge [sflag:s0], $0x80  }
0xd9: {  	[sflag:s0] =	ssyncset.done $0x0  }
0xda: {  	[sflag:s0] =	ssyncadd.s32 $0xFFFFFF80  }
0xdb: {  	_ =	swait.ge [sflag:s0], $0x80  }
0xdc: {  	[sflag:s0] =	ssyncset.done $0x0  }
0xdd: {  	[sflag:s0] =	ssyncadd.s32 $0xFFFFFF80  }
0xde: {  	_ =	swait.ge [sflag:s0], $0x80  }
0xdf: {  	[sflag:s0] =	ssyncset.done $0x0  }
0xe0: {  	[sflag:s0] =	ssyncadd.s32 $0xFFFFFF80  }
0xe1: {  	_ =	swait.ge [sflag:s0], $0x80  }
0xe2: {  	[sflag:s0] =	ssyncset.done $0x0  }
0xe3: {  	[sflag:s0] =	ssyncadd.s32 $0xFFFFFF80  }
0xe4: {  	[tilespmem:s24], [sflag:$0x2] =	stream.indirect.gather [hbm4b:s5+s28], $0x20, s2, s28, $0xb8;
	[tilespmem:$0x1ED00] =	vst v63  }
0xe5: {  	_ = 	snop  }
0xe6: {  	[tilespmem:s25], [sflag:$0x2] =	stream.indirect.gather [hbm4b:s5+s28], $0x20, s28, s28, $0xb8;
	[tilespmem:$0x1ED00] =	vst v63  }
0xe7: {  	_ =	swait.ge [sflag:s18], $0x1000  }
0xe8: {  	[sflag:s18] =	ssyncset.done $0x0  }
0xe9: {  	[sflag:s18] =	ssyncadd.s32 $0xFFFFF000  }
0xea: {  	_ =	swait.ge [sflag:s18], $0x1000  }
0xeb: {  	[sflag:s18] =	ssyncset.done $0x0  }
0xec: {  	[sflag:s18] =	ssyncadd.s32 $0xFFFFF000  }
0xed: {  	[spmem:s1] =	stream.indirect.scatter.add.f32 [tilespmem:s19], [sflag:$0x3], $0x20, s15, s28, $0xb8;
	[tilespmem:$0x1ED00] =	vst v63  }
0xee: {  	_ = 	snop  }
0xef: {  	[spmem:s1] =	stream.indirect.scatter.add.f32 [tilespmem:s20], [sflag:$0x3], $0x20, s17, s28, $0xb8;
	[tilespmem:$0x1ED00] =	vst v63  }
0xf0: {  	_ =	swait.ge [sflag:s21], $0x1000  }
0xf1: {  	[sflag:s21] =	ssyncset.done $0x0  }
0xf2: {  	[sflag:s21] =	ssyncadd.s32 $0xFFFFF000  }
0xf3: {  	_ =	swait.ge [sflag:s21], $0x1000  }
0xf4: {  	s23 =	sadd.s32 $0x0, s6;
	[sflag:s21] =	ssyncset.done $0x0  }
0xf5: {  	s29 =	sadd.s32 $0x0, s7;
	s3 =	sadd.s32 $0x80, s23;
	[sflag:s21] =	ssyncadd.s32 $0xFFFFF000  }
0xf6: {  	[tilespmem:s8], [sflag:$0x1] =	stream.linear.gather [hbm4b:s3+s2], $0x80, $0x38;
	[tilespmem:$0x1ED00] =	vst v63  }
0xf7: {  	s3 =	sadd.s32 $0x80, s29  }
0xf8: {  	[tilespmem:s9], [sflag:$0x1] =	stream.linear.gather [hbm4b:s3+s2], $0x80, $0x38;
	[tilespmem:$0x1ED00] =	vst v63  }
0xf9: {  	s3 =	sadd.s32 $0x90, s23  }
0xfa: {  	[tilespmem:s10], [sflag:$0x1] =	stream.linear.gather [hbm4b:s3+s2], $0x80, $0x38;
	[tilespmem:$0x1ED00] =	vst v63  }
0xfb: {  	s3 =	sadd.s32 $0x90, s29  }
0xfc: {  	[tilespmem:s11], [sflag:$0x1] =	stream.linear.gather [hbm4b:s3+s2], $0x80, $0x38;
	[tilespmem:$0x1ED00] =	vst v63  }
0xfd: {  	_ =	swait.ge [sflag:s0], $0x80  }
0xfe: {  	[sflag:s0] =	ssyncset.done $0x0  }
0xff: {  	[sflag:s0] =	ssyncadd.s32 $0xFFFFFF80  }
0x100: {  	_ =	swait.ge [sflag:s0], $0x80  }
0x101: {  	[sflag:s0] =	ssyncset.done $0x0  }
0x102: {  	[sflag:s0] =	ssyncadd.s32 $0xFFFFFF80  }
0x103: {  	_ =	swait.ge [sflag:s0], $0x80  }
0x104: {  	[sflag:s0] =	ssyncset.done $0x0  }
0x105: {  	[sflag:s0] =	ssyncadd.s32 $0xFFFFFF80  }
0x106: {  	_ =	swait.ge [sflag:s0], $0x80  }
0x107: {  	[sflag:s0] =	ssyncset.done $0x0  }
0x108: {  	[sflag:s0] =	ssyncadd.s32 $0xFFFFFF80  }
0x109: {  	[tilespmem:s12], [sflag:$0x2] =	stream.indirect.gather [hbm4b:s5+s28], $0x20, s8, s28, $0xb8;
	[tilespmem:$0x1ED00] =	vst v63  }
0x10a: {  	_ = 	snop  }
0x10b: {  	[tilespmem:s13], [sflag:$0x2] =	stream.indirect.gather [hbm4b:s5+s28], $0x20, s10, s28, $0xb8;
	[tilespmem:$0x1ED00] =	vst v63  }
0x10c: {  	_ =	swait.ge [sflag:s18], $0x1000  }
0x10d: {  	[sflag:s18] =	ssyncset.done $0x0  }
0x10e: {  	[sflag:s18] =	ssyncadd.s32 $0xFFFFF000  }
0x10f: {  	_ =	swait.ge [sflag:s18], $0x1000  }
0x110: {  	[sflag:s18] =	ssyncset.done $0x0  }
0x111: {  	[sflag:s18] =	ssyncadd.s32 $0xFFFFF000  }
0x112: {  	[spmem:s1] =	stream.indirect.scatter.add.f32 [tilespmem:s24], [sflag:$0x3], $0x20, s26, s28, $0xb8;
	[tilespmem:$0x1ED00] =	vst v63  }
0x113: {  	_ = 	snop  }
0x114: {  	[spmem:s1] =	stream.indirect.scatter.add.f32 [tilespmem:s25], [sflag:$0x3], $0x20, s30, s28, $0xb8;
	[tilespmem:$0x1ED00] =	vst v63  }
0x115: {  	_ =	swait.ge [sflag:s21], $0x1000  }
0x116: {  	[sflag:s21] =	ssyncset.done $0x0  }
0x117: {  	[sflag:s21] =	ssyncadd.s32 $0xFFFFF000  }
0x118: {  	_ =	swait.ge [sflag:s21], $0x1000  }
0x119: {  	[sflag:s21] =	ssyncset.done $0x0  }
0x11a: {  	s3 =	sadd.s32 $0xA0, s23;
	[sflag:s21] =	ssyncadd.s32 $0xFFFFF000  }
0x11b: {  	[tilespmem:s14], [sflag:$0x1] =	stream.linear.gather [hbm4b:s3+s2], $0x80, $0x38;
	[tilespmem:$0x1ED00] =	vst v63  }
0x11c: {  	s3 =	sadd.s32 $0xA0, s29  }
0x11d: {  	[tilespmem:s15], [sflag:$0x1] =	stream.linear.gather [hbm4b:s3+s2], $0x80, $0x38;
	[tilespmem:$0x1ED00] =	vst v63  }
0x11e: {  	s3 =	sadd.s32 $0xB0, s23  }
0x11f: {  	[tilespmem:s16], [sflag:$0x1] =	stream.linear.gather [hbm4b:s3+s2], $0x80, $0x38;
	[tilespmem:$0x1ED00] =	vst v63  }
0x120: {  	s3 =	sadd.s32 $0xB0, s29  }
0x121: {  	[tilespmem:s17], [sflag:$0x1] =	stream.linear.gather [hbm4b:s3+s2], $0x80, $0x38;
	[tilespmem:$0x1ED00] =	vst v63  }
0x122: {  	_ =	swait.ge [sflag:s0], $0x80  }
0x123: {  	[sflag:s0] =	ssyncset.done $0x0  }
0x124: {  	[sflag:s0] =	ssyncadd.s32 $0xFFFFFF80  }
0x125: {  	_ =	swait.ge [sflag:s0], $0x80  }
0x126: {  	[sflag:s0] =	ssyncset.done $0x0  }
0x127: {  	[sflag:s0] =	ssyncadd.s32 $0xFFFFFF80  }
0x128: {  	_ =	swait.ge [sflag:s0], $0x80  }
0x129: {  	[sflag:s0] =	ssyncset.done $0x0  }
0x12a: {  	[sflag:s0] =	ssyncadd.s32 $0xFFFFFF80  }
0x12b: {  	_ =	swait.ge [sflag:s0], $0x80  }
0x12c: {  	[sflag:s0] =	ssyncset.done $0x0  }
0x12d: {  	[sflag:s0] =	ssyncadd.s32 $0xFFFFFF80  }
0x12e: {  	[tilespmem:s19], [sflag:$0x2] =	stream.indirect.gather [hbm4b:s5+s28], $0x20, s14, s28, $0xb8;
	[tilespmem:$0x1ED00] =	vst v63  }
0x12f: {  	_ = 	snop  }
0x130: {  	[tilespmem:s20], [sflag:$0x2] =	stream.indirect.gather [hbm4b:s5+s28], $0x20, s16, s28, $0xb8;
	[tilespmem:$0x1ED00] =	vst v63  }
0x131: {  	_ =	swait.ge [sflag:s18], $0x1000  }
0x132: {  	[sflag:s18] =	ssyncset.done $0x0  }
0x133: {  	[sflag:s18] =	ssyncadd.s32 $0xFFFFF000  }
0x134: {  	_ =	swait.ge [sflag:s18], $0x1000  }
0x135: {  	[sflag:s18] =	ssyncset.done $0x0  }
0x136: {  	[sflag:s18] =	ssyncadd.s32 $0xFFFFF000  }
0x137: {  	[spmem:s1] =	stream.indirect.scatter.add.f32 [tilespmem:s12], [sflag:$0x3], $0x20, s9, s28, $0xb8;
	[tilespmem:$0x1ED00] =	vst v63  }
0x138: {  	_ = 	snop  }
0x139: {  	[spmem:s1] =	stream.indirect.scatter.add.f32 [tilespmem:s13], [sflag:$0x3], $0x20, s11, s28, $0xb8;
	[tilespmem:$0x1ED00] =	vst v63  }
0x13a: {  	_ =	swait.ge [sflag:s21], $0x1000  }
0x13b: {  	[sflag:s21] =	ssyncset.done $0x0  }
0x13c: {  	[sflag:s21] =	ssyncadd.s32 $0xFFFFF000  }
0x13d: {  	_ =	swait.ge [sflag:s21], $0x1000  }
0x13e: {  	[sflag:s21] =	ssyncset.done $0x0  }
0x13f: {  	s3 =	sadd.s32 $0xC0, s23;
	[sflag:s21] =	ssyncadd.s32 $0xFFFFF000  }
0x140: {  	[tilespmem:s2], [sflag:$0x1] =	stream.linear.gather [hbm4b:s3+s2], $0x80, $0x38;
	[tilespmem:$0x1ED00] =	vst v63  }
0x141: {  	s3 =	sadd.s32 $0xC0, s29  }
0x142: {  	[tilespmem:s26], [sflag:$0x1] =	stream.linear.gather [hbm4b:s3+s2], $0x80, $0x38;
	[tilespmem:$0x1ED00] =	vst v63  }
0x143: {  	s23 =	sadd.s32 $0xD0, s23  }
0x144: {  	[tilespmem:s28], [sflag:$0x1] =	stream.linear.gather [hbm4b:s23+s2], $0x80, $0x38;
	[tilespmem:$0x1ED00] =	vst v63  }
0x145: {  	s31 =	simm.s32 $0x60;
	s23 =	sadd.s32 $0xD0, s29  }
.LBB2_6:
0x146: {  	[tilespmem:s30], [sflag:$0x1] =	stream.linear.gather [hbm4b:s23+s2], $0x80, $0x38;
	[tilespmem:$0x1ED00] =	vst v63  }
0x147: {  	s29 =	smov.u32 s31  }
0x148: {  	p2 =	sne.s32 s31, $0x17A0;
	s31 =	sadd.s32 $0x60, s31;
	_ =	swait.ge [sflag:s0], $0x80  }
0x149: {  	[sflag:s0] =	ssyncset.done $0x0  }
0x14a: {  	[sflag:s0] =	ssyncadd.s32 $0xFFFFFF80  }
0x14b: {  	_ =	swait.ge [sflag:s0], $0x80  }
0x14c: {  	[sflag:s0] =	ssyncset.done $0x0  }
0x14d: {  	[sflag:s0] =	ssyncadd.s32 $0xFFFFFF80  }
0x14e: {  	_ =	swait.ge [sflag:s0], $0x80  }
0x14f: {  	[sflag:s0] =	ssyncset.done $0x0  }
0x150: {  	[sflag:s0] =	ssyncadd.s32 $0xFFFFFF80  }
0x151: {  	_ =	swait.ge [sflag:s0], $0x80  }
0x152: {  	[sflag:s0] =	ssyncset.done $0x0  }
0x153: {  	[sflag:s0] =	ssyncadd.s32 $0xFFFFFF80  }
0x154: {  	[tilespmem:s24], [sflag:$0x2] =	stream.indirect.gather [hbm4b:s5+s28], $0x20, s2, s28, $0xb8;
	[tilespmem:$0x1ED00] =	vst v63  }
0x155: {  	_ = 	snop  }
0x156: {  	[tilespmem:s25], [sflag:$0x2] =	stream.indirect.gather [hbm4b:s5+s28], $0x20, s28, s28, $0xb8;
	[tilespmem:$0x1ED00] =	vst v63  }
0x157: {  	_ =	swait.ge [sflag:s18], $0x1000  }
0x158: {  	[sflag:s18] =	ssyncset.done $0x0  }
0x159: {  	[sflag:s18] =	ssyncadd.s32 $0xFFFFF000  }
0x15a: {  	_ =	swait.ge [sflag:s18], $0x1000  }
0x15b: {  	[sflag:s18] =	ssyncset.done $0x0  }
0x15c: {  	[sflag:s18] =	ssyncadd.s32 $0xFFFFF000  }
0x15d: {  	[spmem:s1] =	stream.indirect.scatter.add.f32 [tilespmem:s19], [sflag:$0x3], $0x20, s15, s28, $0xb8;
	[tilespmem:$0x1ED00] =	vst v63  }
0x15e: {  	_ = 	snop  }
0x15f: {  	[spmem:s1] =	stream.indirect.scatter.add.f32 [tilespmem:s20], [sflag:$0x3], $0x20, s17, s28, $0xb8;
	[tilespmem:$0x1ED00] =	vst v63  }
0x160: {  	_ =	swait.ge [sflag:s21], $0x1000  }
0x161: {  	[sflag:s21] =	ssyncset.done $0x0  }
0x162: {  	[sflag:s21] =	ssyncadd.s32 $0xFFFFF000  }
0x163: {  	_ =	swait.ge [sflag:s21], $0x1000  }
0x164: {  	s23 =	sadd.s32 s29, s6;
	[sflag:s21] =	ssyncset.done $0x0  }
0x165: {  	s29 =	sadd.s32 s29, s7;
	s22 =	sadd.s32 $0x80, s23;
	[sflag:s21] =	ssyncadd.s32 $0xFFFFF000  }
0x166: {  	[tilespmem:s8], [sflag:$0x1] =	stream.linear.gather [hbm4b:s22+s2], $0x80, $0x38;
	[tilespmem:$0x1ED00] =	vst v63  }
0x167: {  	s22 =	sadd.s32 $0x80, s29  }
0x168: {  	[tilespmem:s9], [sflag:$0x1] =	stream.linear.gather [hbm4b:s22+s2], $0x80, $0x38;
	[tilespmem:$0x1ED00] =	vst v63  }
0x169: {  	s22 =	sadd.s32 $0x90, s23  }
0x16a: {  	[tilespmem:s10], [sflag:$0x1] =	stream.linear.gather [hbm4b:s22+s2], $0x80, $0x38;
	[tilespmem:$0x1ED00] =	vst v63  }
0x16b: {  	s22 =	sadd.s32 $0x90, s29  }
0x16c: {  	[tilespmem:s11], [sflag:$0x1] =	stream.linear.gather [hbm4b:s22+s2], $0x80, $0x38;
	[tilespmem:$0x1ED00] =	vst v63  }
0x16d: {  	_ =	swait.ge [sflag:s0], $0x80  }
0x16e: {  	[sflag:s0] =	ssyncset.done $0x0  }
0x16f: {  	[sflag:s0] =	ssyncadd.s32 $0xFFFFFF80  }
0x170: {  	_ =	swait.ge [sflag:s0], $0x80  }
0x171: {  	[sflag:s0] =	ssyncset.done $0x0  }
0x172: {  	[sflag:s0] =	ssyncadd.s32 $0xFFFFFF80  }
0x173: {  	_ =	swait.ge [sflag:s0], $0x80  }
0x174: {  	[sflag:s0] =	ssyncset.done $0x0  }
0x175: {  	[sflag:s0] =	ssyncadd.s32 $0xFFFFFF80  }
0x176: {  	_ =	swait.ge [sflag:s0], $0x80  }
0x177: {  	[sflag:s0] =	ssyncset.done $0x0  }
0x178: {  	[sflag:s0] =	ssyncadd.s32 $0xFFFFFF80  }
0x179: {  	[tilespmem:s12], [sflag:$0x2] =	stream.indirect.gather [hbm4b:s5+s28], $0x20, s8, s28, $0xb8;
	[tilespmem:$0x1ED00] =	vst v63  }
0x17a: {  	_ = 	snop  }
0x17b: {  	[tilespmem:s13], [sflag:$0x2] =	stream.indirect.gather [hbm4b:s5+s28], $0x20, s10, s28, $0xb8;
	[tilespmem:$0x1ED00] =	vst v63  }
0x17c: {  	_ =	swait.ge [sflag:s18], $0x1000  }
0x17d: {  	[sflag:s18] =	ssyncset.done $0x0  }
0x17e: {  	[sflag:s18] =	ssyncadd.s32 $0xFFFFF000  }
0x17f: {  	_ =	swait.ge [sflag:s18], $0x1000  }
0x180: {  	[sflag:s18] =	ssyncset.done $0x0  }
0x181: {  	[sflag:s18] =	ssyncadd.s32 $0xFFFFF000  }
0x182: {  	[spmem:s1] =	stream.indirect.scatter.add.f32 [tilespmem:s24], [sflag:$0x3], $0x20, s26, s28, $0xb8;
	[tilespmem:$0x1ED00] =	vst v63  }
0x183: {  	_ = 	snop  }
0x184: {  	[spmem:s1] =	stream.indirect.scatter.add.f32 [tilespmem:s25], [sflag:$0x3], $0x20, s30, s28, $0xb8;
	[tilespmem:$0x1ED00] =	vst v63  }
0x185: {  	_ =	swait.ge [sflag:s21], $0x1000  }
0x186: {  	[sflag:s21] =	ssyncset.done $0x0  }
0x187: {  	[sflag:s21] =	ssyncadd.s32 $0xFFFFF000  }
0x188: {  	_ =	swait.ge [sflag:s21], $0x1000  }
0x189: {  	[sflag:s21] =	ssyncset.done $0x0  }
0x18a: {  	s22 =	sadd.s32 $0xA0, s23;
	[sflag:s21] =	ssyncadd.s32 $0xFFFFF000  }
0x18b: {  	[tilespmem:s14], [sflag:$0x1] =	stream.linear.gather [hbm4b:s22+s2], $0x80, $0x38;
	[tilespmem:$0x1ED00] =	vst v63  }
0x18c: {  	s22 =	sadd.s32 $0xA0, s29  }
0x18d: {  	[tilespmem:s15], [sflag:$0x1] =	stream.linear.gather [hbm4b:s22+s2], $0x80, $0x38;
	[tilespmem:$0x1ED00] =	vst v63  }
0x18e: {  	s22 =	sadd.s32 $0xB0, s23  }
0x18f: {  	[tilespmem:s16], [sflag:$0x1] =	stream.linear.gather [hbm4b:s22+s2], $0x80, $0x38;
	[tilespmem:$0x1ED00] =	vst v63  }
0x190: {  	s22 =	sadd.s32 $0xB0, s29  }
0x191: {  	[tilespmem:s17], [sflag:$0x1] =	stream.linear.gather [hbm4b:s22+s2], $0x80, $0x38;
	[tilespmem:$0x1ED00] =	vst v63  }
0x192: {  	_ =	swait.ge [sflag:s0], $0x80  }
0x193: {  	[sflag:s0] =	ssyncset.done $0x0  }
0x194: {  	[sflag:s0] =	ssyncadd.s32 $0xFFFFFF80  }
0x195: {  	_ =	swait.ge [sflag:s0], $0x80  }
0x196: {  	[sflag:s0] =	ssyncset.done $0x0  }
0x197: {  	[sflag:s0] =	ssyncadd.s32 $0xFFFFFF80  }
0x198: {  	_ =	swait.ge [sflag:s0], $0x80  }
0x199: {  	[sflag:s0] =	ssyncset.done $0x0  }
0x19a: {  	[sflag:s0] =	ssyncadd.s32 $0xFFFFFF80  }
0x19b: {  	_ =	swait.ge [sflag:s0], $0x80  }
0x19c: {  	[sflag:s0] =	ssyncset.done $0x0  }
0x19d: {  	[sflag:s0] =	ssyncadd.s32 $0xFFFFFF80  }
0x19e: {  	[tilespmem:s19], [sflag:$0x2] =	stream.indirect.gather [hbm4b:s5+s28], $0x20, s14, s28, $0xb8;
	[tilespmem:$0x1ED00] =	vst v63  }
0x19f: {  	_ = 	snop  }
0x1a0: {  	[tilespmem:s20], [sflag:$0x2] =	stream.indirect.gather [hbm4b:s5+s28], $0x20, s16, s28, $0xb8;
	[tilespmem:$0x1ED00] =	vst v63  }
0x1a1: {  	_ =	swait.ge [sflag:s18], $0x1000  }
0x1a2: {  	[sflag:s18] =	ssyncset.done $0x0  }
0x1a3: {  	[sflag:s18] =	ssyncadd.s32 $0xFFFFF000  }
0x1a4: {  	_ =	swait.ge [sflag:s18], $0x1000  }
0x1a5: {  	[sflag:s18] =	ssyncset.done $0x0  }
0x1a6: {  	[sflag:s18] =	ssyncadd.s32 $0xFFFFF000  }
0x1a7: {  	[spmem:s1] =	stream.indirect.scatter.add.f32 [tilespmem:s12], [sflag:$0x3], $0x20, s9, s28, $0xb8;
	[tilespmem:$0x1ED00] =	vst v63  }
0x1a8: {  	_ = 	snop  }
0x1a9: {  	[spmem:s1] =	stream.indirect.scatter.add.f32 [tilespmem:s13], [sflag:$0x3], $0x20, s11, s28, $0xb8;
	[tilespmem:$0x1ED00] =	vst v63  }
0x1aa: {  	_ =	swait.ge [sflag:s21], $0x1000  }
0x1ab: {  	[sflag:s21] =	ssyncset.done $0x0  }
0x1ac: {  	[sflag:s21] =	ssyncadd.s32 $0xFFFFF000  }
0x1ad: {  	_ =	swait.ge [sflag:s21], $0x1000  }
0x1ae: {  	[sflag:s21] =	ssyncset.done $0x0  }
0x1af: {  	s22 =	sadd.s32 $0xC0, s23;
	[sflag:s21] =	ssyncadd.s32 $0xFFFFF000  }
0x1b0: {  	[tilespmem:s2], [sflag:$0x1] =	stream.linear.gather [hbm4b:s22+s2], $0x80, $0x38;
	[tilespmem:$0x1ED00] =	vst v63  }
.Ltmp3:
0x1b1: {  	s22 =	sadd.s32 $0xC0, s29;
	(pc) =	sbr.rel @p2 .LBB2_6-.Ltmp3, $4  }
0x1b2: {  	[tilespmem:s26], [sflag:$0x1] =	stream.linear.gather [hbm4b:s22+s2], $0x80, $0x38;
	[tilespmem:$0x1ED00] =	vst v63  }
0x1b3: {  	s22 =	sadd.s32 $0xD0, s23  }
0x1b4: {  	[tilespmem:s28], [sflag:$0x1] =	stream.linear.gather [hbm4b:s22+s2], $0x80, $0x38;
	[tilespmem:$0x1ED00] =	vst v63  }
0x1b5: {  	s23 =	sadd.s32 $0xD0, s29  }
.Ltmp4:
0x1b6: {  	_ = 	snop;
	(pc) =	sbr.rel .LBB2_7-.Ltmp4, $1  }
0x1b7: {  	_ =	sdelay $0x3  }
.LBB2_2:
0x1b8: {  	s22 =	simm.s32 @p1 $0x1FC4;
	s3 =	rddreg [dreg:$0x15]  }
0x1b9: {  	[spmem:s31], [sflag:s22] =	dma.local @p1 [hbm:s3], $0x3020  }
0x1ba: {  	s22 =	simm.s32 @p1 $0x4  }
0x1bb: {  	_ =	swait.ge @p1 [sflag:s22], $0x3020  }
0x1bc: {  	[sflag:s22] =	ssyncset.done @p1 $0x0  }
0x1bd: {  	s3 =	rddreg [dreg:$0x18];
	[sflag:s22] =	ssyncadd.s32 @p1 $0xFFFFCFE0;
	s22 =	simm.s32 @!p1 $0x4  }
0x1be: {  	[spmem:s23], [sflag:s29] =	dma.local @!p1 [hbm:s3], $0x30E0  }
0x1bf: {  	_ =	swait.ge @!p1 [sflag:s22], $0x30E0  }
0x1c0: {  	[sflag:s22] =	ssyncset.done @!p1 $0x0  }
0x1c1: {  	[sflag:s22] =	ssyncadd.s32 @!p1 $0xFFFFCF20  }
0x1c2: {  	s23 =	simm.s32 $0x0;
	[bflag:$0x0] =	sbarrier.arrive $0xFFFF  }
0x1c3: {  	[tilespmem:s23], [sflag:$0x1] =	stream.linear.gather [hbm4b:s6+s23], $0x80, $0x38;
	[tilespmem:$0x1ED00] =	vst v63  }
0x1c4: {  	_ = 	snop  }
0x1c5: {  	[tilespmem:s26], [sflag:$0x1] =	stream.linear.gather [hbm4b:s7+s23], $0x80, $0x38;
	[tilespmem:$0x1ED00] =	vst v63  }
0x1c6: {  	s3 =	rddreg [dreg:$0x3]  }
0x1c7: {  	[tilespmem:s28], [sflag:$0x1] =	stream.linear.gather [hbm4b:s3+s23], $0x80, $0x38;
	[tilespmem:$0x1ED00] =	vst v63  }
0x1c8: {  	s29 =	rddreg [dreg:$0x4]  }
0x1c9: {  	[tilespmem:s30], [sflag:$0x1] =	stream.linear.gather [hbm4b:s29+s23], $0x80, $0x38;
	[tilespmem:$0x1ED00] =	vst v63  }
0x1ca: {  	_ =	swait.ge [sflag:s0], $0x80  }
0x1cb: {  	[sflag:s0] =	ssyncset.done $0x0  }
0x1cc: {  	[sflag:s0] =	ssyncadd.s32 $0xFFFFFF80  }
0x1cd: {  	_ =	swait.ge [sflag:s0], $0x80  }
0x1ce: {  	[sflag:s0] =	ssyncset.done $0x0  }
0x1cf: {  	[sflag:s0] =	ssyncadd.s32 $0xFFFFFF80  }
0x1d0: {  	_ =	swait.ge [sflag:s0], $0x80  }
0x1d1: {  	[sflag:s0] =	ssyncset.done $0x0  }
0x1d2: {  	[sflag:s0] =	ssyncadd.s32 $0xFFFFFF80  }
0x1d3: {  	_ =	swait.ge [sflag:s0], $0x80  }
0x1d4: {  	[sflag:s0] =	ssyncset.done $0x0  }
0x1d5: {  	[sflag:s0] =	ssyncadd.s32 $0xFFFFFF80  }
0x1d6: {  	[tilespmem:s24], [sflag:$0x2] =	stream.indirect.gather [hbm4b:s4+s28], $0x20, s23, s28, $0xb8;
	[tilespmem:$0x1ED00] =	vst v63  }
0x1d7: {  	_ = 	snop  }
0x1d8: {  	[tilespmem:s25], [sflag:$0x2] =	stream.indirect.gather [hbm4b:s4+s28], $0x20, s28, s28, $0xb8;
	[tilespmem:$0x1ED00] =	vst v63  }
0x1d9: {  	s3 =	rddreg [dreg:$0x5]  }
0x1da: {  	[tilespmem:s8], [sflag:$0x1] =	stream.linear.gather [hbm4b:s3+s23], $0x80, $0x38;
	[tilespmem:$0x1ED00] =	vst v63  }
0x1db: {  	s29 =	rddreg [dreg:$0x6]  }
0x1dc: {  	[tilespmem:s9], [sflag:$0x1] =	stream.linear.gather [hbm4b:s29+s23], $0x80, $0x38;
	[tilespmem:$0x1ED00] =	vst v63  }
0x1dd: {  	s3 =	rddreg [dreg:$0x7]  }
0x1de: {  	[tilespmem:s10], [sflag:$0x1] =	stream.linear.gather [hbm4b:s3+s23], $0x80, $0x38;
	[tilespmem:$0x1ED00] =	vst v63  }
0x1df: {  	s29 =	rddreg [dreg:$0x8]  }
0x1e0: {  	[tilespmem:s11], [sflag:$0x1] =	stream.linear.gather [hbm4b:s29+s23], $0x80, $0x38;
	[tilespmem:$0x1ED00] =	vst v63  }
0x1e1: {  	_ =	swait.ge [sflag:s0], $0x80  }
0x1e2: {  	[sflag:s0] =	ssyncset.done $0x0  }
0x1e3: {  	[sflag:s0] =	ssyncadd.s32 $0xFFFFFF80  }
0x1e4: {  	_ =	swait.ge [sflag:s0], $0x80  }
0x1e5: {  	[sflag:s0] =	ssyncset.done $0x0  }
0x1e6: {  	[sflag:s0] =	ssyncadd.s32 $0xFFFFFF80  }
0x1e7: {  	_ =	swait.ge [sflag:s0], $0x80  }
0x1e8: {  	[sflag:s0] =	ssyncset.done $0x0  }
0x1e9: {  	[sflag:s0] =	ssyncadd.s32 $0xFFFFFF80  }
0x1ea: {  	_ =	swait.ge [sflag:s0], $0x80  }
0x1eb: {  	[sflag:s0] =	ssyncset.done $0x0  }
0x1ec: {  	[sflag:s0] =	ssyncadd.s32 $0xFFFFFF80  }
0x1ed: {  	[tilespmem:s12], [sflag:$0x2] =	stream.indirect.gather [hbm4b:s4+s28], $0x20, s8, s28, $0xb8;
	[tilespmem:$0x1ED00] =	vst v63  }
0x1ee: {  	_ = 	snop  }
0x1ef: {  	[tilespmem:s13], [sflag:$0x2] =	stream.indirect.gather [hbm4b:s4+s28], $0x20, s10, s28, $0xb8;
	[tilespmem:$0x1ED00] =	vst v63  }
0x1f0: {  	s3 =	rddreg [dreg:$0x9]  }
0x1f1: {  	[tilespmem:s14], [sflag:$0x1] =	stream.linear.gather [hbm4b:s3+s23], $0x80, $0x38;
	[tilespmem:$0x1ED00] =	vst v63  }
0x1f2: {  	s29 =	rddreg [dreg:$0xa]  }
0x1f3: {  	[tilespmem:s15], [sflag:$0x1] =	stream.linear.gather [hbm4b:s29+s23], $0x80, $0x38;
	[tilespmem:$0x1ED00] =	vst v63  }
0x1f4: {  	s3 =	rddreg [dreg:$0xb]  }
0x1f5: {  	[tilespmem:s16], [sflag:$0x1] =	stream.linear.gather [hbm4b:s3+s23], $0x80, $0x38;
	[tilespmem:$0x1ED00] =	vst v63  }
0x1f6: {  	s29 =	rddreg [dreg:$0xc]  }
0x1f7: {  	[tilespmem:s17], [sflag:$0x1] =	stream.linear.gather [hbm4b:s29+s23], $0x80, $0x38;
	[tilespmem:$0x1ED00] =	vst v63  }
0x1f8: {  	_ =	swait.ge [sflag:s18], $0x1000  }
0x1f9: {  	[sflag:s18] =	ssyncset.done $0x0  }
0x1fa: {  	[sflag:s18] =	ssyncadd.s32 $0xFFFFF000  }
0x1fb: {  	_ =	swait.ge [sflag:s18], $0x1000  }
0x1fc: {  	[sflag:s18] =	ssyncset.done $0x0  }
0x1fd: {  	[sflag:s18] =	ssyncadd.s32 $0xFFFFF000  }
0x1fe: {  	[spmem:s1] =	stream.indirect.scatter.add.f32 [tilespmem:s24], [sflag:$0x3], $0x20, s26, s28, $0xb8;
	[tilespmem:$0x1ED00] =	vst v63  }
0x1ff: {  	_ = 	snop  }
0x200: {  	[spmem:s1] =	stream.indirect.scatter.add.f32 [tilespmem:s25], [sflag:$0x3], $0x20, s30, s28, $0xb8;
	[tilespmem:$0x1ED00] =	vst v63  }
0x201: {  	_ =	swait.ge [sflag:s0], $0x80  }
0x202: {  	[sflag:s0] =	ssyncset.done $0x0  }
0x203: {  	[sflag:s0] =	ssyncadd.s32 $0xFFFFFF80  }
0x204: {  	_ =	swait.ge [sflag:s0], $0x80  }
0x205: {  	[sflag:s0] =	ssyncset.done $0x0  }
0x206: {  	[sflag:s0] =	ssyncadd.s32 $0xFFFFFF80  }
0x207: {  	_ =	swait.ge [sflag:s0], $0x80  }
0x208: {  	[sflag:s0] =	ssyncset.done $0x0  }
0x209: {  	[sflag:s0] =	ssyncadd.s32 $0xFFFFFF80  }
0x20a: {  	_ =	swait.ge [sflag:s0], $0x80  }
0x20b: {  	[sflag:s0] =	ssyncset.done $0x0  }
0x20c: {  	[sflag:s0] =	ssyncadd.s32 $0xFFFFFF80  }
0x20d: {  	[tilespmem:s19], [sflag:$0x2] =	stream.indirect.gather [hbm4b:s4+s28], $0x20, s14, s28, $0xb8;
	[tilespmem:$0x1ED00] =	vst v63  }
0x20e: {  	_ = 	snop  }
0x20f: {  	[tilespmem:s20], [sflag:$0x2] =	stream.indirect.gather [hbm4b:s4+s28], $0x20, s16, s28, $0xb8;
	[tilespmem:$0x1ED00] =	vst v63  }
0x210: {  	_ =	swait.ge [sflag:s21], $0x1000  }
0x211: {  	[sflag:s21] =	ssyncset.done $0x0  }
0x212: {  	[sflag:s21] =	ssyncadd.s32 $0xFFFFF000  }
0x213: {  	_ =	swait.ge [sflag:s21], $0x1000  }
0x214: {  	[sflag:s21] =	ssyncset.done $0x0  }
0x215: {  	s3 =	rddreg [dreg:$0xd];
	[sflag:s21] =	ssyncadd.s32 $0xFFFFF000  }
0x216: {  	[tilespmem:s23], [sflag:$0x1] =	stream.linear.gather [hbm4b:s3+s23], $0x80, $0x38;
	[tilespmem:$0x1ED00] =	vst v63  }
0x217: {  	s29 =	rddreg [dreg:$0xe]  }
0x218: {  	[tilespmem:s26], [sflag:$0x1] =	stream.linear.gather [hbm4b:s29+s23], $0x80, $0x38;
	[tilespmem:$0x1ED00] =	vst v63  }
0x219: {  	s3 =	rddreg [dreg:$0xf]  }
0x21a: {  	[tilespmem:s28], [sflag:$0x1] =	stream.linear.gather [hbm4b:s3+s23], $0x80, $0x38;
	[tilespmem:$0x1ED00] =	vst v63  }
0x21b: {  	s29 =	rddreg [dreg:$0x10]  }
0x21c: {  	[tilespmem:s30], [sflag:$0x1] =	stream.linear.gather [hbm4b:s29+s23], $0x80, $0x38;
	[tilespmem:$0x1ED00] =	vst v63  }
0x21d: {  	_ =	swait.ge [sflag:s18], $0x1000  }
0x21e: {  	[sflag:s18] =	ssyncset.done $0x0  }
0x21f: {  	[sflag:s18] =	ssyncadd.s32 $0xFFFFF000  }
0x220: {  	_ =	swait.ge [sflag:s18], $0x1000  }
0x221: {  	[sflag:s18] =	ssyncset.done $0x0  }
0x222: {  	[sflag:s18] =	ssyncadd.s32 $0xFFFFF000  }
0x223: {  	[spmem:s1] =	stream.indirect.scatter.add.f32 [tilespmem:s12], [sflag:$0x3], $0x20, s9, s28, $0xb8;
	[tilespmem:$0x1ED00] =	vst v63  }
0x224: {  	_ = 	snop  }
0x225: {  	[spmem:s1] =	stream.indirect.scatter.add.f32 [tilespmem:s13], [sflag:$0x3], $0x20, s11, s28, $0xb8;
	[tilespmem:$0x1ED00] =	vst v63  }
0x226: {  	_ =	swait.ge [sflag:s0], $0x80  }
0x227: {  	[sflag:s0] =	ssyncset.done $0x0  }
0x228: {  	[sflag:s0] =	ssyncadd.s32 $0xFFFFFF80  }
0x229: {  	_ =	swait.ge [sflag:s0], $0x80  }
0x22a: {  	[sflag:s0] =	ssyncset.done $0x0  }
0x22b: {  	[sflag:s0] =	ssyncadd.s32 $0xFFFFFF80  }
0x22c: {  	_ =	swait.ge [sflag:s0], $0x80  }
0x22d: {  	[sflag:s0] =	ssyncset.done $0x0  }
0x22e: {  	[sflag:s0] =	ssyncadd.s32 $0xFFFFFF80  }
0x22f: {  	_ =	swait.ge [sflag:s0], $0x80  }
0x230: {  	[sflag:s0] =	ssyncset.done $0x0  }
0x231: {  	[sflag:s0] =	ssyncadd.s32 $0xFFFFFF80  }
0x232: {  	[tilespmem:s24], [sflag:$0x2] =	stream.indirect.gather [hbm4b:s4+s28], $0x20, s2, s28, $0xb8;
	[tilespmem:$0x1ED00] =	vst v63  }
0x233: {  	_ = 	snop  }
0x234: {  	[tilespmem:s25], [sflag:$0x2] =	stream.indirect.gather [hbm4b:s4+s28], $0x20, s28, s28, $0xb8;
	[tilespmem:$0x1ED00] =	vst v63  }
0x235: {  	_ =	swait.ge [sflag:s18], $0x1000  }
0x236: {  	[sflag:s18] =	ssyncset.done $0x0  }
0x237: {  	[sflag:s18] =	ssyncadd.s32 $0xFFFFF000  }
0x238: {  	_ =	swait.ge [sflag:s18], $0x1000  }
0x239: {  	[sflag:s18] =	ssyncset.done $0x0  }
0x23a: {  	[sflag:s18] =	ssyncadd.s32 $0xFFFFF000  }
0x23b: {  	[spmem:s1] =	stream.indirect.scatter.add.f32 [tilespmem:s19], [sflag:$0x3], $0x20, s15, s28, $0xb8;
	[tilespmem:$0x1ED00] =	vst v63  }
0x23c: {  	_ = 	snop  }
0x23d: {  	[spmem:s1] =	stream.indirect.scatter.add.f32 [tilespmem:s20], [sflag:$0x3], $0x20, s17, s28, $0xb8;
	[tilespmem:$0x1ED00] =	vst v63  }
0x23e: {  	_ =	swait.ge [sflag:s21], $0x1000  }
0x23f: {  	[sflag:s21] =	ssyncset.done $0x0  }
0x240: {  	[sflag:s21] =	ssyncadd.s32 $0xFFFFF000  }
0x241: {  	_ =	swait.ge [sflag:s21], $0x1000  }
0x242: {  	s23 =	sadd.s32 $0x0, s6;
	[sflag:s21] =	ssyncset.done $0x0  }
0x243: {  	s29 =	sadd.s32 $0x0, s7;
	s3 =	sadd.s32 $0x80, s23;
	[sflag:s21] =	ssyncadd.s32 $0xFFFFF000  }
0x244: {  	[tilespmem:s8], [sflag:$0x1] =	stream.linear.gather [hbm4b:s3+s2], $0x80, $0x38;
	[tilespmem:$0x1ED00] =	vst v63  }
0x245: {  	s3 =	sadd.s32 $0x80, s29  }
0x246: {  	[tilespmem:s9], [sflag:$0x1] =	stream.linear.gather [hbm4b:s3+s2], $0x80, $0x38;
	[tilespmem:$0x1ED00] =	vst v63  }
0x247: {  	s3 =	sadd.s32 $0x90, s23  }
0x248: {  	[tilespmem:s10], [sflag:$0x1] =	stream.linear.gather [hbm4b:s3+s2], $0x80, $0x38;
	[tilespmem:$0x1ED00] =	vst v63  }
0x249: {  	s3 =	sadd.s32 $0x90, s29  }
0x24a: {  	[tilespmem:s11], [sflag:$0x1] =	stream.linear.gather [hbm4b:s3+s2], $0x80, $0x38;
	[tilespmem:$0x1ED00] =	vst v63  }
0x24b: {  	_ =	swait.ge [sflag:s0], $0x80  }
0x24c: {  	[sflag:s0] =	ssyncset.done $0x0  }
0x24d: {  	[sflag:s0] =	ssyncadd.s32 $0xFFFFFF80  }
0x24e: {  	_ =	swait.ge [sflag:s0], $0x80  }
0x24f: {  	[sflag:s0] =	ssyncset.done $0x0  }
0x250: {  	[sflag:s0] =	ssyncadd.s32 $0xFFFFFF80  }
0x251: {  	_ =	swait.ge [sflag:s0], $0x80  }
0x252: {  	[sflag:s0] =	ssyncset.done $0x0  }
0x253: {  	[sflag:s0] =	ssyncadd.s32 $0xFFFFFF80  }
0x254: {  	_ =	swait.ge [sflag:s0], $0x80  }
0x255: {  	[sflag:s0] =	ssyncset.done $0x0  }
0x256: {  	[sflag:s0] =	ssyncadd.s32 $0xFFFFFF80  }
0x257: {  	[tilespmem:s12], [sflag:$0x2] =	stream.indirect.gather [hbm4b:s4+s28], $0x20, s8, s28, $0xb8;
	[tilespmem:$0x1ED00] =	vst v63  }
0x258: {  	_ = 	snop  }
0x259: {  	[tilespmem:s13], [sflag:$0x2] =	stream.indirect.gather [hbm4b:s4+s28], $0x20, s10, s28, $0xb8;
	[tilespmem:$0x1ED00] =	vst v63  }
0x25a: {  	_ =	swait.ge [sflag:s18], $0x1000  }
0x25b: {  	[sflag:s18] =	ssyncset.done $0x0  }
0x25c: {  	[sflag:s18] =	ssyncadd.s32 $0xFFFFF000  }
0x25d: {  	_ =	swait.ge [sflag:s18], $0x1000  }
0x25e: {  	[sflag:s18] =	ssyncset.done $0x0  }
0x25f: {  	[sflag:s18] =	ssyncadd.s32 $0xFFFFF000  }
0x260: {  	[spmem:s1] =	stream.indirect.scatter.add.f32 [tilespmem:s24], [sflag:$0x3], $0x20, s26, s28, $0xb8;
	[tilespmem:$0x1ED00] =	vst v63  }
0x261: {  	_ = 	snop  }
0x262: {  	[spmem:s1] =	stream.indirect.scatter.add.f32 [tilespmem:s25], [sflag:$0x3], $0x20, s30, s28, $0xb8;
	[tilespmem:$0x1ED00] =	vst v63  }
0x263: {  	_ =	swait.ge [sflag:s21], $0x1000  }
0x264: {  	[sflag:s21] =	ssyncset.done $0x0  }
0x265: {  	[sflag:s21] =	ssyncadd.s32 $0xFFFFF000  }
0x266: {  	_ =	swait.ge [sflag:s21], $0x1000  }
0x267: {  	[sflag:s21] =	ssyncset.done $0x0  }
0x268: {  	s3 =	sadd.s32 $0xA0, s23;
	[sflag:s21] =	ssyncadd.s32 $0xFFFFF000  }
0x269: {  	[tilespmem:s14], [sflag:$0x1] =	stream.linear.gather [hbm4b:s3+s2], $0x80, $0x38;
	[tilespmem:$0x1ED00] =	vst v63  }
0x26a: {  	s3 =	sadd.s32 $0xA0, s29  }
0x26b: {  	[tilespmem:s15], [sflag:$0x1] =	stream.linear.gather [hbm4b:s3+s2], $0x80, $0x38;
	[tilespmem:$0x1ED00] =	vst v63  }
0x26c: {  	s3 =	sadd.s32 $0xB0, s23  }
0x26d: {  	[tilespmem:s16], [sflag:$0x1] =	stream.linear.gather [hbm4b:s3+s2], $0x80, $0x38;
	[tilespmem:$0x1ED00] =	vst v63  }
0x26e: {  	s3 =	sadd.s32 $0xB0, s29  }
0x26f: {  	[tilespmem:s17], [sflag:$0x1] =	stream.linear.gather [hbm4b:s3+s2], $0x80, $0x38;
	[tilespmem:$0x1ED00] =	vst v63  }
0x270: {  	_ =	swait.ge [sflag:s0], $0x80  }
0x271: {  	[sflag:s0] =	ssyncset.done $0x0  }
0x272: {  	[sflag:s0] =	ssyncadd.s32 $0xFFFFFF80  }
0x273: {  	_ =	swait.ge [sflag:s0], $0x80  }
0x274: {  	[sflag:s0] =	ssyncset.done $0x0  }
0x275: {  	[sflag:s0] =	ssyncadd.s32 $0xFFFFFF80  }
0x276: {  	_ =	swait.ge [sflag:s0], $0x80  }
0x277: {  	[sflag:s0] =	ssyncset.done $0x0  }
0x278: {  	[sflag:s0] =	ssyncadd.s32 $0xFFFFFF80  }
0x279: {  	_ =	swait.ge [sflag:s0], $0x80  }
0x27a: {  	[sflag:s0] =	ssyncset.done $0x0  }
0x27b: {  	[sflag:s0] =	ssyncadd.s32 $0xFFFFFF80  }
0x27c: {  	[tilespmem:s19], [sflag:$0x2] =	stream.indirect.gather [hbm4b:s4+s28], $0x20, s14, s28, $0xb8;
	[tilespmem:$0x1ED00] =	vst v63  }
0x27d: {  	_ = 	snop  }
0x27e: {  	[tilespmem:s20], [sflag:$0x2] =	stream.indirect.gather [hbm4b:s4+s28], $0x20, s16, s28, $0xb8;
	[tilespmem:$0x1ED00] =	vst v63  }
0x27f: {  	_ =	swait.ge [sflag:s18], $0x1000  }
0x280: {  	[sflag:s18] =	ssyncset.done $0x0  }
0x281: {  	[sflag:s18] =	ssyncadd.s32 $0xFFFFF000  }
0x282: {  	_ =	swait.ge [sflag:s18], $0x1000  }
0x283: {  	[sflag:s18] =	ssyncset.done $0x0  }
0x284: {  	[sflag:s18] =	ssyncadd.s32 $0xFFFFF000  }
0x285: {  	[spmem:s1] =	stream.indirect.scatter.add.f32 [tilespmem:s12], [sflag:$0x3], $0x20, s9, s28, $0xb8;
	[tilespmem:$0x1ED00] =	vst v63  }
0x286: {  	_ = 	snop  }
0x287: {  	[spmem:s1] =	stream.indirect.scatter.add.f32 [tilespmem:s13], [sflag:$0x3], $0x20, s11, s28, $0xb8;
	[tilespmem:$0x1ED00] =	vst v63  }
0x288: {  	_ =	swait.ge [sflag:s21], $0x1000  }
0x289: {  	[sflag:s21] =	ssyncset.done $0x0  }
0x28a: {  	[sflag:s21] =	ssyncadd.s32 $0xFFFFF000  }
0x28b: {  	_ =	swait.ge [sflag:s21], $0x1000  }
0x28c: {  	[sflag:s21] =	ssyncset.done $0x0  }
0x28d: {  	s3 =	sadd.s32 $0xC0, s23;
	[sflag:s21] =	ssyncadd.s32 $0xFFFFF000  }
0x28e: {  	[tilespmem:s2], [sflag:$0x1] =	stream.linear.gather [hbm4b:s3+s2], $0x80, $0x38;
	[tilespmem:$0x1ED00] =	vst v63  }
0x28f: {  	s3 =	sadd.s32 $0xC0, s29  }
0x290: {  	[tilespmem:s26], [sflag:$0x1] =	stream.linear.gather [hbm4b:s3+s2], $0x80, $0x38;
	[tilespmem:$0x1ED00] =	vst v63  }
0x291: {  	s23 =	sadd.s32 $0xD0, s23  }
0x292: {  	[tilespmem:s28], [sflag:$0x1] =	stream.linear.gather [hbm4b:s23+s2], $0x80, $0x38;
	[tilespmem:$0x1ED00] =	vst v63  }
0x293: {  	s31 =	simm.s32 $0x60;
	s23 =	sadd.s32 $0xD0, s29  }
.LBB2_3:
0x294: {  	[tilespmem:s30], [sflag:$0x1] =	stream.linear.gather [hbm4b:s23+s2], $0x80, $0x38;
	[tilespmem:$0x1ED00] =	vst v63  }
0x295: {  	s29 =	smov.u32 s31  }
0x296: {  	p2 =	seq.s32 s31, $0x17A0;
	s31 =	sadd.s32 $0x60, s31;
	_ =	swait.ge [sflag:s0], $0x80  }
0x297: {  	[sflag:s0] =	ssyncset.done $0x0  }
0x298: {  	[sflag:s0] =	ssyncadd.s32 $0xFFFFFF80  }
0x299: {  	_ =	swait.ge [sflag:s0], $0x80  }
0x29a: {  	[sflag:s0] =	ssyncset.done $0x0  }
0x29b: {  	[sflag:s0] =	ssyncadd.s32 $0xFFFFFF80  }
0x29c: {  	_ =	swait.ge [sflag:s0], $0x80  }
0x29d: {  	[sflag:s0] =	ssyncset.done $0x0  }
0x29e: {  	[sflag:s0] =	ssyncadd.s32 $0xFFFFFF80  }
0x29f: {  	_ =	swait.ge [sflag:s0], $0x80  }
0x2a0: {  	[sflag:s0] =	ssyncset.done $0x0  }
0x2a1: {  	[sflag:s0] =	ssyncadd.s32 $0xFFFFFF80  }
0x2a2: {  	[tilespmem:s24], [sflag:$0x2] =	stream.indirect.gather [hbm4b:s4+s28], $0x20, s2, s28, $0xb8;
	[tilespmem:$0x1ED00] =	vst v63  }
0x2a3: {  	_ = 	snop  }
0x2a4: {  	[tilespmem:s25], [sflag:$0x2] =	stream.indirect.gather [hbm4b:s4+s28], $0x20, s28, s28, $0xb8;
	[tilespmem:$0x1ED00] =	vst v63  }
0x2a5: {  	_ =	swait.ge [sflag:s18], $0x1000  }
0x2a6: {  	[sflag:s18] =	ssyncset.done $0x0  }
0x2a7: {  	[sflag:s18] =	ssyncadd.s32 $0xFFFFF000  }
0x2a8: {  	_ =	swait.ge [sflag:s18], $0x1000  }
0x2a9: {  	[sflag:s18] =	ssyncset.done $0x0  }
0x2aa: {  	[sflag:s18] =	ssyncadd.s32 $0xFFFFF000  }
0x2ab: {  	[spmem:s1] =	stream.indirect.scatter.add.f32 [tilespmem:s19], [sflag:$0x3], $0x20, s15, s28, $0xb8;
	[tilespmem:$0x1ED00] =	vst v63  }
0x2ac: {  	_ = 	snop  }
0x2ad: {  	[spmem:s1] =	stream.indirect.scatter.add.f32 [tilespmem:s20], [sflag:$0x3], $0x20, s17, s28, $0xb8;
	[tilespmem:$0x1ED00] =	vst v63  }
0x2ae: {  	_ =	swait.ge [sflag:s21], $0x1000  }
0x2af: {  	[sflag:s21] =	ssyncset.done $0x0  }
0x2b0: {  	[sflag:s21] =	ssyncadd.s32 $0xFFFFF000  }
0x2b1: {  	_ =	swait.ge [sflag:s21], $0x1000  }
0x2b2: {  	s23 =	sadd.s32 s29, s6;
	[sflag:s21] =	ssyncset.done $0x0  }
0x2b3: {  	s29 =	sadd.s32 s29, s7;
	s22 =	sadd.s32 $0x80, s23;
	[sflag:s21] =	ssyncadd.s32 $0xFFFFF000  }
0x2b4: {  	[tilespmem:s8], [sflag:$0x1] =	stream.linear.gather [hbm4b:s22+s2], $0x80, $0x38;
	[tilespmem:$0x1ED00] =	vst v63  }
0x2b5: {  	s22 =	sadd.s32 $0x80, s29  }
0x2b6: {  	[tilespmem:s9], [sflag:$0x1] =	stream.linear.gather [hbm4b:s22+s2], $0x80, $0x38;
	[tilespmem:$0x1ED00] =	vst v63  }
0x2b7: {  	s22 =	sadd.s32 $0x90, s23  }
0x2b8: {  	[tilespmem:s10], [sflag:$0x1] =	stream.linear.gather [hbm4b:s22+s2], $0x80, $0x38;
	[tilespmem:$0x1ED00] =	vst v63  }
0x2b9: {  	s22 =	sadd.s32 $0x90, s29  }
0x2ba: {  	[tilespmem:s11], [sflag:$0x1] =	stream.linear.gather [hbm4b:s22+s2], $0x80, $0x38;
	[tilespmem:$0x1ED00] =	vst v63  }
0x2bb: {  	_ =	swait.ge [sflag:s0], $0x80  }
0x2bc: {  	[sflag:s0] =	ssyncset.done $0x0  }
0x2bd: {  	[sflag:s0] =	ssyncadd.s32 $0xFFFFFF80  }
0x2be: {  	_ =	swait.ge [sflag:s0], $0x80  }
0x2bf: {  	[sflag:s0] =	ssyncset.done $0x0  }
0x2c0: {  	[sflag:s0] =	ssyncadd.s32 $0xFFFFFF80  }
0x2c1: {  	_ =	swait.ge [sflag:s0], $0x80  }
0x2c2: {  	[sflag:s0] =	ssyncset.done $0x0  }
0x2c3: {  	[sflag:s0] =	ssyncadd.s32 $0xFFFFFF80  }
0x2c4: {  	_ =	swait.ge [sflag:s0], $0x80  }
0x2c5: {  	[sflag:s0] =	ssyncset.done $0x0  }
0x2c6: {  	[sflag:s0] =	ssyncadd.s32 $0xFFFFFF80  }
0x2c7: {  	[tilespmem:s12], [sflag:$0x2] =	stream.indirect.gather [hbm4b:s4+s28], $0x20, s8, s28, $0xb8;
	[tilespmem:$0x1ED00] =	vst v63  }
0x2c8: {  	_ = 	snop  }
0x2c9: {  	[tilespmem:s13], [sflag:$0x2] =	stream.indirect.gather [hbm4b:s4+s28], $0x20, s10, s28, $0xb8;
	[tilespmem:$0x1ED00] =	vst v63  }
0x2ca: {  	_ =	swait.ge [sflag:s18], $0x1000  }
0x2cb: {  	[sflag:s18] =	ssyncset.done $0x0  }
0x2cc: {  	[sflag:s18] =	ssyncadd.s32 $0xFFFFF000  }
0x2cd: {  	_ =	swait.ge [sflag:s18], $0x1000  }
0x2ce: {  	[sflag:s18] =	ssyncset.done $0x0  }
0x2cf: {  	[sflag:s18] =	ssyncadd.s32 $0xFFFFF000  }
0x2d0: {  	[spmem:s1] =	stream.indirect.scatter.add.f32 [tilespmem:s24], [sflag:$0x3], $0x20, s26, s28, $0xb8;
	[tilespmem:$0x1ED00] =	vst v63  }
0x2d1: {  	_ = 	snop  }
0x2d2: {  	[spmem:s1] =	stream.indirect.scatter.add.f32 [tilespmem:s25], [sflag:$0x3], $0x20, s30, s28, $0xb8;
	[tilespmem:$0x1ED00] =	vst v63  }
0x2d3: {  	_ =	swait.ge [sflag:s21], $0x1000  }
0x2d4: {  	[sflag:s21] =	ssyncset.done $0x0  }
0x2d5: {  	[sflag:s21] =	ssyncadd.s32 $0xFFFFF000  }
0x2d6: {  	_ =	swait.ge [sflag:s21], $0x1000  }
0x2d7: {  	[sflag:s21] =	ssyncset.done $0x0  }
0x2d8: {  	s22 =	sadd.s32 $0xA0, s23;
	[sflag:s21] =	ssyncadd.s32 $0xFFFFF000  }
0x2d9: {  	[tilespmem:s14], [sflag:$0x1] =	stream.linear.gather [hbm4b:s22+s2], $0x80, $0x38;
	[tilespmem:$0x1ED00] =	vst v63  }
0x2da: {  	s22 =	sadd.s32 $0xA0, s29  }
0x2db: {  	[tilespmem:s15], [sflag:$0x1] =	stream.linear.gather [hbm4b:s22+s2], $0x80, $0x38;
	[tilespmem:$0x1ED00] =	vst v63  }
0x2dc: {  	s22 =	sadd.s32 $0xB0, s23  }
0x2dd: {  	[tilespmem:s16], [sflag:$0x1] =	stream.linear.gather [hbm4b:s22+s2], $0x80, $0x38;
	[tilespmem:$0x1ED00] =	vst v63  }
0x2de: {  	s22 =	sadd.s32 $0xB0, s29  }
0x2df: {  	[tilespmem:s17], [sflag:$0x1] =	stream.linear.gather [hbm4b:s22+s2], $0x80, $0x38;
	[tilespmem:$0x1ED00] =	vst v63  }
0x2e0: {  	_ =	swait.ge [sflag:s0], $0x80  }
0x2e1: {  	[sflag:s0] =	ssyncset.done $0x0  }
0x2e2: {  	[sflag:s0] =	ssyncadd.s32 $0xFFFFFF80  }
0x2e3: {  	_ =	swait.ge [sflag:s0], $0x80  }
0x2e4: {  	[sflag:s0] =	ssyncset.done $0x0  }
0x2e5: {  	[sflag:s0] =	ssyncadd.s32 $0xFFFFFF80  }
0x2e6: {  	_ =	swait.ge [sflag:s0], $0x80  }
0x2e7: {  	[sflag:s0] =	ssyncset.done $0x0  }
0x2e8: {  	[sflag:s0] =	ssyncadd.s32 $0xFFFFFF80  }
0x2e9: {  	_ =	swait.ge [sflag:s0], $0x80  }
0x2ea: {  	[sflag:s0] =	ssyncset.done $0x0  }
0x2eb: {  	[sflag:s0] =	ssyncadd.s32 $0xFFFFFF80  }
0x2ec: {  	[tilespmem:s19], [sflag:$0x2] =	stream.indirect.gather [hbm4b:s4+s28], $0x20, s14, s28, $0xb8;
	[tilespmem:$0x1ED00] =	vst v63  }
0x2ed: {  	_ = 	snop  }
0x2ee: {  	[tilespmem:s20], [sflag:$0x2] =	stream.indirect.gather [hbm4b:s4+s28], $0x20, s16, s28, $0xb8;
	[tilespmem:$0x1ED00] =	vst v63  }
0x2ef: {  	_ =	swait.ge [sflag:s18], $0x1000  }
0x2f0: {  	[sflag:s18] =	ssyncset.done $0x0  }
0x2f1: {  	[sflag:s18] =	ssyncadd.s32 $0xFFFFF000  }
0x2f2: {  	_ =	swait.ge [sflag:s18], $0x1000  }
0x2f3: {  	[sflag:s18] =	ssyncset.done $0x0  }
0x2f4: {  	[sflag:s18] =	ssyncadd.s32 $0xFFFFF000  }
0x2f5: {  	[spmem:s1] =	stream.indirect.scatter.add.f32 [tilespmem:s12], [sflag:$0x3], $0x20, s9, s28, $0xb8;
	[tilespmem:$0x1ED00] =	vst v63  }
0x2f6: {  	_ = 	snop  }
0x2f7: {  	[spmem:s1] =	stream.indirect.scatter.add.f32 [tilespmem:s13], [sflag:$0x3], $0x20, s11, s28, $0xb8;
	[tilespmem:$0x1ED00] =	vst v63  }
0x2f8: {  	_ =	swait.ge [sflag:s21], $0x1000  }
0x2f9: {  	[sflag:s21] =	ssyncset.done $0x0  }
0x2fa: {  	[sflag:s21] =	ssyncadd.s32 $0xFFFFF000  }
0x2fb: {  	_ =	swait.ge [sflag:s21], $0x1000  }
0x2fc: {  	[sflag:s21] =	ssyncset.done $0x0  }
0x2fd: {  	s22 =	sadd.s32 $0xC0, s23;
	[sflag:s21] =	ssyncadd.s32 $0xFFFFF000  }
0x2fe: {  	[tilespmem:s2], [sflag:$0x1] =	stream.linear.gather [hbm4b:s22+s2], $0x80, $0x38;
	[tilespmem:$0x1ED00] =	vst v63  }
.Ltmp5:
0x2ff: {  	s22 =	sadd.s32 $0xC0, s29;
	(pc) =	sbr.rel @!p2 .LBB2_3-.Ltmp5, $4  }
0x300: {  	[tilespmem:s26], [sflag:$0x1] =	stream.linear.gather [hbm4b:s22+s2], $0x80, $0x38;
	[tilespmem:$0x1ED00] =	vst v63  }
0x301: {  	s22 =	sadd.s32 $0xD0, s23  }
0x302: {  	[tilespmem:s28], [sflag:$0x1] =	stream.linear.gather [hbm4b:s22+s2], $0x80, $0x38;
	[tilespmem:$0x1ED00] =	vst v63  }
0x303: {  	s23 =	sadd.s32 $0xD0, s29  }
.Ltmp6:
0x304: {  	(pc) =	sbr.rel .LBB2_8-.Ltmp6, $4  }
0x305: {  	_ = 	snop  }
0x306: {  	[tilespmem:s30], [sflag:$0x1] =	stream.linear.gather [hbm4b:s23+s2], $0x80, $0x38;
	[tilespmem:$0x1ED00] =	vst v63  }
0x307: {  	s23 =	rddreg [dreg:$0x13]  }
0x308: {  	s29 =	smov.u32 s4;
	s31 =	rddreg [dreg:$0x1b]  }
.LBB2_9:
0x309: {  	_ =	sfence.sel $0x180000  }
0x30a: {  	[bflag:$0x0] =	sbarrier.arrive $0xFFFF  }
0x30b: {  	_ =	strace $0x90000047  }
0x30c: {  	[bflag:$0x2] =	sbarrier.arrive $0xFFFF  }
0x30d: {  	p0 =	sne.s32 s23, $0x0;
	s0 =	rddreg [dreg:$0x2]  }
0x30e: {  	s0 =	sadd.s32 @!p0 $0x100000, s0  }
0x30f: {  	[sflag:s0] =	ssyncadd.tile.s32 @!p0 $0x1;
	_ =	shalt  }
.Lfunc_end2:
_tile_overlayer_lowered:
.L_overlay_start_2:
0x310: {  	(tag) =	ssettag $0x2  }
0x311: {  	s0 =	rddreg [dreg:$0x0];
	s2 =	stileid.u32  }
0x312: {  	s1 =	rddreg [dreg:$0x1];
	p0 =	sne.s32 s2, $0x0  }
0x313: {  	s3 =	rddreg [dreg:$0x2];
	[bflag:$0x3] =	sbarrier.arrive $0xFFFF;
	s2 =	simm.s32 @!p0 $0x1C04  }
0x314: {  	[timem:s3], [sflag:s2] =	dma.local @!p0 [hbm:s0], s1  }
0x315: {  	s0 =	simm.s32 @!p0 $0x4  }
0x316: {  	_ =	swait.ge @!p0 [sflag:s0], s1  }
0x317: {  	s1 =	ssub.s32 @!p0 $0x0, s1;
	[sflag:s0] =	ssyncset.done @!p0 $0x0  }
0x318: {  	[sflag:s0] =	ssyncadd.s32 @!p0 s1  }
0x319: {  	[bflag:$0x3] =	sbarrier.arrive $0xFFFF  }
0x31a: {  	_ =	shalt  }

</sc_bundles>
